<compile_context>
chip_gen: v7x
topology: tpu7x:2x2x1
jax: 0.10.2.dev20260603
libtpu: 0.0.44.dev20260713+nightly
codegen_flags: <defaults>
</compile_context>

<pallas_src>
import functools

import jax
import jax.numpy as jnp
import numpy as np
from jax import lax
from jax.experimental import pallas as pl
from jax.experimental.pallas import tpu as pltpu
from jax.experimental.pallas import tpu_sc as plsc

_NUM_T = 49
_MASK_ID = 1024
_D = 256
_B = 128
_S = 128
_N = _B * _S
_NTOK = _MASK_ID + 1
_TOK_PAD = 1152
_T_PAD = 64
_TBLK = 64
_CAT = _TOK_PAD + _T_PAD
_NC = 1
_NS = 16
_NW = _NC * _NS
_EPW = _N // _NW
_BPW = _B // _NW
_NVEC = _EPW // 16



def _tf_rounds(x0, x1, rots):
    for r in rots:
        x0 = (x0 + x1).astype(np.uint32)
        x1 = ((x1 << np.uint32(r)) | (x1 >> np.uint32(32 - r))).astype(np.uint32)
        x1 = (x0 ^ x1).astype(np.uint32)
    return x0, x1


def _threefry2x32(k1, k2, x0, x1):
    r1 = (13, 15, 26, 6)
    r2 = (17, 29, 16, 24)
    ks0 = np.uint32(k1)
    ks1 = np.uint32(k2)
    ks2 = np.uint32(ks0 ^ ks1 ^ np.uint32(0x1BD11BDA))
    x0 = (x0 + ks0).astype(np.uint32)
    x1 = (x1 + ks1).astype(np.uint32)
    sched = [(r1, ks1, ks2), (r2, ks2, ks0), (r1, ks0, ks1),
             (r2, ks1, ks2), (r1, ks2, ks0)]
    for i, (rots, a, b) in enumerate(sched):
        x0, x1 = _tf_rounds(x0, x1, rots)
        x0 = (x0 + a).astype(np.uint32)
        x1 = (x1 + b + np.uint32(i + 1)).astype(np.uint32)
    return x0, x1


def _random_bits32(k1, k2, n):
    b1, b2 = _threefry2x32(k1, k2, np.zeros(n, np.uint32),
                           np.arange(n, dtype=np.uint32))
    return (b1 ^ b2).astype(np.uint32)


def _rng_consts():
    k1, k2 = np.uint32(0), np.uint32(42)
    sb1, sb2 = _threefry2x32(k1, k2, np.zeros(2, np.uint32),
                             np.arange(2, dtype=np.uint32))
    kt = (sb1[0], sb2[0])
    km = (sb1[1], sb2[1])
    rb1, rb2 = _threefry2x32(kt[0], kt[1], np.zeros(2, np.uint32),
                             np.arange(2, dtype=np.uint32))
    higher = _random_bits32(rb1[0], rb2[0], _B)
    lower = _random_bits32(rb1[1], rb2[1], _B)
    span = np.uint32(_NUM_T)
    mult = np.uint32((np.uint64(np.uint32(65536) % span) *
                      np.uint64(np.uint32(65536) % span)) % span)
    unbiased = ((higher % span) * mult + (lower % span)) % span
    t = (1 + unbiased.astype(np.int32)).astype(np.int32)
    ubits = _random_bits32(km[0], km[1], _N)
    fbits = ((ubits >> np.uint32(9)) | np.uint32(0x3F800000)).view(np.float32)
    u = (fbits - np.float32(1.0)).reshape(_B, _S)
    mask = u < (t.astype(np.float32).reshape(_B, 1) / np.float32(_NUM_T))
    return t, mask



def _g_table_body(table_ref, tt_ref, w1_ref, w2_ref, o_ref, mm_ref, tw1t_ref):
    @pl.when(pl.program_id(0) == 0)
    def _():
        w1v = w1_ref[...]
        mm_ref[pl.ds(0, _NTOK), :] = jnp.dot(
            table_ref[...], w1v, preferred_element_type=jnp.float32)
        mm_ref[pl.ds(_TOK_PAD, _NUM_T), :] = jnp.dot(
            tt_ref[...], w1v, preferred_element_type=jnp.float32)
        tw1t_ref[...] = mm_ref[:_TOK_PAD, :].T

    i = pl.program_id(0)
    tw1t = tw1t_ref[...]
    tt1t = mm_ref[pl.ds(_TOK_PAD + i * _TBLK, _TBLK), :].T
    w2r = w2_ref[...].T
    for j in range(_TBLK):
        h = jnp.maximum(tw1t + tt1t[:, j:j + 1], 0.0)
        o_ref[j, :] = jnp.dot(w2r, h, preferred_element_type=jnp.float32)[0]


def _build_g(table, t_table, w1, w2):
    return pl.pallas_call(
        _g_table_body,
        grid=(_T_PAD // _TBLK,),
        in_specs=[
            pl.BlockSpec((_NTOK, _D), lambda i: (0, 0)),
            pl.BlockSpec((_NUM_T, _D), lambda i: (0, 0)),
            pl.BlockSpec((_D, _D), lambda i: (0, 0)),
            pl.BlockSpec((_D, 1), lambda i: (0, 0)),
        ],
        out_specs=pl.BlockSpec((_TBLK, _TOK_PAD), lambda i: (i, 0)),
        out_shape=jax.ShapeDtypeStruct((_T_PAD, _TOK_PAD), jnp.float32),
        scratch_shapes=[pltpu.VMEM((_CAT, _D), jnp.float32),
                        pltpu.VMEM((_D, _TOK_PAD), jnp.float32)],
    )(table, t_table, w1, w2)



def _sc_loss_body(g_hbm, x_hbm, m_hbm, rows_hbm, out_hbm,
                  gv, xv, mv, rv, av, sem, sem_x, sem_m):
    wid = lax.axis_index("s") * _NC + lax.axis_index("c")
    x_cp = pltpu.async_copy(x_hbm.at[pl.ds(wid * _BPW, _BPW)], xv, sem_x)
    m_cp = pltpu.async_copy(m_hbm.at[wid], mv, sem_m)
    pltpu.sync_copy(rows_hbm.at[wid], rv)
    g_cp = pltpu.async_copy(g_hbm.at[rv], gv, sem)
    x_cp.wait()
    m_cp.wait()
    g_cp.wait()
    acc = jnp.zeros((16,), jnp.float32)
    for i in range(_NVEC):
        xs = xv[i // (_S // 16), 0, pl.ds((i % (_S // 16)) * 16, 16)]
        ms = mv[pl.ds(i * 16, 16)]
        masked = ms != 0
        row = jnp.full((16,), i // (_S // 16), jnp.int32)
        col = jnp.where(masked, _MASK_ID, xs)
        val = plsc.load_gather(gv, [row, col])
        ign = jnp.where(masked, xs.astype(jnp.float32), jnp.float32(-1.0))
        acc = acc + jnp.abs(val - ign)
    av[...] = acc
    pltpu.sync_copy(av, out_hbm.at[wid])


def _sc_loss(g, x, mask_c, rows_c):
    mesh = plsc.VectorSubcoreMesh(core_axis_name="c", subcore_axis_name="s", num_cores=1)
    run = functools.partial(
        pl.kernel,
        out_type=jax.ShapeDtypeStruct((_NW, 16), jnp.float32),
        mesh=mesh,
        compiler_params=pltpu.CompilerParams(needs_layout_passes=False),
        scratch_types=[
            pltpu.VMEM((8, _TOK_PAD), jnp.float32),
            pltpu.VMEM((_BPW, 1, _S), jnp.int32),
            pltpu.VMEM((_EPW,), jnp.int32),
            pltpu.VMEM((8,), jnp.int32),
            pltpu.VMEM((16,), jnp.float32),
            pltpu.SemaphoreType.DMA,
            pltpu.SemaphoreType.DMA,
            pltpu.SemaphoreType.DMA,
        ],
    )(_sc_loss_body)
    return run(g, x, mask_c, rows_c)


def kernel(x, table, t_table, W1, w2):
    t_np, mask_np = _rng_consts()
    r_np = (t_np - 1).astype(np.int32)
    rows_c = np.zeros((_NW, 8), np.int32)
    rows_c[:, :_BPW] = r_np.reshape(_NW, _BPW)
    mask_c = mask_np.reshape(_NW, _EPW).astype(np.int32)

    g = _build_g(table, t_table, W1, w2)
    partials = _sc_loss(g, x, mask_c, rows_c)
    return jnp.sum(partials) / np.float32(_N)

# --- scband reference (transcript-rebuilt; emitter-appended) ---
"""Pipeline reference for scband-absorbing-diffusion1-d-34548716929340 (READ-ONLY COPY).

The authoritative reference and input builder live on the scoring server;
editing this copy changes nothing except your own understanding.
"""

import jax, jax.numpy as jnp
import numpy as np

NUM_TIMESTEPS = 49
MASK_ID = 1024
D = 256
B = 128
S = 128


def setup_inputs(seed: int = 0) -> dict:
    key = jax.random.key(seed)
    k1, k2, k3, k4, k5 = jax.random.split(key, 5)
    # discrete token latents x_0 in [0, MASK_ID)
    x = jax.random.randint(k1, (B, 1, S), 0, MASK_ID, dtype=jnp.int32)
    # denoiser parameters (simple token-MLP denoiser with time embedding)
    table = jax.random.normal(k2, (MASK_ID + 1, D), dtype=jnp.float32) * 0.02
    t_table = jax.random.normal(k3, (NUM_TIMESTEPS, D), dtype=jnp.float32) * 0.02
    W1 = jax.random.normal(k4, (D, D), dtype=jnp.float32) * 0.05
    w2 = jax.random.normal(k5, (D, 1), dtype=jnp.float32) * 0.05
    return {"x": x, "table": table, "t_table": t_table, "W1": W1, "w2": w2}


def denoise_fn(x_t, t, table, t_table, W1, w2):
    # embedding gather over tokens (SparseCore-friendly)
    emb = jnp.take(table, x_t, axis=0)            # [B,1,S,D]
    temb = jnp.take(t_table, t - 1, axis=0)       # [B,D]
    temb = temb[:, None, None, :]                 # [B,1,1,D]
    h = jax.nn.relu((emb + temb) @ W1)            # [B,1,S,D]
    out = (h @ w2)[..., 0]                        # [B,1,S]
    return out


def reference(x, table, t_table, W1, w2):
    # AbsorbingDiffusion1D._train_loss with loss_type='mse'
    b = x.shape[0]
    key = jax.random.key(42)
    kt, km = jax.random.split(key)
    # sample_time
    t = jax.random.randint(kt, (b,), 1, NUM_TIMESTEPS + 1, dtype=jnp.int32)
    # q_sample: mask each position independently with prob t/T
    t_mask = t.reshape(b, 1, 1).astype(jnp.float32)   # broadcasts to [B,1,S]
    u = jax.random.uniform(km, x.shape, dtype=jnp.float32)
    mask = u < (t_mask / NUM_TIMESTEPS)
    x_t = jnp.where(mask, MASK_ID, x)                 # x_t[mask] = mask_id
    x_0_ignore = jnp.where(mask, x, -1)               # x_0_ignore[~mask] = -1
    # denoise and MSE(|.|) loss
    x_0_hat_logits = denoise_fn(x_t, t, table, t_table, W1, w2)
    loss = jnp.abs(x_0_hat_logits - x_0_ignore.astype(x_0_hat_logits.dtype))
    return loss.mean()

if __name__ == "__main__":
    import jax
    _d = setup_inputs()
    print(jax.jit(kernel)(*tuple(_d.values())))

</pallas_src>

<mosaic_0001>
#map = affine_map<(d0, d1) -> (0, 0)>
#map1 = affine_map<(d0, d1) -> (0, 0, 0)>
module attributes {stable_mosaic.version = 14 : i64} {
  func.func @_sc_loss_body(%arg0: i32, %arg1: i32, %arg2: memref<64x1152xf32, #tpu.memory_space<hbm>>, %arg3: memref<128x1x128xi32, #tpu.memory_space<hbm>>, %arg4: memref<16x1024xi32, #tpu.memory_space<hbm>>, %arg5: memref<16x8xi32, #tpu.memory_space<hbm>>, %arg6: memref<16x16xf32, #tpu.memory_space<hbm>>, %arg7: memref<8x1152xf32, #tpu.memory_space<vmem>>, %arg8: memref<8x1x128xi32, #tpu.memory_space<vmem>>, %arg9: memref<1024xi32, #tpu.memory_space<vmem>>, %arg10: memref<8xi32, #tpu.memory_space<vmem>>, %arg11: memref<16xf32, #tpu.memory_space<vmem>>, %arg12: memref<!tpu.dma_semaphore, #tpu.memory_space<semaphore_mem>>, %arg13: memref<!tpu.dma_semaphore, #tpu.memory_space<semaphore_mem>>, %arg14: memref<!tpu.dma_semaphore, #tpu.memory_space<semaphore_mem>>) attributes {dimension_semantics = [#tpu.dimension_semantics<core_parallel>, #tpu.dimension_semantics<subcore_parallel>], iteration_bounds = array<i64: 1, 16>, scalar_prefetch = 0 : i64, scratch_operands = 8 : i64, tpu.core_type = #tpu.core_type<sc_vector_subcore>, window_params = [{transform_indices = #map}, {transform_indices = #map1}, {transform_indices = #map}, {transform_indices = #map}, {transform_indices = #map}]} {
    %mul3A = arith.constant 1 : i32
    %mul3A_0 = arith.muli %arg1, %mul3A : i32
    %add3A = arith.addi %mul3A_0, %arg0 : i32
    %mul3A_1 = arith.constant 8 : i32
    %mul3A_2 = arith.muli %add3A, %mul3A_1 : i32
    %dma_start3A = arith.constant 0 : i32
    %dma_start3A_3 = arith.constant 0 : i32
    %dma_start3A_4 = tpu.memref_slice %arg3[%mul3A_2, %dma_start3A, %dma_start3A_3] : memref<128x1x128xi32, #tpu.memory_space<hbm>> -> memref<8x1x128xi32, #tpu.memory_space<hbm>>
    %dma_start3A_5 = arith.constant 0 : i32
    %dma_start3A_6 = arith.constant 0 : i32
    %dma_start3A_7 = tpu.memref_slice %arg3[%mul3A_2, %dma_start3A_5, %dma_start3A_6] : memref<128x1x128xi32, #tpu.memory_space<hbm>> -> memref<8x1x128xi32, #tpu.memory_space<hbm>>
    tpu.enqueue_dma source(%dma_start3A_7 : memref<8x1x128xi32, #tpu.memory_space<hbm>>) target(%arg8 : memref<8x1x128xi32, #tpu.memory_space<vmem>>) target_semaphore(%arg13 : memref<!tpu.dma_semaphore, #tpu.memory_space<semaphore_mem>>)
    %dma_start3A_8 = arith.constant 0 : i32
    %dma_start3A_9 = tpu.memref_slice %arg4[%add3A, %dma_start3A_8] : memref<16x1024xi32, #tpu.memory_space<hbm>> -> memref<1x1024xi32, #tpu.memory_space<hbm>>
    %dma_start3A_10 = tpu.memref_squeeze %dma_start3A_9 : memref<1x1024xi32, #tpu.memory_space<hbm>> -> memref<1024xi32, #tpu.memory_space<hbm>>
    %dma_start3A_11 = arith.constant 0 : i32
    %dma_start3A_12 = tpu.memref_slice %arg4[%add3A, %dma_start3A_11] : memref<16x1024xi32, #tpu.memory_space<hbm>> -> memref<1x1024xi32, #tpu.memory_space<hbm>>
    %dma_start3A_13 = tpu.memref_squeeze %dma_start3A_12 : memref<1x1024xi32, #tpu.memory_space<hbm>> -> memref<1024xi32, #tpu.memory_space<hbm>>
    tpu.enqueue_dma source(%dma_start3A_13 : memref<1024xi32, #tpu.memory_space<hbm>>) target(%arg9 : memref<1024xi32, #tpu.memory_space<vmem>>) target_semaphore(%arg14 : memref<!tpu.dma_semaphore, #tpu.memory_space<semaphore_mem>>)
    "tpu.region"() ({
      %run_scoped3A = tpu.sem_alloc : memref<!tpu.dma_semaphore, #tpu.memory_space<semaphore_mem>>
      %dma_start3A_1561 = arith.constant 0 : i32
      %dma_start3A_1562 = tpu.memref_slice %arg5[%add3A, %dma_start3A_1561] : memref<16x8xi32, #tpu.memory_space<hbm>> -> memref<1x8xi32, #tpu.memory_space<hbm>>
      %dma_start3A_1563 = tpu.memref_squeeze %dma_start3A_1562 : memref<1x8xi32, #tpu.memory_space<hbm>> -> memref<8xi32, #tpu.memory_space<hbm>>
      %dma_start3A_1564 = arith.constant 0 : i32
      %dma_start3A_1565 = tpu.memref_slice %arg5[%add3A, %dma_start3A_1564] : memref<16x8xi32, #tpu.memory_space<hbm>> -> memref<1x8xi32, #tpu.memory_space<hbm>>
      %dma_start3A_1566 = tpu.memref_squeeze %dma_start3A_1565 : memref<1x8xi32, #tpu.memory_space<hbm>> -> memref<8xi32, #tpu.memory_space<hbm>>
      tpu.enqueue_dma source(%dma_start3A_1566 : memref<8xi32, #tpu.memory_space<hbm>>) target(%arg10 : memref<8xi32, #tpu.memory_space<vmem>>) target_semaphore(%run_scoped3A : memref<!tpu.dma_semaphore, #tpu.memory_space<semaphore_mem>>)
      %dma_wait3A_1567 = arith.constant 0 : i32
      %dma_wait3A_1568 = tpu.memref_slice %arg5[%add3A, %dma_wait3A_1567] : memref<16x8xi32, #tpu.memory_space<hbm>> -> memref<1x8xi32, #tpu.memory_space<hbm>>
      %dma_wait3A_1569 = tpu.memref_squeeze %dma_wait3A_1568 : memref<1x8xi32, #tpu.memory_space<hbm>> -> memref<8xi32, #tpu.memory_space<hbm>>
      %dma_wait3A_1570 = arith.constant 0 : i32
      %dma_wait3A_1571 = tpu.memref_slice %arg5[%add3A, %dma_wait3A_1570] : memref<16x8xi32, #tpu.memory_space<hbm>> -> memref<1x8xi32, #tpu.memory_space<hbm>>
      %dma_wait3A_1572 = tpu.memref_squeeze %dma_wait3A_1571 : memref<1x8xi32, #tpu.memory_space<hbm>> -> memref<8xi32, #tpu.memory_space<hbm>>
      tpu.wait_dma2 semaphore(%run_scoped3A : memref<!tpu.dma_semaphore, #tpu.memory_space<semaphore_mem>>) src(%dma_wait3A_1572 : memref<8xi32, #tpu.memory_space<hbm>>) dst(%arg10 : memref<8xi32, #tpu.memory_space<vmem>>)
      tpu.yield
    }) : () -> ()
    %dma_start3A_14 = arith.constant 0 : i32
    %dma_start3A_15 = arith.constant 0 : i32
    %dma_start3A_16 = tpu.memref_slice %arg2[%dma_start3A_14, %dma_start3A_15] : memref<64x1152xf32, #tpu.memory_space<hbm>> -> memref<64x1152xf32, #tpu.memory_space<hbm>>
    tpu.enqueue_indirect_dma source(%dma_start3A_16 : memref<64x1152xf32, #tpu.memory_space<hbm>>) target(%arg7 : memref<8x1152xf32, #tpu.memory_space<vmem>>) offsets(%arg10 : memref<8xi32, #tpu.memory_space<vmem>>) semaphore(%arg12 : memref<!tpu.dma_semaphore, #tpu.memory_space<semaphore_mem>>)
    %dma_wait3A = arith.constant 0 : i32
    %dma_wait3A_17 = arith.constant 0 : i32
    %dma_wait3A_18 = tpu.memref_slice %arg3[%mul3A_2, %dma_wait3A, %dma_wait3A_17] : memref<128x1x128xi32, #tpu.memory_space<hbm>> -> memref<8x1x128xi32, #tpu.memory_space<hbm>>
    %dma_wait3A_19 = arith.constant 0 : i32
    %dma_wait3A_20 = arith.constant 0 : i32
    %dma_wait3A_21 = tpu.memref_slice %arg3[%mul3A_2, %dma_wait3A_19, %dma_wait3A_20] : memref<128x1x128xi32, #tpu.memory_space<hbm>> -> memref<8x1x128xi32, #tpu.memory_space<hbm>>
    tpu.wait_dma2 semaphore(%arg13 : memref<!tpu.dma_semaphore, #tpu.memory_space<semaphore_mem>>) src(%dma_wait3A_21 : memref<8x1x128xi32, #tpu.memory_space<hbm>>) dst(%arg8 : memref<8x1x128xi32, #tpu.memory_space<vmem>>)
    %dma_wait3A_22 = arith.constant 0 : i32
    %dma_wait3A_23 = tpu.memref_slice %arg4[%add3A, %dma_wait3A_22] : memref<16x1024xi32, #tpu.memory_space<hbm>> -> memref<1x1024xi32, #tpu.memory_space<hbm>>
    %dma_wait3A_24 = tpu.memref_squeeze %dma_wait3A_23 : memref<1x1024xi32, #tpu.memory_space<hbm>> -> memref<1024xi32, #tpu.memory_space<hbm>>
    %dma_wait3A_25 = arith.constant 0 : i32
    %dma_wait3A_26 = tpu.memref_slice %arg4[%add3A, %dma_wait3A_25] : memref<16x1024xi32, #tpu.memory_space<hbm>> -> memref<1x1024xi32, #tpu.memory_space<hbm>>
    %dma_wait3A_27 = tpu.memref_squeeze %dma_wait3A_26 : memref<1x1024xi32, #tpu.memory_space<hbm>> -> memref<1024xi32, #tpu.memory_space<hbm>>
    tpu.wait_dma2 semaphore(%arg14 : memref<!tpu.dma_semaphore, #tpu.memory_space<semaphore_mem>>) src(%dma_wait3A_27 : memref<1024xi32, #tpu.memory_space<hbm>>) dst(%arg9 : memref<1024xi32, #tpu.memory_space<vmem>>)
    %dma_wait3A_28 = arith.constant 0 : i32
    %dma_wait3A_29 = arith.constant 0 : i32
    %dma_wait3A_30 = tpu.memref_slice %arg2[%dma_wait3A_28, %dma_wait3A_29] : memref<64x1152xf32, #tpu.memory_space<hbm>> -> memref<64x1152xf32, #tpu.memory_space<hbm>>
    tpu.wait_indirect_dma semaphore(%arg12 : memref<!tpu.dma_semaphore, #tpu.memory_space<semaphore_mem>>) src(%dma_wait3A_30 : memref<64x1152xf32, #tpu.memory_space<hbm>>) dst(%arg7 : memref<8x1152xf32, #tpu.memory_space<vmem>>)
    %broadcast_in_dim3A = arith.constant 0.000000e+00 : f32
    %broadcast_in_dim3A_31 = vector.broadcast %broadcast_in_dim3A : f32 to vector<16xf32>
    %get3A = arith.constant 0 : i32
    %get3A_32 = arith.constant 0 : i32
    %get3A_33 = arith.index_cast %get3A : i32 to index
    %get3A_34 = arith.index_cast %get3A_32 : i32 to index
    %get3A_35 = arith.constant 0 : index
    %get3A_36 = tpu.vector_load %arg8[%get3A_33, %get3A_34, %get3A_35] {strides = array<i32>} : memref<8x1x128xi32, #tpu.memory_space<vmem>>, vector<16xi32>,
    %get3A_37 = arith.constant 0 : index
    %get3A_38 = tpu.vector_load %arg9[%get3A_37] {strides = array<i32>} : memref<1024xi32, #tpu.memory_space<vmem>>, vector<16xi32>,
    %ne3A = arith.constant 0 : i32
    %ne3A_39 = vector.broadcast %ne3A : i32 to vector<16xi32>
    %ne3A_40 = arith.cmpi ne, %get3A_38, %ne3A_39 : vector<16xi32>
    %broadcast_in_dim3A_41 = arith.constant 0 : i32
    %broadcast_in_dim3A_42 = vector.broadcast %broadcast_in_dim3A_41 : i32 to vector<16xi32>
    %jit3A = arith.constant 1024 : i32
    %broadcast_in_dim3A_43 = vector.broadcast %jit3A : i32 to vector<16xi32>
    %select_n3A = arith.select %ne3A_40, %broadcast_in_dim3A_43, %get3A_36 : vector<16xi1>, vector<16xi32>
    %gather3A = tpu.vector_load_idx %arg7[%broadcast_in_dim3A_42, %select_n3A] : memref<8x1152xf32, #tpu.memory_space<vmem>>[vector<16xi32>, vector<16xi32>], vector<16xf32>,
    %convert_element_type3A = arith.sitofp %get3A_36 : vector<16xi32> to vector<16xf32>
    %jit3A_44 = arith.constant -1.000000e+00 : f32
    %broadcast_in_dim3A_45 = vector.broadcast %jit3A_44 : f32 to vector<16xf32>
    %select_n3A_46 = arith.select %ne3A_40, %convert_element_type3A, %broadcast_in_dim3A_45 : vector<16xi1>, vector<16xf32>
    %sub3A = arith.subf %gather3A, %select_n3A_46 : vector<16xf32>
    %abs3A = math.absf %sub3A : vector<16xf32>
    %add3A_47 = arith.addf %broadcast_in_dim3A_31, %abs3A : vector<16xf32>
    %get3A_48 = arith.constant 0 : i32
    %get3A_49 = arith.constant 0 : i32
    %get3A_50 = arith.index_cast %get3A_48 : i32 to index
    %get3A_51 = arith.index_cast %get3A_49 : i32 to index
    %get3A_52 = arith.constant 16 : index
    %get3A_53 = tpu.vector_load %arg8[%get3A_50, %get3A_51, %get3A_52] {strides = array<i32>} : memref<8x1x128xi32, #tpu.memory_space<vmem>>, vector<16xi32>,
    %get3A_54 = arith.constant 16 : index
    %get3A_55 = tpu.vector_load %arg9[%get3A_54] {strides = array<i32>} : memref<1024xi32, #tpu.memory_space<vmem>>, vector<16xi32>,
    %ne3A_56 = arith.constant 0 : i32
    %ne3A_57 = vector.broadcast %ne3A_56 : i32 to vector<16xi32>
    %ne3A_58 = arith.cmpi ne, %get3A_55, %ne3A_57 : vector<16xi32>
    %broadcast_in_dim3A_59 = arith.constant 0 : i32
    %broadcast_in_dim3A_60 = vector.broadcast %broadcast_in_dim3A_59 : i32 to vector<16xi32>
    %jit3A_61 = arith.constant 1024 : i32
    %broadcast_in_dim3A_62 = vector.broadcast %jit3A_61 : i32 to vector<16xi32>
    %select_n3A_63 = arith.select %ne3A_58, %broadcast_in_dim3A_62, %get3A_53 : vector<16xi1>, vector<16xi32>
    %gather3A_64 = tpu.vector_load_idx %arg7[%broadcast_in_dim3A_60, %select_n3A_63] : memref<8x1152xf32, #tpu.memory_space<vmem>>[vector<16xi32>, vector<16xi32>], vector<16xf32>,
    %convert_element_type3A_65 = arith.sitofp %get3A_53 : vector<16xi32> to vector<16xf32>
    %jit3A_66 = arith.constant -1.000000e+00 : f32
    %broadcast_in_dim3A_67 = vector.broadcast %jit3A_66 : f32 to vector<16xf32>
    %select_n3A_68 = arith.select %ne3A_58, %convert_element_type3A_65, %broadcast_in_dim3A_67 : vector<16xi1>, vector<16xf32>
    %sub3A_69 = arith.subf %gather3A_64, %select_n3A_68 : vector<16xf32>
    %abs3A_70 = math.absf %sub3A_69 : vector<16xf32>
    %add3A_71 = arith.addf %add3A_47, %abs3A_70 : vector<16xf32>
    %get3A_72 = arith.constant 0 : i32
    %get3A_73 = arith.constant 0 : i32
    %get3A_74 = arith.index_cast %get3A_72 : i32 to index
    %get3A_75 = arith.index_cast %get3A_73 : i32 to index
    %get3A_76 = arith.constant 32 : index
    %get3A_77 = tpu.vector_load %arg8[%get3A_74, %get3A_75, %get3A_76] {strides = array<i32>} : memref<8x1x128xi32, #tpu.memory_space<vmem>>, vector<16xi32>,
    %get3A_78 = arith.constant 32 : index
    %get3A_79 = tpu.vector_load %arg9[%get3A_78] {strides = array<i32>} : memref<1024xi32, #tpu.memory_space<vmem>>, vector<16xi32>,
    %ne3A_80 = arith.constant 0 : i32
    %ne3A_81 = vector.broadcast %ne3A_80 : i32 to vector<16xi32>
    %ne3A_82 = arith.cmpi ne, %get3A_79, %ne3A_81 : vector<16xi32>
    %broadcast_in_dim3A_83 = arith.constant 0 : i32
    %broadcast_in_dim3A_84 = vector.broadcast %broadcast_in_dim3A_83 : i32 to vector<16xi32>
    %jit3A_85 = arith.constant 1024 : i32
    %broadcast_in_dim3A_86 = vector.broadcast %jit3A_85 : i32 to vector<16xi32>
    %select_n3A_87 = arith.select %ne3A_82, %broadcast_in_dim3A_86, %get3A_77 : vector<16xi1>, vector<16xi32>
    %gather3A_88 = tpu.vector_load_idx %arg7[%broadcast_in_dim3A_84, %select_n3A_87] : memref<8x1152xf32, #tpu.memory_space<vmem>>[vector<16xi32>, vector<16xi32>], vector<16xf32>,
    %convert_element_type3A_89 = arith.sitofp %get3A_77 : vector<16xi32> to vector<16xf32>
    %jit3A_90 = arith.constant -1.000000e+00 : f32
    %broadcast_in_dim3A_91 = vector.broadcast %jit3A_90 : f32 to vector<16xf32>
    %select_n3A_92 = arith.select %ne3A_82, %convert_element_type3A_89, %broadcast_in_dim3A_91 : vector<16xi1>, vector<16xf32>
    %sub3A_93 = arith.subf %gather3A_88, %select_n3A_92 : vector<16xf32>
    %abs3A_94 = math.absf %sub3A_93 : vector<16xf32>
    %add3A_95 = arith.addf %add3A_71, %abs3A_94 : vector<16xf32>
    %get3A_96 = arith.constant 0 : i32
    %get3A_97 = arith.constant 0 : i32
    %get3A_98 = arith.index_cast %get3A_96 : i32 to index
    %get3A_99 = arith.index_cast %get3A_97 : i32 to index
    %get3A_100 = arith.constant 48 : index
    %get3A_101 = tpu.vector_load %arg8[%get3A_98, %get3A_99, %get3A_100] {strides = array<i32>} : memref<8x1x128xi32, #tpu.memory_space<vmem>>, vector<16xi32>,
    %get3A_102 = arith.constant 48 : index
    %get3A_103 = tpu.vector_load %arg9[%get3A_102] {strides = array<i32>} : memref<1024xi32, #tpu.memory_space<vmem>>, vector<16xi32>,
    %ne3A_104 = arith.constant 0 : i32
    %ne3A_105 = vector.broadcast %ne3A_104 : i32 to vector<16xi32>
    %ne3A_106 = arith.cmpi ne, %get3A_103, %ne3A_105 : vector<16xi32>
    %broadcast_in_dim3A_107 = arith.constant 0 : i32
    %broadcast_in_dim3A_108 = vector.broadcast %broadcast_in_dim3A_107 : i32 to vector<16xi32>
    %jit3A_109 = arith.constant 1024 : i32
    %broadcast_in_dim3A_110 = vector.broadcast %jit3A_109 : i32 to vector<16xi32>
    %select_n3A_111 = arith.select %ne3A_106, %broadcast_in_dim3A_110, %get3A_101 : vector<16xi1>, vector<16xi32>
    %gather3A_112 = tpu.vector_load_idx %arg7[%broadcast_in_dim3A_108, %select_n3A_111] : memref<8x1152xf32, #tpu.memory_space<vmem>>[vector<16xi32>, vector<16xi32>], vector<16xf32>,
    %convert_element_type3A_113 = arith.sitofp %get3A_101 : vector<16xi32> to vector<16xf32>
    %jit3A_114 = arith.constant -1.000000e+00 : f32
    %broadcast_in_dim3A_115 = vector.broadcast %jit3A_114 : f32 to vector<16xf32>
    %select_n3A_116 = arith.select %ne3A_106, %convert_element_type3A_113, %broadcast_in_dim3A_115 : vector<16xi1>, vector<16xf32>
    %sub3A_117 = arith.subf %gather3A_112, %select_n3A_116 : vector<16xf32>
    %abs3A_118 = math.absf %sub3A_117 : vector<16xf32>
    %add3A_119 = arith.addf %add3A_95, %abs3A_118 : vector<16xf32>
    %get3A_120 = arith.constant 0 : i32
    %get3A_121 = arith.constant 0 : i32
    %get3A_122 = arith.index_cast %get3A_120 : i32 to index
    %get3A_123 = arith.index_cast %get3A_121 : i32 to index
    %get3A_124 = arith.constant 64 : index
    %get3A_125 = tpu.vector_load %arg8[%get3A_122, %get3A_123, %get3A_124] {strides = array<i32>} : memref<8x1x128xi32, #tpu.memory_space<vmem>>, vector<16xi32>,
    %get3A_126 = arith.constant 64 : index
    %get3A_127 = tpu.vector_load %arg9[%get3A_126] {strides = array<i32>} : memref<1024xi32, #tpu.memory_space<vmem>>, vector<16xi32>,
    %ne3A_128 = arith.constant 0 : i32
    %ne3A_129 = vector.broadcast %ne3A_128 : i32 to vector<16xi32>
    %ne3A_130 = arith.cmpi ne, %get3A_127, %ne3A_129 : vector<16xi32>
    %broadcast_in_dim3A_131 = arith.constant 0 : i32
    %broadcast_in_dim3A_132 = vector.broadcast %broadcast_in_dim3A_131 : i32 to vector<16xi32>
    %jit3A_133 = arith.constant 1024 : i32
    %broadcast_in_dim3A_134 = vector.broadcast %jit3A_133 : i32 to vector<16xi32>
    %select_n3A_135 = arith.select %ne3A_130, %broadcast_in_dim3A_134, %get3A_125 : vector<16xi1>, vector<16xi32>
    %gather3A_136 = tpu.vector_load_idx %arg7[%broadcast_in_dim3A_132, %select_n3A_135] : memref<8x1152xf32, #tpu.memory_space<vmem>>[vector<16xi32>, vector<16xi32>], vector<16xf32>,
    %convert_element_type3A_137 = arith.sitofp %get3A_125 : vector<16xi32> to vector<16xf32>
    %jit3A_138 = arith.constant -1.000000e+00 : f32
    %broadcast_in_dim3A_139 = vector.broadcast %jit3A_138 : f32 to vector<16xf32>
    %select_n3A_140 = arith.select %ne3A_130, %convert_element_type3A_137, %broadcast_in_dim3A_139 : vector<16xi1>, vector<16xf32>
    %sub3A_141 = arith.subf %gather3A_136, %select_n3A_140 : vector<16xf32>
    %abs3A_142 = math.absf %sub3A_141 : vector<16xf32>
    %add3A_143 = arith.addf %add3A_119, %abs3A_142 : vector<16xf32>
    %get3A_144 = arith.constant 0 : i32
    %get3A_145 = arith.constant 0 : i32
    %get3A_146 = arith.index_cast %get3A_144 : i32 to index
    %get3A_147 = arith.index_cast %get3A_145 : i32 to index
    %get3A_148 = arith.constant 80 : index
    %get3A_149 = tpu.vector_load %arg8[%get3A_146, %get3A_147, %get3A_148] {strides = array<i32>} : memref<8x1x128xi32, #tpu.memory_space<vmem>>, vector<16xi32>,
    %get3A_150 = arith.constant 80 : index
    %get3A_151 = tpu.vector_load %arg9[%get3A_150] {strides = array<i32>} : memref<1024xi32, #tpu.memory_space<vmem>>, vector<16xi32>,
    %ne3A_152 = arith.constant 0 : i32
    %ne3A_153 = vector.broadcast %ne3A_152 : i32 to vector<16xi32>
    %ne3A_154 = arith.cmpi ne, %get3A_151, %ne3A_153 : vector<16xi32>
    %broadcast_in_dim3A_155 = arith.constant 0 : i32
    %broadcast_in_dim3A_156 = vector.broadcast %broadcast_in_dim3A_155 : i32 to vector<16xi32>
    %jit3A_157 = arith.constant 1024 : i32
    %broadcast_in_dim3A_158 = vector.broadcast %jit3A_157 : i32 to vector<16xi32>
    %select_n3A_159 = arith.select %ne3A_154, %broadcast_in_dim3A_158, %get3A_149 : vector<16xi1>, vector<16xi32>
    %gather3A_160 = tpu.vector_load_idx %arg7[%broadcast_in_dim3A_156, %select_n3A_159] : memref<8x1152xf32, #tpu.memory_space<vmem>>[vector<16xi32>, vector<16xi32>], vector<16xf32>,
    %convert_element_type3A_161 = arith.sitofp %get3A_149 : vector<16xi32> to vector<16xf32>
    %jit3A_162 = arith.constant -1.000000e+00 : f32
    %broadcast_in_dim3A_163 = vector.broadcast %jit3A_162 : f32 to vector<16xf32>
    %select_n3A_164 = arith.select %ne3A_154, %convert_element_type3A_161, %broadcast_in_dim3A_163 : vector<16xi1>, vector<16xf32>
    %sub3A_165 = arith.subf %gather3A_160, %select_n3A_164 : vector<16xf32>
    %abs3A_166 = math.absf %sub3A_165 : vector<16xf32>
    %add3A_167 = arith.addf %add3A_143, %abs3A_166 : vector<16xf32>
    %get3A_168 = arith.constant 0 : i32
    %get3A_169 = arith.constant 0 : i32
    %get3A_170 = arith.index_cast %get3A_168 : i32 to index
    %get3A_171 = arith.index_cast %get3A_169 : i32 to index
    %get3A_172 = arith.constant 96 : index
    %get3A_173 = tpu.vector_load %arg8[%get3A_170, %get3A_171, %get3A_172] {strides = array<i32>} : memref<8x1x128xi32, #tpu.memory_space<vmem>>, vector<16xi32>,
    %get3A_174 = arith.constant 96 : index
    %get3A_175 = tpu.vector_load %arg9[%get3A_174] {strides = array<i32>} : memref<1024xi32, #tpu.memory_space<vmem>>, vector<16xi32>,
    %ne3A_176 = arith.constant 0 : i32
    %ne3A_177 = vector.broadcast %ne3A_176 : i32 to vector<16xi32>
    %ne3A_178 = arith.cmpi ne, %get3A_175, %ne3A_177 : vector<16xi32>
    %broadcast_in_dim3A_179 = arith.constant 0 : i32
    %broadcast_in_dim3A_180 = vector.broadcast %broadcast_in_dim3A_179 : i32 to vector<16xi32>
    %jit3A_181 = arith.constant 1024 : i32
    %broadcast_in_dim3A_182 = vector.broadcast %jit3A_181 : i32 to vector<16xi32>
    %select_n3A_183 = arith.select %ne3A_178, %broadcast_in_dim3A_182, %get3A_173 : vector<16xi1>, vector<16xi32>
    %gather3A_184 = tpu.vector_load_idx %arg7[%broadcast_in_dim3A_180, %select_n3A_183] : memref<8x1152xf32, #tpu.memory_space<vmem>>[vector<16xi32>, vector<16xi32>], vector<16xf32>,
    %convert_element_type3A_185 = arith.sitofp %get3A_173 : vector<16xi32> to vector<16xf32>
    %jit3A_186 = arith.constant -1.000000e+00 : f32
    %broadcast_in_dim3A_187 = vector.broadcast %jit3A_186 : f32 to vector<16xf32>
    %select_n3A_188 = arith.select %ne3A_178, %convert_element_type3A_185, %broadcast_in_dim3A_187 : vector<16xi1>, vector<16xf32>
    %sub3A_189 = arith.subf %gather3A_184, %select_n3A_188 : vector<16xf32>
    %abs3A_190 = math.absf %sub3A_189 : vector<16xf32>
    %add3A_191 = arith.addf %add3A_167, %abs3A_190 : vector<16xf32>
    %get3A_192 = arith.constant 0 : i32
    %get3A_193 = arith.constant 0 : i32
    %get3A_194 = arith.index_cast %get3A_192 : i32 to index
    %get3A_195 = arith.index_cast %get3A_193 : i32 to index
    %get3A_196 = arith.constant 112 : index
    %get3A_197 = tpu.vector_load %arg8[%get3A_194, %get3A_195, %get3A_196] {strides = array<i32>} : memref<8x1x128xi32, #tpu.memory_space<vmem>>, vector<16xi32>,
    %get3A_198 = arith.constant 112 : index
    %get3A_199 = tpu.vector_load %arg9[%get3A_198] {strides = array<i32>} : memref<1024xi32, #tpu.memory_space<vmem>>, vector<16xi32>,
    %ne3A_200 = arith.constant 0 : i32
    %ne3A_201 = vector.broadcast %ne3A_200 : i32 to vector<16xi32>
    %ne3A_202 = arith.cmpi ne, %get3A_199, %ne3A_201 : vector<16xi32>
    %broadcast_in_dim3A_203 = arith.constant 0 : i32
    %broadcast_in_dim3A_204 = vector.broadcast %broadcast_in_dim3A_203 : i32 to vector<16xi32>
    %jit3A_205 = arith.constant 1024 : i32
    %broadcast_in_dim3A_206 = vector.broadcast %jit3A_205 : i32 to vector<16xi32>
    %select_n3A_207 = arith.select %ne3A_202, %broadcast_in_dim3A_206, %get3A_197 : vector<16xi1>, vector<16xi32>
    %gather3A_208 = tpu.vector_load_idx %arg7[%broadcast_in_dim3A_204, %select_n3A_207] : memref<8x1152xf32, #tpu.memory_space<vmem>>[vector<16xi32>, vector<16xi32>], vector<16xf32>,
    %convert_element_type3A_209 = arith.sitofp %get3A_197 : vector<16xi32> to vector<16xf32>
    %jit3A_210 = arith.constant -1.000000e+00 : f32
    %broadcast_in_dim3A_211 = vector.broadcast %jit3A_210 : f32 to vector<16xf32>
    %select_n3A_212 = arith.select %ne3A_202, %convert_element_type3A_209, %broadcast_in_dim3A_211 : vector<16xi1>, vector<16xf32>
    %sub3A_213 = arith.subf %gather3A_208, %select_n3A_212 : vector<16xf32>
    %abs3A_214 = math.absf %sub3A_213 : vector<16xf32>
    %add3A_215 = arith.addf %add3A_191, %abs3A_214 : vector<16xf32>
    %get3A_216 = arith.constant 1 : i32
    %get3A_217 = arith.constant 0 : i32
    %get3A_218 = arith.index_cast %get3A_216 : i32 to index
    %get3A_219 = arith.index_cast %get3A_217 : i32 to index
    %get3A_220 = arith.constant 0 : index
    %get3A_221 = tpu.vector_load %arg8[%get3A_218, %get3A_219, %get3A_220] {strides = array<i32>} : memref<8x1x128xi32, #tpu.memory_space<vmem>>, vector<16xi32>,
    %get3A_222 = arith.constant 128 : index
    %get3A_223 = tpu.vector_load %arg9[%get3A_222] {strides = array<i32>} : memref<1024xi32, #tpu.memory_space<vmem>>, vector<16xi32>,
    %ne3A_224 = arith.constant 0 : i32
    %ne3A_225 = vector.broadcast %ne3A_224 : i32 to vector<16xi32>
    %ne3A_226 = arith.cmpi ne, %get3A_223, %ne3A_225 : vector<16xi32>
    %broadcast_in_dim3A_227 = arith.constant 1 : i32
    %broadcast_in_dim3A_228 = vector.broadcast %broadcast_in_dim3A_227 : i32 to vector<16xi32>
    %jit3A_229 = arith.constant 1024 : i32
    %broadcast_in_dim3A_230 = vector.broadcast %jit3A_229 : i32 to vector<16xi32>
    %select_n3A_231 = arith.select %ne3A_226, %broadcast_in_dim3A_230, %get3A_221 : vector<16xi1>, vector<16xi32>
    %gather3A_232 = tpu.vector_load_idx %arg7[%broadcast_in_dim3A_228, %select_n3A_231] : memref<8x1152xf32, #tpu.memory_space<vmem>>[vector<16xi32>, vector<16xi32>], vector<16xf32>,
    %convert_element_type3A_233 = arith.sitofp %get3A_221 : vector<16xi32> to vector<16xf32>
    %jit3A_234 = arith.constant -1.000000e+00 : f32
    %broadcast_in_dim3A_235 = vector.broadcast %jit3A_234 : f32 to vector<16xf32>
    %select_n3A_236 = arith.select %ne3A_226, %convert_element_type3A_233, %broadcast_in_dim3A_235 : vector<16xi1>, vector<16xf32>
    %sub3A_237 = arith.subf %gather3A_232, %select_n3A_236 : vector<16xf32>
    %abs3A_238 = math.absf %sub3A_237 : vector<16xf32>
    %add3A_239 = arith.addf %add3A_215, %abs3A_238 : vector<16xf32>
    %get3A_240 = arith.constant 1 : i32
    %get3A_241 = arith.constant 0 : i32
    %get3A_242 = arith.index_cast %get3A_240 : i32 to index
    %get3A_243 = arith.index_cast %get3A_241 : i32 to index
    %get3A_244 = arith.constant 16 : index
    %get3A_245 = tpu.vector_load %arg8[%get3A_242, %get3A_243, %get3A_244] {strides = array<i32>} : memref<8x1x128xi32, #tpu.memory_space<vmem>>, vector<16xi32>,
    %get3A_246 = arith.constant 144 : index
    %get3A_247 = tpu.vector_load %arg9[%get3A_246] {strides = array<i32>} : memref<1024xi32, #tpu.memory_space<vmem>>, vector<16xi32>,
    %ne3A_248 = arith.constant 0 : i32
    %ne3A_249 = vector.broadcast %ne3A_248 : i32 to vector<16xi32>
    %ne3A_250 = arith.cmpi ne, %get3A_247, %ne3A_249 : vector<16xi32>
    %broadcast_in_dim3A_251 = arith.constant 1 : i32
    %broadcast_in_dim3A_252 = vector.broadcast %broadcast_in_dim3A_251 : i32 to vector<16xi32>
    %jit3A_253 = arith.constant 1024 : i32
    %broadcast_in_dim3A_254 = vector.broadcast %jit3A_253 : i32 to vector<16xi32>
    %select_n3A_255 = arith.select %ne3A_250, %broadcast_in_dim3A_254, %get3A_245 : vector<16xi1>, vector<16xi32>
    %gather3A_256 = tpu.vector_load_idx %arg7[%broadcast_in_dim3A_252, %select_n3A_255] : memref<8x1152xf32, #tpu.memory_space<vmem>>[vector<16xi32>, vector<16xi32>], vector<16xf32>,
    %convert_element_type3A_257 = arith.sitofp %get3A_245 : vector<16xi32> to vector<16xf32>
    %jit3A_258 = arith.constant -1.000000e+00 : f32
    %broadcast_in_dim3A_259 = vector.broadcast %jit3A_258 : f32 to vector<16xf32>
    %select_n3A_260 = arith.select %ne3A_250, %convert_element_type3A_257, %broadcast_in_dim3A_259 : vector<16xi1>, vector<16xf32>
    %sub3A_261 = arith.subf %gather3A_256, %select_n3A_260 : vector<16xf32>
    %abs3A_262 = math.absf %sub3A_261 : vector<16xf32>
    %add3A_263 = arith.addf %add3A_239, %abs3A_262 : vector<16xf32>
    %get3A_264 = arith.constant 1 : i32
    %get3A_265 = arith.constant 0 : i32
    %get3A_266 = arith.index_cast %get3A_264 : i32 to index
    %get3A_267 = arith.index_cast %get3A_265 : i32 to index
    %get3A_268 = arith.constant 32 : index
    %get3A_269 = tpu.vector_load %arg8[%get3A_266, %get3A_267, %get3A_268] {strides = array<i32>} : memref<8x1x128xi32, #tpu.memory_space<vmem>>, vector<16xi32>,
    %get3A_270 = arith.constant 160 : index
    %get3A_271 = tpu.vector_load %arg9[%get3A_270] {strides = array<i32>} : memref<1024xi32, #tpu.memory_space<vmem>>, vector<16xi32>,
    %ne3A_272 = arith.constant 0 : i32
    %ne3A_273 = vector.broadcast %ne3A_272 : i32 to vector<16xi32>
    %ne3A_274 = arith.cmpi ne, %get3A_271, %ne3A_273 : vector<16xi32>
    %broadcast_in_dim3A_275 = arith.constant 1 : i32
    %broadcast_in_dim3A_276 = vector.broadcast %broadcast_in_dim3A_275 : i32 to vector<16xi32>
    %jit3A_277 = arith.constant 1024 : i32
    %broadcast_in_dim3A_278 = vector.broadcast %jit3A_277 : i32 to vector<16xi32>
    %select_n3A_279 = arith.select %ne3A_274, %broadcast_in_dim3A_278, %get3A_269 : vector<16xi1>, vector<16xi32>
    %gather3A_280 = tpu.vector_load_idx %arg7[%broadcast_in_dim3A_276, %select_n3A_279] : memref<8x1152xf32, #tpu.memory_space<vmem>>[vector<16xi32>, vector<16xi32>], vector<16xf32>,
    %convert_element_type3A_281 = arith.sitofp %get3A_269 : vector<16xi32> to vector<16xf32>
    %jit3A_282 = arith.constant -1.000000e+00 : f32
    %broadcast_in_dim3A_283 = vector.broadcast %jit3A_282 : f32 to vector<16xf32>
    %select_n3A_284 = arith.select %ne3A_274, %convert_element_type3A_281, %broadcast_in_dim3A_283 : vector<16xi1>, vector<16xf32>
    %sub3A_285 = arith.subf %gather3A_280, %select_n3A_284 : vector<16xf32>
    %abs3A_286 = math.absf %sub3A_285 : vector<16xf32>
    %add3A_287 = arith.addf %add3A_263, %abs3A_286 : vector<16xf32>
    %get3A_288 = arith.constant 1 : i32
    %get3A_289 = arith.constant 0 : i32
    %get3A_290 = arith.index_cast %get3A_288 : i32 to index
    %get3A_291 = arith.index_cast %get3A_289 : i32 to index
    %get3A_292 = arith.constant 48 : index
    %get3A_293 = tpu.vector_load %arg8[%get3A_290, %get3A_291, %get3A_292] {strides = array<i32>} : memref<8x1x128xi32, #tpu.memory_space<vmem>>, vector<16xi32>,
    %get3A_294 = arith.constant 176 : index
    %get3A_295 = tpu.vector_load %arg9[%get3A_294] {strides = array<i32>} : memref<1024xi32, #tpu.memory_space<vmem>>, vector<16xi32>,
    %ne3A_296 = arith.constant 0 : i32
    %ne3A_297 = vector.broadcast %ne3A_296 : i32 to vector<16xi32>
    %ne3A_298 = arith.cmpi ne, %get3A_295, %ne3A_297 : vector<16xi32>
    %broadcast_in_dim3A_299 = arith.constant 1 : i32
    %broadcast_in_dim3A_300 = vector.broadcast %broadcast_in_dim3A_299 : i32 to vector<16xi32>
    %jit3A_301 = arith.constant 1024 : i32
    %broadcast_in_dim3A_302 = vector.broadcast %jit3A_301 : i32 to vector<16xi32>
    %select_n3A_303 = arith.select %ne3A_298, %broadcast_in_dim3A_302, %get3A_293 : vector<16xi1>, vector<16xi32>
    %gather3A_304 = tpu.vector_load_idx %arg7[%broadcast_in_dim3A_300, %select_n3A_303] : memref<8x1152xf32, #tpu.memory_space<vmem>>[vector<16xi32>, vector<16xi32>], vector<16xf32>,
    %convert_element_type3A_305 = arith.sitofp %get3A_293 : vector<16xi32> to vector<16xf32>
    %jit3A_306 = arith.constant -1.000000e+00 : f32
    %broadcast_in_dim3A_307 = vector.broadcast %jit3A_306 : f32 to vector<16xf32>
    %select_n3A_308 = arith.select %ne3A_298, %convert_element_type3A_305, %broadcast_in_dim3A_307 : vector<16xi1>, vector<16xf32>
    %sub3A_309 = arith.subf %gather3A_304, %select_n3A_308 : vector<16xf32>
    %abs3A_310 = math.absf %sub3A_309 : vector<16xf32>
    %add3A_311 = arith.addf %add3A_287, %abs3A_310 : vector<16xf32>
    %get3A_312 = arith.constant 1 : i32
    %get3A_313 = arith.constant 0 : i32
    %get3A_314 = arith.index_cast %get3A_312 : i32 to index
    %get3A_315 = arith.index_cast %get3A_313 : i32 to index
    %get3A_316 = arith.constant 64 : index
    %get3A_317 = tpu.vector_load %arg8[%get3A_314, %get3A_315, %get3A_316] {strides = array<i32>} : memref<8x1x128xi32, #tpu.memory_space<vmem>>, vector<16xi32>,
    %get3A_318 = arith.constant 192 : index
    %get3A_319 = tpu.vector_load %arg9[%get3A_318] {strides = array<i32>} : memref<1024xi32, #tpu.memory_space<vmem>>, vector<16xi32>,
    %ne3A_320 = arith.constant 0 : i32
    %ne3A_321 = vector.broadcast %ne3A_320 : i32 to vector<16xi32>
    %ne3A_322 = arith.cmpi ne, %get3A_319, %ne3A_321 : vector<16xi32>
    %broadcast_in_dim3A_323 = arith.constant 1 : i32
    %broadcast_in_dim3A_324 = vector.broadcast %broadcast_in_dim3A_323 : i32 to vector<16xi32>
    %jit3A_325 = arith.constant 1024 : i32
    %broadcast_in_dim3A_326 = vector.broadcast %jit3A_325 : i32 to vector<16xi32>
    %select_n3A_327 = arith.select %ne3A_322, %broadcast_in_dim3A_326, %get3A_317 : vector<16xi1>, vector<16xi32>
    %gather3A_328 = tpu.vector_load_idx %arg7[%broadcast_in_dim3A_324, %select_n3A_327] : memref<8x1152xf32, #tpu.memory_space<vmem>>[vector<16xi32>, vector<16xi32>], vector<16xf32>,
    %convert_element_type3A_329 = arith.sitofp %get3A_317 : vector<16xi32> to vector<16xf32>
    %jit3A_330 = arith.constant -1.000000e+00 : f32
    %broadcast_in_dim3A_331 = vector.broadcast %jit3A_330 : f32 to vector<16xf32>
    %select_n3A_332 = arith.select %ne3A_322, %convert_element_type3A_329, %broadcast_in_dim3A_331 : vector<16xi1>, vector<16xf32>
    %sub3A_333 = arith.subf %gather3A_328, %select_n3A_332 : vector<16xf32>
    %abs3A_334 = math.absf %sub3A_333 : vector<16xf32>
    %add3A_335 = arith.addf %add3A_311, %abs3A_334 : vector<16xf32>
    %get3A_336 = arith.constant 1 : i32
    %get3A_337 = arith.constant 0 : i32
    %get3A_338 = arith.index_cast %get3A_336 : i32 to index
    %get3A_339 = arith.index_cast %get3A_337 : i32 to index
    %get3A_340 = arith.constant 80 : index
    %get3A_341 = tpu.vector_load %arg8[%get3A_338, %get3A_339, %get3A_340] {strides = array<i32>} : memref<8x1x128xi32, #tpu.memory_space<vmem>>, vector<16xi32>,
    %get3A_342 = arith.constant 208 : index
    %get3A_343 = tpu.vector_load %arg9[%get3A_342] {strides = array<i32>} : memref<1024xi32, #tpu.memory_space<vmem>>, vector<16xi32>,
    %ne3A_344 = arith.constant 0 : i32
    %ne3A_345 = vector.broadcast %ne3A_344 : i32 to vector<16xi32>
    %ne3A_346 = arith.cmpi ne, %get3A_343, %ne3A_345 : vector<16xi32>
    %broadcast_in_dim3A_347 = arith.constant 1 : i32
    %broadcast_in_dim3A_348 = vector.broadcast %broadcast_in_dim3A_347 : i32 to vector<16xi32>
    %jit3A_349 = arith.constant 1024 : i32
    %broadcast_in_dim3A_350 = vector.broadcast %jit3A_349 : i32 to vector<16xi32>
    %select_n3A_351 = arith.select %ne3A_346, %broadcast_in_dim3A_350, %get3A_341 : vector<16xi1>, vector<16xi32>
    %gather3A_352 = tpu.vector_load_idx %arg7[%broadcast_in_dim3A_348, %select_n3A_351] : memref<8x1152xf32, #tpu.memory_space<vmem>>[vector<16xi32>, vector<16xi32>], vector<16xf32>,
    %convert_element_type3A_353 = arith.sitofp %get3A_341 : vector<16xi32> to vector<16xf32>
    %jit3A_354 = arith.constant -1.000000e+00 : f32
    %broadcast_in_dim3A_355 = vector.broadcast %jit3A_354 : f32 to vector<16xf32>
    %select_n3A_356 = arith.select %ne3A_346, %convert_element_type3A_353, %broadcast_in_dim3A_355 : vector<16xi1>, vector<16xf32>
    %sub3A_357 = arith.subf %gather3A_352, %select_n3A_356 : vector<16xf32>
    %abs3A_358 = math.absf %sub3A_357 : vector<16xf32>
    %add3A_359 = arith.addf %add3A_335, %abs3A_358 : vector<16xf32>
    %get3A_360 = arith.constant 1 : i32
    %get3A_361 = arith.constant 0 : i32
    %get3A_362 = arith.index_cast %get3A_360 : i32 to index
    %get3A_363 = arith.index_cast %get3A_361 : i32 to index
    %get3A_364 = arith.constant 96 : index
    %get3A_365 = tpu.vector_load %arg8[%get3A_362, %get3A_363, %get3A_364] {strides = array<i32>} : memref<8x1x128xi32, #tpu.memory_space<vmem>>, vector<16xi32>,
    %get3A_366 = arith.constant 224 : index
    %get3A_367 = tpu.vector_load %arg9[%get3A_366] {strides = array<i32>} : memref<1024xi32, #tpu.memory_space<vmem>>, vector<16xi32>,
    %ne3A_368 = arith.constant 0 : i32
    %ne3A_369 = vector.broadcast %ne3A_368 : i32 to vector<16xi32>
    %ne3A_370 = arith.cmpi ne, %get3A_367, %ne3A_369 : vector<16xi32>
    %broadcast_in_dim3A_371 = arith.constant 1 : i32
    %broadcast_in_dim3A_372 = vector.broadcast %broadcast_in_dim3A_371 : i32 to vector<16xi32>
    %jit3A_373 = arith.constant 1024 : i32
    %broadcast_in_dim3A_374 = vector.broadcast %jit3A_373 : i32 to vector<16xi32>
    %select_n3A_375 = arith.select %ne3A_370, %broadcast_in_dim3A_374, %get3A_365 : vector<16xi1>, vector<16xi32>
    %gather3A_376 = tpu.vector_load_idx %arg7[%broadcast_in_dim3A_372, %select_n3A_375] : memref<8x1152xf32, #tpu.memory_space<vmem>>[vector<16xi32>, vector<16xi32>], vector<16xf32>,
    %convert_element_type3A_377 = arith.sitofp %get3A_365 : vector<16xi32> to vector<16xf32>
    %jit3A_378 = arith.constant -1.000000e+00 : f32
    %broadcast_in_dim3A_379 = vector.broadcast %jit3A_378 : f32 to vector<16xf32>
    %select_n3A_380 = arith.select %ne3A_370, %convert_element_type3A_377, %broadcast_in_dim3A_379 : vector<16xi1>, vector<16xf32>
    %sub3A_381 = arith.subf %gather3A_376, %select_n3A_380 : vector<16xf32>
    %abs3A_382 = math.absf %sub3A_381 : vector<16xf32>
    %add3A_383 = arith.addf %add3A_359, %abs3A_382 : vector<16xf32>
    %get3A_384 = arith.constant 1 : i32
    %get3A_385 = arith.constant 0 : i32
    %get3A_386 = arith.index_cast %get3A_384 : i32 to index
    %get3A_387 = arith.index_cast %get3A_385 : i32 to index
    %get3A_388 = arith.constant 112 : index
    %get3A_389 = tpu.vector_load %arg8[%get3A_386, %get3A_387, %get3A_388] {strides = array<i32>} : memref<8x1x128xi32, #tpu.memory_space<vmem>>, vector<16xi32>,
    %get3A_390 = arith.constant 240 : index
    %get3A_391 = tpu.vector_load %arg9[%get3A_390] {strides = array<i32>} : memref<1024xi32, #tpu.memory_space<vmem>>, vector<16xi32>,
    %ne3A_392 = arith.constant 0 : i32
    %ne3A_393 = vector.broadcast %ne3A_392 : i32 to vector<16xi32>
    %ne3A_394 = arith.cmpi ne, %get3A_391, %ne3A_393 : vector<16xi32>
    %broadcast_in_dim3A_395 = arith.constant 1 : i32
    %broadcast_in_dim3A_396 = vector.broadcast %broadcast_in_dim3A_395 : i32 to vector<16xi32>
    %jit3A_397 = arith.constant 1024 : i32
    %broadcast_in_dim3A_398 = vector.broadcast %jit3A_397 : i32 to vector<16xi32>
    %select_n3A_399 = arith.select %ne3A_394, %broadcast_in_dim3A_398, %get3A_389 : vector<16xi1>, vector<16xi32>
    %gather3A_400 = tpu.vector_load_idx %arg7[%broadcast_in_dim3A_396, %select_n3A_399] : memref<8x1152xf32, #tpu.memory_space<vmem>>[vector<16xi32>, vector<16xi32>], vector<16xf32>,
    %convert_element_type3A_401 = arith.sitofp %get3A_389 : vector<16xi32> to vector<16xf32>
    %jit3A_402 = arith.constant -1.000000e+00 : f32
    %broadcast_in_dim3A_403 = vector.broadcast %jit3A_402 : f32 to vector<16xf32>
    %select_n3A_404 = arith.select %ne3A_394, %convert_element_type3A_401, %broadcast_in_dim3A_403 : vector<16xi1>, vector<16xf32>
    %sub3A_405 = arith.subf %gather3A_400, %select_n3A_404 : vector<16xf32>
    %abs3A_406 = math.absf %sub3A_405 : vector<16xf32>
    %add3A_407 = arith.addf %add3A_383, %abs3A_406 : vector<16xf32>
    %get3A_408 = arith.constant 2 : i32
    %get3A_409 = arith.constant 0 : i32
    %get3A_410 = arith.index_cast %get3A_408 : i32 to index
    %get3A_411 = arith.index_cast %get3A_409 : i32 to index
    %get3A_412 = arith.constant 0 : index
    %get3A_413 = tpu.vector_load %arg8[%get3A_410, %get3A_411, %get3A_412] {strides = array<i32>} : memref<8x1x128xi32, #tpu.memory_space<vmem>>, vector<16xi32>,
    %get3A_414 = arith.constant 256 : index
    %get3A_415 = tpu.vector_load %arg9[%get3A_414] {strides = array<i32>} : memref<1024xi32, #tpu.memory_space<vmem>>, vector<16xi32>,
    %ne3A_416 = arith.constant 0 : i32
    %ne3A_417 = vector.broadcast %ne3A_416 : i32 to vector<16xi32>
    %ne3A_418 = arith.cmpi ne, %get3A_415, %ne3A_417 : vector<16xi32>
    %broadcast_in_dim3A_419 = arith.constant 2 : i32
    %broadcast_in_dim3A_420 = vector.broadcast %broadcast_in_dim3A_419 : i32 to vector<16xi32>
    %jit3A_421 = arith.constant 1024 : i32
    %broadcast_in_dim3A_422 = vector.broadcast %jit3A_421 : i32 to vector<16xi32>
    %select_n3A_423 = arith.select %ne3A_418, %broadcast_in_dim3A_422, %get3A_413 : vector<16xi1>, vector<16xi32>
    %gather3A_424 = tpu.vector_load_idx %arg7[%broadcast_in_dim3A_420, %select_n3A_423] : memref<8x1152xf32, #tpu.memory_space<vmem>>[vector<16xi32>, vector<16xi32>], vector<16xf32>,
    %convert_element_type3A_425 = arith.sitofp %get3A_413 : vector<16xi32> to vector<16xf32>
    %jit3A_426 = arith.constant -1.000000e+00 : f32
    %broadcast_in_dim3A_427 = vector.broadcast %jit3A_426 : f32 to vector<16xf32>
    %select_n3A_428 = arith.select %ne3A_418, %convert_element_type3A_425, %broadcast_in_dim3A_427 : vector<16xi1>, vector<16xf32>
    %sub3A_429 = arith.subf %gather3A_424, %select_n3A_428 : vector<16xf32>
    %abs3A_430 = math.absf %sub3A_429 : vector<16xf32>
    %add3A_431 = arith.addf %add3A_407, %abs3A_430 : vector<16xf32>
    %get3A_432 = arith.constant 2 : i32
    %get3A_433 = arith.constant 0 : i32
    %get3A_434 = arith.index_cast %get3A_432 : i32 to index
    %get3A_435 = arith.index_cast %get3A_433 : i32 to index
    %get3A_436 = arith.constant 16 : index
    %get3A_437 = tpu.vector_load %arg8[%get3A_434, %get3A_435, %get3A_436] {strides = array<i32>} : memref<8x1x128xi32, #tpu.memory_space<vmem>>, vector<16xi32>,
    %get3A_438 = arith.constant 272 : index
    %get3A_439 = tpu.vector_load %arg9[%get3A_438] {strides = array<i32>} : memref<1024xi32, #tpu.memory_space<vmem>>, vector<16xi32>,
    %ne3A_440 = arith.constant 0 : i32
    %ne3A_441 = vector.broadcast %ne3A_440 : i32 to vector<16xi32>
    %ne3A_442 = arith.cmpi ne, %get3A_439, %ne3A_441 : vector<16xi32>
    %broadcast_in_dim3A_443 = arith.constant 2 : i32
    %broadcast_in_dim3A_444 = vector.broadcast %broadcast_in_dim3A_443 : i32 to vector<16xi32>
    %jit3A_445 = arith.constant 1024 : i32
    %broadcast_in_dim3A_446 = vector.broadcast %jit3A_445 : i32 to vector<16xi32>
    %select_n3A_447 = arith.select %ne3A_442, %broadcast_in_dim3A_446, %get3A_437 : vector<16xi1>, vector<16xi32>
    %gather3A_448 = tpu.vector_load_idx %arg7[%broadcast_in_dim3A_444, %select_n3A_447] : memref<8x1152xf32, #tpu.memory_space<vmem>>[vector<16xi32>, vector<16xi32>], vector<16xf32>,
    %convert_element_type3A_449 = arith.sitofp %get3A_437 : vector<16xi32> to vector<16xf32>
    %jit3A_450 = arith.constant -1.000000e+00 : f32
    %broadcast_in_dim3A_451 = vector.broadcast %jit3A_450 : f32 to vector<16xf32>
    %select_n3A_452 = arith.select %ne3A_442, %convert_element_type3A_449, %broadcast_in_dim3A_451 : vector<16xi1>, vector<16xf32>
    %sub3A_453 = arith.subf %gather3A_448, %select_n3A_452 : vector<16xf32>
    %abs3A_454 = math.absf %sub3A_453 : vector<16xf32>
    %add3A_455 = arith.addf %add3A_431, %abs3A_454 : vector<16xf32>
    %get3A_456 = arith.constant 2 : i32
    %get3A_457 = arith.constant 0 : i32
    %get3A_458 = arith.index_cast %get3A_456 : i32 to index
    %get3A_459 = arith.index_cast %get3A_457 : i32 to index
    %get3A_460 = arith.constant 32 : index
    %get3A_461 = tpu.vector_load %arg8[%get3A_458, %get3A_459, %get3A_460] {strides = array<i32>} : memref<8x1x128xi32, #tpu.memory_space<vmem>>, vector<16xi32>,
    %get3A_462 = arith.constant 288 : index
    %get3A_463 = tpu.vector_load %arg9[%get3A_462] {strides = array<i32>} : memref<1024xi32, #tpu.memory_space<vmem>>, vector<16xi32>,
    %ne3A_464 = arith.constant 0 : i32
    %ne3A_465 = vector.broadcast %ne3A_464 : i32 to vector<16xi32>
    %ne3A_466 = arith.cmpi ne, %get3A_463, %ne3A_465 : vector<16xi32>
    %broadcast_in_dim3A_467 = arith.constant 2 : i32
    %broadcast_in_dim3A_468 = vector.broadcast %broadcast_in_dim3A_467 : i32 to vector<16xi32>
    %jit3A_469 = arith.constant 1024 : i32
    %broadcast_in_dim3A_470 = vector.broadcast %jit3A_469 : i32 to vector<16xi32>
    %select_n3A_471 = arith.select %ne3A_466, %broadcast_in_dim3A_470, %get3A_461 : vector<16xi1>, vector<16xi32>
    %gather3A_472 = tpu.vector_load_idx %arg7[%broadcast_in_dim3A_468, %select_n3A_471] : memref<8x1152xf32, #tpu.memory_space<vmem>>[vector<16xi32>, vector<16xi32>], vector<16xf32>,
    %convert_element_type3A_473 = arith.sitofp %get3A_461 : vector<16xi32> to vector<16xf32>
    %jit3A_474 = arith.constant -1.000000e+00 : f32
    %broadcast_in_dim3A_475 = vector.broadcast %jit3A_474 : f32 to vector<16xf32>
    %select_n3A_476 = arith.select %ne3A_466, %convert_element_type3A_473, %broadcast_in_dim3A_475 : vector<16xi1>, vector<16xf32>
    %sub3A_477 = arith.subf %gather3A_472, %select_n3A_476 : vector<16xf32>
    %abs3A_478 = math.absf %sub3A_477 : vector<16xf32>
    %add3A_479 = arith.addf %add3A_455, %abs3A_478 : vector<16xf32>
    %get3A_480 = arith.constant 2 : i32
    %get3A_481 = arith.constant 0 : i32
    %get3A_482 = arith.index_cast %get3A_480 : i32 to index
    %get3A_483 = arith.index_cast %get3A_481 : i32 to index
    %get3A_484 = arith.constant 48 : index
    %get3A_485 = tpu.vector_load %arg8[%get3A_482, %get3A_483, %get3A_484] {strides = array<i32>} : memref<8x1x128xi32, #tpu.memory_space<vmem>>, vector<16xi32>,
    %get3A_486 = arith.constant 304 : index
    %get3A_487 = tpu.vector_load %arg9[%get3A_486] {strides = array<i32>} : memref<1024xi32, #tpu.memory_space<vmem>>, vector<16xi32>,
    %ne3A_488 = arith.constant 0 : i32
    %ne3A_489 = vector.broadcast %ne3A_488 : i32 to vector<16xi32>
    %ne3A_490 = arith.cmpi ne, %get3A_487, %ne3A_489 : vector<16xi32>
    %broadcast_in_dim3A_491 = arith.constant 2 : i32
    %broadcast_in_dim3A_492 = vector.broadcast %broadcast_in_dim3A_491 : i32 to vector<16xi32>
    %jit3A_493 = arith.constant 1024 : i32
    %broadcast_in_dim3A_494 = vector.broadcast %jit3A_493 : i32 to vector<16xi32>
    %select_n3A_495 = arith.select %ne3A_490, %broadcast_in_dim3A_494, %get3A_485 : vector<16xi1>, vector<16xi32>
    %gather3A_496 = tpu.vector_load_idx %arg7[%broadcast_in_dim3A_492, %select_n3A_495] : memref<8x1152xf32, #tpu.memory_space<vmem>>[vector<16xi32>, vector<16xi32>], vector<16xf32>,
    %convert_element_type3A_497 = arith.sitofp %get3A_485 : vector<16xi32> to vector<16xf32>
    %jit3A_498 = arith.constant -1.000000e+00 : f32
    %broadcast_in_dim3A_499 = vector.broadcast %jit3A_498 : f32 to vector<16xf32>
    %select_n3A_500 = arith.select %ne3A_490, %convert_element_type3A_497, %broadcast_in_dim3A_499 : vector<16xi1>, vector<16xf32>
    %sub3A_501 = arith.subf %gather3A_496, %select_n3A_500 : vector<16xf32>
    %abs3A_502 = math.absf %sub3A_501 : vector<16xf32>
    %add3A_503 = arith.addf %add3A_479, %abs3A_502 : vector<16xf32>
    %get3A_504 = arith.constant 2 : i32
    %get3A_505 = arith.constant 0 : i32
    %get3A_506 = arith.index_cast %get3A_504 : i32 to index
    %get3A_507 = arith.index_cast %get3A_505 : i32 to index
    %get3A_508 = arith.constant 64 : index
    %get3A_509 = tpu.vector_load %arg8[%get3A_506, %get3A_507, %get3A_508] {strides = array<i32>} : memref<8x1x128xi32, #tpu.memory_space<vmem>>, vector<16xi32>,
    %get3A_510 = arith.constant 320 : index
    %get3A_511 = tpu.vector_load %arg9[%get3A_510] {strides = array<i32>} : memref<1024xi32, #tpu.memory_space<vmem>>, vector<16xi32>,
    %ne3A_512 = arith.constant 0 : i32
    %ne3A_513 = vector.broadcast %ne3A_512 : i32 to vector<16xi32>
    %ne3A_514 = arith.cmpi ne, %get3A_511, %ne3A_513 : vector<16xi32>
    %broadcast_in_dim3A_515 = arith.constant 2 : i32
    %broadcast_in_dim3A_516 = vector.broadcast %broadcast_in_dim3A_515 : i32 to vector<16xi32>
    %jit3A_517 = arith.constant 1024 : i32
    %broadcast_in_dim3A_518 = vector.broadcast %jit3A_517 : i32 to vector<16xi32>
    %select_n3A_519 = arith.select %ne3A_514, %broadcast_in_dim3A_518, %get3A_509 : vector<16xi1>, vector<16xi32>
    %gather3A_520 = tpu.vector_load_idx %arg7[%broadcast_in_dim3A_516, %select_n3A_519] : memref<8x1152xf32, #tpu.memory_space<vmem>>[vector<16xi32>, vector<16xi32>], vector<16xf32>,
    %convert_element_type3A_521 = arith.sitofp %get3A_509 : vector<16xi32> to vector<16xf32>
    %jit3A_522 = arith.constant -1.000000e+00 : f32
    %broadcast_in_dim3A_523 = vector.broadcast %jit3A_522 : f32 to vector<16xf32>
    %select_n3A_524 = arith.select %ne3A_514, %convert_element_type3A_521, %broadcast_in_dim3A_523 : vector<16xi1>, vector<16xf32>
    %sub3A_525 = arith.subf %gather3A_520, %select_n3A_524 : vector<16xf32>
    %abs3A_526 = math.absf %sub3A_525 : vector<16xf32>
    %add3A_527 = arith.addf %add3A_503, %abs3A_526 : vector<16xf32>
    %get3A_528 = arith.constant 2 : i32
    %get3A_529 = arith.constant 0 : i32
    %get3A_530 = arith.index_cast %get3A_528 : i32 to index
    %get3A_531 = arith.index_cast %get3A_529 : i32 to index
    %get3A_532 = arith.constant 80 : index
    %get3A_533 = tpu.vector_load %arg8[%get3A_530, %get3A_531, %get3A_532] {strides = array<i32>} : memref<8x1x128xi32, #tpu.memory_space<vmem>>, vector<16xi32>,
    %get3A_534 = arith.constant 336 : index
    %get3A_535 = tpu.vector_load %arg9[%get3A_534] {strides = array<i32>} : memref<1024xi32, #tpu.memory_space<vmem>>, vector<16xi32>,
    %ne3A_536 = arith.constant 0 : i32
    %ne3A_537 = vector.broadcast %ne3A_536 : i32 to vector<16xi32>
    %ne3A_538 = arith.cmpi ne, %get3A_535, %ne3A_537 : vector<16xi32>
    %broadcast_in_dim3A_539 = arith.constant 2 : i32
    %broadcast_in_dim3A_540 = vector.broadcast %broadcast_in_dim3A_539 : i32 to vector<16xi32>
    %jit3A_541 = arith.constant 1024 : i32
    %broadcast_in_dim3A_542 = vector.broadcast %jit3A_541 : i32 to vector<16xi32>
    %select_n3A_543 = arith.select %ne3A_538, %broadcast_in_dim3A_542, %get3A_533 : vector<16xi1>, vector<16xi32>
    %gather3A_544 = tpu.vector_load_idx %arg7[%broadcast_in_dim3A_540, %select_n3A_543] : memref<8x1152xf32, #tpu.memory_space<vmem>>[vector<16xi32>, vector<16xi32>], vector<16xf32>,
    %convert_element_type3A_545 = arith.sitofp %get3A_533 : vector<16xi32> to vector<16xf32>
    %jit3A_546 = arith.constant -1.000000e+00 : f32
    %broadcast_in_dim3A_547 = vector.broadcast %jit3A_546 : f32 to vector<16xf32>
    %select_n3A_548 = arith.select %ne3A_538, %convert_element_type3A_545, %broadcast_in_dim3A_547 : vector<16xi1>, vector<16xf32>
    %sub3A_549 = arith.subf %gather3A_544, %select_n3A_548 : vector<16xf32>
    %abs3A_550 = math.absf %sub3A_549 : vector<16xf32>
    %add3A_551 = arith.addf %add3A_527, %abs3A_550 : vector<16xf32>
    %get3A_552 = arith.constant 2 : i32
    %get3A_553 = arith.constant 0 : i32
    %get3A_554 = arith.index_cast %get3A_552 : i32 to index
    %get3A_555 = arith.index_cast %get3A_553 : i32 to index
    %get3A_556 = arith.constant 96 : index
    %get3A_557 = tpu.vector_load %arg8[%get3A_554, %get3A_555, %get3A_556] {strides = array<i32>} : memref<8x1x128xi32, #tpu.memory_space<vmem>>, vector<16xi32>,
    %get3A_558 = arith.constant 352 : index
    %get3A_559 = tpu.vector_load %arg9[%get3A_558] {strides = array<i32>} : memref<1024xi32, #tpu.memory_space<vmem>>, vector<16xi32>,
    %ne3A_560 = arith.constant 0 : i32
    %ne3A_561 = vector.broadcast %ne3A_560 : i32 to vector<16xi32>
    %ne3A_562 = arith.cmpi ne, %get3A_559, %ne3A_561 : vector<16xi32>
    %broadcast_in_dim3A_563 = arith.constant 2 : i32
    %broadcast_in_dim3A_564 = vector.broadcast %broadcast_in_dim3A_563 : i32 to vector<16xi32>
    %jit3A_565 = arith.constant 1024 : i32
    %broadcast_in_dim3A_566 = vector.broadcast %jit3A_565 : i32 to vector<16xi32>
    %select_n3A_567 = arith.select %ne3A_562, %broadcast_in_dim3A_566, %get3A_557 : vector<16xi1>, vector<16xi32>
    %gather3A_568 = tpu.vector_load_idx %arg7[%broadcast_in_dim3A_564, %select_n3A_567] : memref<8x1152xf32, #tpu.memory_space<vmem>>[vector<16xi32>, vector<16xi32>], vector<16xf32>,
    %convert_element_type3A_569 = arith.sitofp %get3A_557 : vector<16xi32> to vector<16xf32>
    %jit3A_570 = arith.constant -1.000000e+00 : f32
    %broadcast_in_dim3A_571 = vector.broadcast %jit3A_570 : f32 to vector<16xf32>
    %select_n3A_572 = arith.select %ne3A_562, %convert_element_type3A_569, %broadcast_in_dim3A_571 : vector<16xi1>, vector<16xf32>
    %sub3A_573 = arith.subf %gather3A_568, %select_n3A_572 : vector<16xf32>
    %abs3A_574 = math.absf %sub3A_573 : vector<16xf32>
    %add3A_575 = arith.addf %add3A_551, %abs3A_574 : vector<16xf32>
    %get3A_576 = arith.constant 2 : i32
    %get3A_577 = arith.constant 0 : i32
    %get3A_578 = arith.index_cast %get3A_576 : i32 to index
    %get3A_579 = arith.index_cast %get3A_577 : i32 to index
    %get3A_580 = arith.constant 112 : index
    %get3A_581 = tpu.vector_load %arg8[%get3A_578, %get3A_579, %get3A_580] {strides = array<i32>} : memref<8x1x128xi32, #tpu.memory_space<vmem>>, vector<16xi32>,
    %get3A_582 = arith.constant 368 : index
    %get3A_583 = tpu.vector_load %arg9[%get3A_582] {strides = array<i32>} : memref<1024xi32, #tpu.memory_space<vmem>>, vector<16xi32>,
    %ne3A_584 = arith.constant 0 : i32
    %ne3A_585 = vector.broadcast %ne3A_584 : i32 to vector<16xi32>
    %ne3A_586 = arith.cmpi ne, %get3A_583, %ne3A_585 : vector<16xi32>
    %broadcast_in_dim3A_587 = arith.constant 2 : i32
    %broadcast_in_dim3A_588 = vector.broadcast %broadcast_in_dim3A_587 : i32 to vector<16xi32>
    %jit3A_589 = arith.constant 1024 : i32
    %broadcast_in_dim3A_590 = vector.broadcast %jit3A_589 : i32 to vector<16xi32>
    %select_n3A_591 = arith.select %ne3A_586, %broadcast_in_dim3A_590, %get3A_581 : vector<16xi1>, vector<16xi32>
    %gather3A_592 = tpu.vector_load_idx %arg7[%broadcast_in_dim3A_588, %select_n3A_591] : memref<8x1152xf32, #tpu.memory_space<vmem>>[vector<16xi32>, vector<16xi32>], vector<16xf32>,
    %convert_element_type3A_593 = arith.sitofp %get3A_581 : vector<16xi32> to vector<16xf32>
    %jit3A_594 = arith.constant -1.000000e+00 : f32
    %broadcast_in_dim3A_595 = vector.broadcast %jit3A_594 : f32 to vector<16xf32>
    %select_n3A_596 = arith.select %ne3A_586, %convert_element_type3A_593, %broadcast_in_dim3A_595 : vector<16xi1>, vector<16xf32>
    %sub3A_597 = arith.subf %gather3A_592, %select_n3A_596 : vector<16xf32>
    %abs3A_598 = math.absf %sub3A_597 : vector<16xf32>
    %add3A_599 = arith.addf %add3A_575, %abs3A_598 : vector<16xf32>
    %get3A_600 = arith.constant 3 : i32
    %get3A_601 = arith.constant 0 : i32
    %get3A_602 = arith.index_cast %get3A_600 : i32 to index
    %get3A_603 = arith.index_cast %get3A_601 : i32 to index
    %get3A_604 = arith.constant 0 : index
    %get3A_605 = tpu.vector_load %arg8[%get3A_602, %get3A_603, %get3A_604] {strides = array<i32>} : memref<8x1x128xi32, #tpu.memory_space<vmem>>, vector<16xi32>,
    %get3A_606 = arith.constant 384 : index
    %get3A_607 = tpu.vector_load %arg9[%get3A_606] {strides = array<i32>} : memref<1024xi32, #tpu.memory_space<vmem>>, vector<16xi32>,
    %ne3A_608 = arith.constant 0 : i32
    %ne3A_609 = vector.broadcast %ne3A_608 : i32 to vector<16xi32>
    %ne3A_610 = arith.cmpi ne, %get3A_607, %ne3A_609 : vector<16xi32>
    %broadcast_in_dim3A_611 = arith.constant 3 : i32
    %broadcast_in_dim3A_612 = vector.broadcast %broadcast_in_dim3A_611 : i32 to vector<16xi32>
    %jit3A_613 = arith.constant 1024 : i32
    %broadcast_in_dim3A_614 = vector.broadcast %jit3A_613 : i32 to vector<16xi32>
    %select_n3A_615 = arith.select %ne3A_610, %broadcast_in_dim3A_614, %get3A_605 : vector<16xi1>, vector<16xi32>
    %gather3A_616 = tpu.vector_load_idx %arg7[%broadcast_in_dim3A_612, %select_n3A_615] : memref<8x1152xf32, #tpu.memory_space<vmem>>[vector<16xi32>, vector<16xi32>], vector<16xf32>,
    %convert_element_type3A_617 = arith.sitofp %get3A_605 : vector<16xi32> to vector<16xf32>
    %jit3A_618 = arith.constant -1.000000e+00 : f32
    %broadcast_in_dim3A_619 = vector.broadcast %jit3A_618 : f32 to vector<16xf32>
    %select_n3A_620 = arith.select %ne3A_610, %convert_element_type3A_617, %broadcast_in_dim3A_619 : vector<16xi1>, vector<16xf32>
    %sub3A_621 = arith.subf %gather3A_616, %select_n3A_620 : vector<16xf32>
    %abs3A_622 = math.absf %sub3A_621 : vector<16xf32>
    %add3A_623 = arith.addf %add3A_599, %abs3A_622 : vector<16xf32>
    %get3A_624 = arith.constant 3 : i32
    %get3A_625 = arith.constant 0 : i32
    %get3A_626 = arith.index_cast %get3A_624 : i32 to index
    %get3A_627 = arith.index_cast %get3A_625 : i32 to index
    %get3A_628 = arith.constant 16 : index
    %get3A_629 = tpu.vector_load %arg8[%get3A_626, %get3A_627, %get3A_628] {strides = array<i32>} : memref<8x1x128xi32, #tpu.memory_space<vmem>>, vector<16xi32>,
    %get3A_630 = arith.constant 400 : index
    %get3A_631 = tpu.vector_load %arg9[%get3A_630] {strides = array<i32>} : memref<1024xi32, #tpu.memory_space<vmem>>, vector<16xi32>,
    %ne3A_632 = arith.constant 0 : i32
    %ne3A_633 = vector.broadcast %ne3A_632 : i32 to vector<16xi32>
    %ne3A_634 = arith.cmpi ne, %get3A_631, %ne3A_633 : vector<16xi32>
    %broadcast_in_dim3A_635 = arith.constant 3 : i32
    %broadcast_in_dim3A_636 = vector.broadcast %broadcast_in_dim3A_635 : i32 to vector<16xi32>
    %jit3A_637 = arith.constant 1024 : i32
    %broadcast_in_dim3A_638 = vector.broadcast %jit3A_637 : i32 to vector<16xi32>
    %select_n3A_639 = arith.select %ne3A_634, %broadcast_in_dim3A_638, %get3A_629 : vector<16xi1>, vector<16xi32>
    %gather3A_640 = tpu.vector_load_idx %arg7[%broadcast_in_dim3A_636, %select_n3A_639] : memref<8x1152xf32, #tpu.memory_space<vmem>>[vector<16xi32>, vector<16xi32>], vector<16xf32>,
    %convert_element_type3A_641 = arith.sitofp %get3A_629 : vector<16xi32> to vector<16xf32>
    %jit3A_642 = arith.constant -1.000000e+00 : f32
    %broadcast_in_dim3A_643 = vector.broadcast %jit3A_642 : f32 to vector<16xf32>
    %select_n3A_644 = arith.select %ne3A_634, %convert_element_type3A_641, %broadcast_in_dim3A_643 : vector<16xi1>, vector<16xf32>
    %sub3A_645 = arith.subf %gather3A_640, %select_n3A_644 : vector<16xf32>
    %abs3A_646 = math.absf %sub3A_645 : vector<16xf32>
    %add3A_647 = arith.addf %add3A_623, %abs3A_646 : vector<16xf32>
    %get3A_648 = arith.constant 3 : i32
    %get3A_649 = arith.constant 0 : i32
    %get3A_650 = arith.index_cast %get3A_648 : i32 to index
    %get3A_651 = arith.index_cast %get3A_649 : i32 to index
    %get3A_652 = arith.constant 32 : index
    %get3A_653 = tpu.vector_load %arg8[%get3A_650, %get3A_651, %get3A_652] {strides = array<i32>} : memref<8x1x128xi32, #tpu.memory_space<vmem>>, vector<16xi32>,
    %get3A_654 = arith.constant 416 : index
    %get3A_655 = tpu.vector_load %arg9[%get3A_654] {strides = array<i32>} : memref<1024xi32, #tpu.memory_space<vmem>>, vector<16xi32>,
    %ne3A_656 = arith.constant 0 : i32
    %ne3A_657 = vector.broadcast %ne3A_656 : i32 to vector<16xi32>
    %ne3A_658 = arith.cmpi ne, %get3A_655, %ne3A_657 : vector<16xi32>
    %broadcast_in_dim3A_659 = arith.constant 3 : i32
    %broadcast_in_dim3A_660 = vector.broadcast %broadcast_in_dim3A_659 : i32 to vector<16xi32>
    %jit3A_661 = arith.constant 1024 : i32
    %broadcast_in_dim3A_662 = vector.broadcast %jit3A_661 : i32 to vector<16xi32>
    %select_n3A_663 = arith.select %ne3A_658, %broadcast_in_dim3A_662, %get3A_653 : vector<16xi1>, vector<16xi32>
    %gather3A_664 = tpu.vector_load_idx %arg7[%broadcast_in_dim3A_660, %select_n3A_663] : memref<8x1152xf32, #tpu.memory_space<vmem>>[vector<16xi32>, vector<16xi32>], vector<16xf32>,
    %convert_element_type3A_665 = arith.sitofp %get3A_653 : vector<16xi32> to vector<16xf32>
    %jit3A_666 = arith.constant -1.000000e+00 : f32
    %broadcast_in_dim3A_667 = vector.broadcast %jit3A_666 : f32 to vector<16xf32>
    %select_n3A_668 = arith.select %ne3A_658, %convert_element_type3A_665, %broadcast_in_dim3A_667 : vector<16xi1>, vector<16xf32>
    %sub3A_669 = arith.subf %gather3A_664, %select_n3A_668 : vector<16xf32>
    %abs3A_670 = math.absf %sub3A_669 : vector<16xf32>
    %add3A_671 = arith.addf %add3A_647, %abs3A_670 : vector<16xf32>
    %get3A_672 = arith.constant 3 : i32
    %get3A_673 = arith.constant 0 : i32
    %get3A_674 = arith.index_cast %get3A_672 : i32 to index
    %get3A_675 = arith.index_cast %get3A_673 : i32 to index
    %get3A_676 = arith.constant 48 : index
    %get3A_677 = tpu.vector_load %arg8[%get3A_674, %get3A_675, %get3A_676] {strides = array<i32>} : memref<8x1x128xi32, #tpu.memory_space<vmem>>, vector<16xi32>,
    %get3A_678 = arith.constant 432 : index
    %get3A_679 = tpu.vector_load %arg9[%get3A_678] {strides = array<i32>} : memref<1024xi32, #tpu.memory_space<vmem>>, vector<16xi32>,
    %ne3A_680 = arith.constant 0 : i32
    %ne3A_681 = vector.broadcast %ne3A_680 : i32 to vector<16xi32>
    %ne3A_682 = arith.cmpi ne, %get3A_679, %ne3A_681 : vector<16xi32>
    %broadcast_in_dim3A_683 = arith.constant 3 : i32
    %broadcast_in_dim3A_684 = vector.broadcast %broadcast_in_dim3A_683 : i32 to vector<16xi32>
    %jit3A_685 = arith.constant 1024 : i32
    %broadcast_in_dim3A_686 = vector.broadcast %jit3A_685 : i32 to vector<16xi32>
    %select_n3A_687 = arith.select %ne3A_682, %broadcast_in_dim3A_686, %get3A_677 : vector<16xi1>, vector<16xi32>
    %gather3A_688 = tpu.vector_load_idx %arg7[%broadcast_in_dim3A_684, %select_n3A_687] : memref<8x1152xf32, #tpu.memory_space<vmem>>[vector<16xi32>, vector<16xi32>], vector<16xf32>,
    %convert_element_type3A_689 = arith.sitofp %get3A_677 : vector<16xi32> to vector<16xf32>
    %jit3A_690 = arith.constant -1.000000e+00 : f32
    %broadcast_in_dim3A_691 = vector.broadcast %jit3A_690 : f32 to vector<16xf32>
    %select_n3A_692 = arith.select %ne3A_682, %convert_element_type3A_689, %broadcast_in_dim3A_691 : vector<16xi1>, vector<16xf32>
    %sub3A_693 = arith.subf %gather3A_688, %select_n3A_692 : vector<16xf32>
    %abs3A_694 = math.absf %sub3A_693 : vector<16xf32>
    %add3A_695 = arith.addf %add3A_671, %abs3A_694 : vector<16xf32>
    %get3A_696 = arith.constant 3 : i32
    %get3A_697 = arith.constant 0 : i32
    %get3A_698 = arith.index_cast %get3A_696 : i32 to index
    %get3A_699 = arith.index_cast %get3A_697 : i32 to index
    %get3A_700 = arith.constant 64 : index
    %get3A_701 = tpu.vector_load %arg8[%get3A_698, %get3A_699, %get3A_700] {strides = array<i32>} : memref<8x1x128xi32, #tpu.memory_space<vmem>>, vector<16xi32>,
    %get3A_702 = arith.constant 448 : index
    %get3A_703 = tpu.vector_load %arg9[%get3A_702] {strides = array<i32>} : memref<1024xi32, #tpu.memory_space<vmem>>, vector<16xi32>,
    %ne3A_704 = arith.constant 0 : i32
    %ne3A_705 = vector.broadcast %ne3A_704 : i32 to vector<16xi32>
    %ne3A_706 = arith.cmpi ne, %get3A_703, %ne3A_705 : vector<16xi32>
    %broadcast_in_dim3A_707 = arith.constant 3 : i32
    %broadcast_in_dim3A_708 = vector.broadcast %broadcast_in_dim3A_707 : i32 to vector<16xi32>
    %jit3A_709 = arith.constant 1024 : i32
    %broadcast_in_dim3A_710 = vector.broadcast %jit3A_709 : i32 to vector<16xi32>
    %select_n3A_711 = arith.select %ne3A_706, %broadcast_in_dim3A_710, %get3A_701 : vector<16xi1>, vector<16xi32>
    %gather3A_712 = tpu.vector_load_idx %arg7[%broadcast_in_dim3A_708, %select_n3A_711] : memref<8x1152xf32, #tpu.memory_space<vmem>>[vector<16xi32>, vector<16xi32>], vector<16xf32>,
    %convert_element_type3A_713 = arith.sitofp %get3A_701 : vector<16xi32> to vector<16xf32>
    %jit3A_714 = arith.constant -1.000000e+00 : f32
    %broadcast_in_dim3A_715 = vector.broadcast %jit3A_714 : f32 to vector<16xf32>
    %select_n3A_716 = arith.select %ne3A_706, %convert_element_type3A_713, %broadcast_in_dim3A_715 : vector<16xi1>, vector<16xf32>
    %sub3A_717 = arith.subf %gather3A_712, %select_n3A_716 : vector<16xf32>
    %abs3A_718 = math.absf %sub3A_717 : vector<16xf32>
    %add3A_719 = arith.addf %add3A_695, %abs3A_718 : vector<16xf32>
    %get3A_720 = arith.constant 3 : i32
    %get3A_721 = arith.constant 0 : i32
    %get3A_722 = arith.index_cast %get3A_720 : i32 to index
    %get3A_723 = arith.index_cast %get3A_721 : i32 to index
    %get3A_724 = arith.constant 80 : index
    %get3A_725 = tpu.vector_load %arg8[%get3A_722, %get3A_723, %get3A_724] {strides = array<i32>} : memref<8x1x128xi32, #tpu.memory_space<vmem>>, vector<16xi32>,
    %get3A_726 = arith.constant 464 : index
    %get3A_727 = tpu.vector_load %arg9[%get3A_726] {strides = array<i32>} : memref<1024xi32, #tpu.memory_space<vmem>>, vector<16xi32>,
    %ne3A_728 = arith.constant 0 : i32
    %ne3A_729 = vector.broadcast %ne3A_728 : i32 to vector<16xi32>
    %ne3A_730 = arith.cmpi ne, %get3A_727, %ne3A_729 : vector<16xi32>
    %broadcast_in_dim3A_731 = arith.constant 3 : i32
    %broadcast_in_dim3A_732 = vector.broadcast %broadcast_in_dim3A_731 : i32 to vector<16xi32>
    %jit3A_733 = arith.constant 1024 : i32
    %broadcast_in_dim3A_734 = vector.broadcast %jit3A_733 : i32 to vector<16xi32>
    %select_n3A_735 = arith.select %ne3A_730, %broadcast_in_dim3A_734, %get3A_725 : vector<16xi1>, vector<16xi32>
    %gather3A_736 = tpu.vector_load_idx %arg7[%broadcast_in_dim3A_732, %select_n3A_735] : memref<8x1152xf32, #tpu.memory_space<vmem>>[vector<16xi32>, vector<16xi32>], vector<16xf32>,
    %convert_element_type3A_737 = arith.sitofp %get3A_725 : vector<16xi32> to vector<16xf32>
    %jit3A_738 = arith.constant -1.000000e+00 : f32
    %broadcast_in_dim3A_739 = vector.broadcast %jit3A_738 : f32 to vector<16xf32>
    %select_n3A_740 = arith.select %ne3A_730, %convert_element_type3A_737, %broadcast_in_dim3A_739 : vector<16xi1>, vector<16xf32>
    %sub3A_741 = arith.subf %gather3A_736, %select_n3A_740 : vector<16xf32>
    %abs3A_742 = math.absf %sub3A_741 : vector<16xf32>
    %add3A_743 = arith.addf %add3A_719, %abs3A_742 : vector<16xf32>
    %get3A_744 = arith.constant 3 : i32
    %get3A_745 = arith.constant 0 : i32
    %get3A_746 = arith.index_cast %get3A_744 : i32 to index
    %get3A_747 = arith.index_cast %get3A_745 : i32 to index
    %get3A_748 = arith.constant 96 : index
    %get3A_749 = tpu.vector_load %arg8[%get3A_746, %get3A_747, %get3A_748] {strides = array<i32>} : memref<8x1x128xi32, #tpu.memory_space<vmem>>, vector<16xi32>,
    %get3A_750 = arith.constant 480 : index
    %get3A_751 = tpu.vector_load %arg9[%get3A_750] {strides = array<i32>} : memref<1024xi32, #tpu.memory_space<vmem>>, vector<16xi32>,
    %ne3A_752 = arith.constant 0 : i32
    %ne3A_753 = vector.broadcast %ne3A_752 : i32 to vector<16xi32>
    %ne3A_754 = arith.cmpi ne, %get3A_751, %ne3A_753 : vector<16xi32>
    %broadcast_in_dim3A_755 = arith.constant 3 : i32
    %broadcast_in_dim3A_756 = vector.broadcast %broadcast_in_dim3A_755 : i32 to vector<16xi32>
    %jit3A_757 = arith.constant 1024 : i32
    %broadcast_in_dim3A_758 = vector.broadcast %jit3A_757 : i32 to vector<16xi32>
    %select_n3A_759 = arith.select %ne3A_754, %broadcast_in_dim3A_758, %get3A_749 : vector<16xi1>, vector<16xi32>
    %gather3A_760 = tpu.vector_load_idx %arg7[%broadcast_in_dim3A_756, %select_n3A_759] : memref<8x1152xf32, #tpu.memory_space<vmem>>[vector<16xi32>, vector<16xi32>], vector<16xf32>,
    %convert_element_type3A_761 = arith.sitofp %get3A_749 : vector<16xi32> to vector<16xf32>
    %jit3A_762 = arith.constant -1.000000e+00 : f32
    %broadcast_in_dim3A_763 = vector.broadcast %jit3A_762 : f32 to vector<16xf32>
    %select_n3A_764 = arith.select %ne3A_754, %convert_element_type3A_761, %broadcast_in_dim3A_763 : vector<16xi1>, vector<16xf32>
    %sub3A_765 = arith.subf %gather3A_760, %select_n3A_764 : vector<16xf32>
    %abs3A_766 = math.absf %sub3A_765 : vector<16xf32>
    %add3A_767 = arith.addf %add3A_743, %abs3A_766 : vector<16xf32>
    %get3A_768 = arith.constant 3 : i32
    %get3A_769 = arith.constant 0 : i32
    %get3A_770 = arith.index_cast %get3A_768 : i32 to index
    %get3A_771 = arith.index_cast %get3A_769 : i32 to index
    %get3A_772 = arith.constant 112 : index
    %get3A_773 = tpu.vector_load %arg8[%get3A_770, %get3A_771, %get3A_772] {strides = array<i32>} : memref<8x1x128xi32, #tpu.memory_space<vmem>>, vector<16xi32>,
    %get3A_774 = arith.constant 496 : index
    %get3A_775 = tpu.vector_load %arg9[%get3A_774] {strides = array<i32>} : memref<1024xi32, #tpu.memory_space<vmem>>, vector<16xi32>,
    %ne3A_776 = arith.constant 0 : i32
    %ne3A_777 = vector.broadcast %ne3A_776 : i32 to vector<16xi32>
    %ne3A_778 = arith.cmpi ne, %get3A_775, %ne3A_777 : vector<16xi32>
    %broadcast_in_dim3A_779 = arith.constant 3 : i32
    %broadcast_in_dim3A_780 = vector.broadcast %broadcast_in_dim3A_779 : i32 to vector<16xi32>
    %jit3A_781 = arith.constant 1024 : i32
    %broadcast_in_dim3A_782 = vector.broadcast %jit3A_781 : i32 to vector<16xi32>
    %select_n3A_783 = arith.select %ne3A_778, %broadcast_in_dim3A_782, %get3A_773 : vector<16xi1>, vector<16xi32>
    %gather3A_784 = tpu.vector_load_idx %arg7[%broadcast_in_dim3A_780, %select_n3A_783] : memref<8x1152xf32, #tpu.memory_space<vmem>>[vector<16xi32>, vector<16xi32>], vector<16xf32>,
    %convert_element_type3A_785 = arith.sitofp %get3A_773 : vector<16xi32> to vector<16xf32>
    %jit3A_786 = arith.constant -1.000000e+00 : f32
    %broadcast_in_dim3A_787 = vector.broadcast %jit3A_786 : f32 to vector<16xf32>
    %select_n3A_788 = arith.select %ne3A_778, %convert_element_type3A_785, %broadcast_in_dim3A_787 : vector<16xi1>, vector<16xf32>
    %sub3A_789 = arith.subf %gather3A_784, %select_n3A_788 : vector<16xf32>
    %abs3A_790 = math.absf %sub3A_789 : vector<16xf32>
    %add3A_791 = arith.addf %add3A_767, %abs3A_790 : vector<16xf32>
    %get3A_792 = arith.constant 4 : i32
    %get3A_793 = arith.constant 0 : i32
    %get3A_794 = arith.index_cast %get3A_792 : i32 to index
    %get3A_795 = arith.index_cast %get3A_793 : i32 to index
    %get3A_796 = arith.constant 0 : index
    %get3A_797 = tpu.vector_load %arg8[%get3A_794, %get3A_795, %get3A_796] {strides = array<i32>} : memref<8x1x128xi32, #tpu.memory_space<vmem>>, vector<16xi32>,
    %get3A_798 = arith.constant 512 : index
    %get3A_799 = tpu.vector_load %arg9[%get3A_798] {strides = array<i32>} : memref<1024xi32, #tpu.memory_space<vmem>>, vector<16xi32>,
    %ne3A_800 = arith.constant 0 : i32
    %ne3A_801 = vector.broadcast %ne3A_800 : i32 to vector<16xi32>
    %ne3A_802 = arith.cmpi ne, %get3A_799, %ne3A_801 : vector<16xi32>
    %broadcast_in_dim3A_803 = arith.constant 4 : i32
    %broadcast_in_dim3A_804 = vector.broadcast %broadcast_in_dim3A_803 : i32 to vector<16xi32>
    %jit3A_805 = arith.constant 1024 : i32
    %broadcast_in_dim3A_806 = vector.broadcast %jit3A_805 : i32 to vector<16xi32>
    %select_n3A_807 = arith.select %ne3A_802, %broadcast_in_dim3A_806, %get3A_797 : vector<16xi1>, vector<16xi32>
    %gather3A_808 = tpu.vector_load_idx %arg7[%broadcast_in_dim3A_804, %select_n3A_807] : memref<8x1152xf32, #tpu.memory_space<vmem>>[vector<16xi32>, vector<16xi32>], vector<16xf32>,
    %convert_element_type3A_809 = arith.sitofp %get3A_797 : vector<16xi32> to vector<16xf32>
    %jit3A_810 = arith.constant -1.000000e+00 : f32
    %broadcast_in_dim3A_811 = vector.broadcast %jit3A_810 : f32 to vector<16xf32>
    %select_n3A_812 = arith.select %ne3A_802, %convert_element_type3A_809, %broadcast_in_dim3A_811 : vector<16xi1>, vector<16xf32>
    %sub3A_813 = arith.subf %gather3A_808, %select_n3A_812 : vector<16xf32>
    %abs3A_814 = math.absf %sub3A_813 : vector<16xf32>
    %add3A_815 = arith.addf %add3A_791, %abs3A_814 : vector<16xf32>
    %get3A_816 = arith.constant 4 : i32
    %get3A_817 = arith.constant 0 : i32
    %get3A_818 = arith.index_cast %get3A_816 : i32 to index
    %get3A_819 = arith.index_cast %get3A_817 : i32 to index
    %get3A_820 = arith.constant 16 : index
    %get3A_821 = tpu.vector_load %arg8[%get3A_818, %get3A_819, %get3A_820] {strides = array<i32>} : memref<8x1x128xi32, #tpu.memory_space<vmem>>, vector<16xi32>,
    %get3A_822 = arith.constant 528 : index
    %get3A_823 = tpu.vector_load %arg9[%get3A_822] {strides = array<i32>} : memref<1024xi32, #tpu.memory_space<vmem>>, vector<16xi32>,
    %ne3A_824 = arith.constant 0 : i32
    %ne3A_825 = vector.broadcast %ne3A_824 : i32 to vector<16xi32>
    %ne3A_826 = arith.cmpi ne, %get3A_823, %ne3A_825 : vector<16xi32>
    %broadcast_in_dim3A_827 = arith.constant 4 : i32
    %broadcast_in_dim3A_828 = vector.broadcast %broadcast_in_dim3A_827 : i32 to vector<16xi32>
    %jit3A_829 = arith.constant 1024 : i32
    %broadcast_in_dim3A_830 = vector.broadcast %jit3A_829 : i32 to vector<16xi32>
    %select_n3A_831 = arith.select %ne3A_826, %broadcast_in_dim3A_830, %get3A_821 : vector<16xi1>, vector<16xi32>
    %gather3A_832 = tpu.vector_load_idx %arg7[%broadcast_in_dim3A_828, %select_n3A_831] : memref<8x1152xf32, #tpu.memory_space<vmem>>[vector<16xi32>, vector<16xi32>], vector<16xf32>,
    %convert_element_type3A_833 = arith.sitofp %get3A_821 : vector<16xi32> to vector<16xf32>
    %jit3A_834 = arith.constant -1.000000e+00 : f32
    %broadcast_in_dim3A_835 = vector.broadcast %jit3A_834 : f32 to vector<16xf32>
    %select_n3A_836 = arith.select %ne3A_826, %convert_element_type3A_833, %broadcast_in_dim3A_835 : vector<16xi1>, vector<16xf32>
    %sub3A_837 = arith.subf %gather3A_832, %select_n3A_836 : vector<16xf32>
    %abs3A_838 = math.absf %sub3A_837 : vector<16xf32>
    %add3A_839 = arith.addf %add3A_815, %abs3A_838 : vector<16xf32>
    %get3A_840 = arith.constant 4 : i32
    %get3A_841 = arith.constant 0 : i32
    %get3A_842 = arith.index_cast %get3A_840 : i32 to index
    %get3A_843 = arith.index_cast %get3A_841 : i32 to index
    %get3A_844 = arith.constant 32 : index
    %get3A_845 = tpu.vector_load %arg8[%get3A_842, %get3A_843, %get3A_844] {strides = array<i32>} : memref<8x1x128xi32, #tpu.memory_space<vmem>>, vector<16xi32>,
    %get3A_846 = arith.constant 544 : index
    %get3A_847 = tpu.vector_load %arg9[%get3A_846] {strides = array<i32>} : memref<1024xi32, #tpu.memory_space<vmem>>, vector<16xi32>,
    %ne3A_848 = arith.constant 0 : i32
    %ne3A_849 = vector.broadcast %ne3A_848 : i32 to vector<16xi32>
    %ne3A_850 = arith.cmpi ne, %get3A_847, %ne3A_849 : vector<16xi32>
    %broadcast_in_dim3A_851 = arith.constant 4 : i32
    %broadcast_in_dim3A_852 = vector.broadcast %broadcast_in_dim3A_851 : i32 to vector<16xi32>
    %jit3A_853 = arith.constant 1024 : i32
    %broadcast_in_dim3A_854 = vector.broadcast %jit3A_853 : i32 to vector<16xi32>
    %select_n3A_855 = arith.select %ne3A_850, %broadcast_in_dim3A_854, %get3A_845 : vector<16xi1>, vector<16xi32>
    %gather3A_856 = tpu.vector_load_idx %arg7[%broadcast_in_dim3A_852, %select_n3A_855] : memref<8x1152xf32, #tpu.memory_space<vmem>>[vector<16xi32>, vector<16xi32>], vector<16xf32>,
    %convert_element_type3A_857 = arith.sitofp %get3A_845 : vector<16xi32> to vector<16xf32>
    %jit3A_858 = arith.constant -1.000000e+00 : f32
    %broadcast_in_dim3A_859 = vector.broadcast %jit3A_858 : f32 to vector<16xf32>
    %select_n3A_860 = arith.select %ne3A_850, %convert_element_type3A_857, %broadcast_in_dim3A_859 : vector<16xi1>, vector<16xf32>
    %sub3A_861 = arith.subf %gather3A_856, %select_n3A_860 : vector<16xf32>
    %abs3A_862 = math.absf %sub3A_861 : vector<16xf32>
    %add3A_863 = arith.addf %add3A_839, %abs3A_862 : vector<16xf32>
    %get3A_864 = arith.constant 4 : i32
    %get3A_865 = arith.constant 0 : i32
    %get3A_866 = arith.index_cast %get3A_864 : i32 to index
    %get3A_867 = arith.index_cast %get3A_865 : i32 to index
    %get3A_868 = arith.constant 48 : index
    %get3A_869 = tpu.vector_load %arg8[%get3A_866, %get3A_867, %get3A_868] {strides = array<i32>} : memref<8x1x128xi32, #tpu.memory_space<vmem>>, vector<16xi32>,
    %get3A_870 = arith.constant 560 : index
    %get3A_871 = tpu.vector_load %arg9[%get3A_870] {strides = array<i32>} : memref<1024xi32, #tpu.memory_space<vmem>>, vector<16xi32>,
    %ne3A_872 = arith.constant 0 : i32
    %ne3A_873 = vector.broadcast %ne3A_872 : i32 to vector<16xi32>
    %ne3A_874 = arith.cmpi ne, %get3A_871, %ne3A_873 : vector<16xi32>
    %broadcast_in_dim3A_875 = arith.constant 4 : i32
    %broadcast_in_dim3A_876 = vector.broadcast %broadcast_in_dim3A_875 : i32 to vector<16xi32>
    %jit3A_877 = arith.constant 1024 : i32
    %broadcast_in_dim3A_878 = vector.broadcast %jit3A_877 : i32 to vector<16xi32>
    %select_n3A_879 = arith.select %ne3A_874, %broadcast_in_dim3A_878, %get3A_869 : vector<16xi1>, vector<16xi32>
    %gather3A_880 = tpu.vector_load_idx %arg7[%broadcast_in_dim3A_876, %select_n3A_879] : memref<8x1152xf32, #tpu.memory_space<vmem>>[vector<16xi32>, vector<16xi32>], vector<16xf32>,
    %convert_element_type3A_881 = arith.sitofp %get3A_869 : vector<16xi32> to vector<16xf32>
    %jit3A_882 = arith.constant -1.000000e+00 : f32
    %broadcast_in_dim3A_883 = vector.broadcast %jit3A_882 : f32 to vector<16xf32>
    %select_n3A_884 = arith.select %ne3A_874, %convert_element_type3A_881, %broadcast_in_dim3A_883 : vector<16xi1>, vector<16xf32>
    %sub3A_885 = arith.subf %gather3A_880, %select_n3A_884 : vector<16xf32>
    %abs3A_886 = math.absf %sub3A_885 : vector<16xf32>
    %add3A_887 = arith.addf %add3A_863, %abs3A_886 : vector<16xf32>
    %get3A_888 = arith.constant 4 : i32
    %get3A_889 = arith.constant 0 : i32
    %get3A_890 = arith.index_cast %get3A_888 : i32 to index
    %get3A_891 = arith.index_cast %get3A_889 : i32 to index
    %get3A_892 = arith.constant 64 : index
    %get3A_893 = tpu.vector_load %arg8[%get3A_890, %get3A_891, %get3A_892] {strides = array<i32>} : memref<8x1x128xi32, #tpu.memory_space<vmem>>, vector<16xi32>,
    %get3A_894 = arith.constant 576 : index
    %get3A_895 = tpu.vector_load %arg9[%get3A_894] {strides = array<i32>} : memref<1024xi32, #tpu.memory_space<vmem>>, vector<16xi32>,
    %ne3A_896 = arith.constant 0 : i32
    %ne3A_897 = vector.broadcast %ne3A_896 : i32 to vector<16xi32>
    %ne3A_898 = arith.cmpi ne, %get3A_895, %ne3A_897 : vector<16xi32>
    %broadcast_in_dim3A_899 = arith.constant 4 : i32
    %broadcast_in_dim3A_900 = vector.broadcast %broadcast_in_dim3A_899 : i32 to vector<16xi32>
    %jit3A_901 = arith.constant 1024 : i32
    %broadcast_in_dim3A_902 = vector.broadcast %jit3A_901 : i32 to vector<16xi32>
    %select_n3A_903 = arith.select %ne3A_898, %broadcast_in_dim3A_902, %get3A_893 : vector<16xi1>, vector<16xi32>
    %gather3A_904 = tpu.vector_load_idx %arg7[%broadcast_in_dim3A_900, %select_n3A_903] : memref<8x1152xf32, #tpu.memory_space<vmem>>[vector<16xi32>, vector<16xi32>], vector<16xf32>,
    %convert_element_type3A_905 = arith.sitofp %get3A_893 : vector<16xi32> to vector<16xf32>
    %jit3A_906 = arith.constant -1.000000e+00 : f32
    %broadcast_in_dim3A_907 = vector.broadcast %jit3A_906 : f32 to vector<16xf32>
    %select_n3A_908 = arith.select %ne3A_898, %convert_element_type3A_905, %broadcast_in_dim3A_907 : vector<16xi1>, vector<16xf32>
    %sub3A_909 = arith.subf %gather3A_904, %select_n3A_908 : vector<16xf32>
    %abs3A_910 = math.absf %sub3A_909 : vector<16xf32>
    %add3A_911 = arith.addf %add3A_887, %abs3A_910 : vector<16xf32>
    %get3A_912 = arith.constant 4 : i32
    %get3A_913 = arith.constant 0 : i32
    %get3A_914 = arith.index_cast %get3A_912 : i32 to index
    %get3A_915 = arith.index_cast %get3A_913 : i32 to index
    %get3A_916 = arith.constant 80 : index
    %get3A_917 = tpu.vector_load %arg8[%get3A_914, %get3A_915, %get3A_916] {strides = array<i32>} : memref<8x1x128xi32, #tpu.memory_space<vmem>>, vector<16xi32>,
    %get3A_918 = arith.constant 592 : index
    %get3A_919 = tpu.vector_load %arg9[%get3A_918] {strides = array<i32>} : memref<1024xi32, #tpu.memory_space<vmem>>, vector<16xi32>,
    %ne3A_920 = arith.constant 0 : i32
    %ne3A_921 = vector.broadcast %ne3A_920 : i32 to vector<16xi32>
    %ne3A_922 = arith.cmpi ne, %get3A_919, %ne3A_921 : vector<16xi32>
    %broadcast_in_dim3A_923 = arith.constant 4 : i32
    %broadcast_in_dim3A_924 = vector.broadcast %broadcast_in_dim3A_923 : i32 to vector<16xi32>
    %jit3A_925 = arith.constant 1024 : i32
    %broadcast_in_dim3A_926 = vector.broadcast %jit3A_925 : i32 to vector<16xi32>
    %select_n3A_927 = arith.select %ne3A_922, %broadcast_in_dim3A_926, %get3A_917 : vector<16xi1>, vector<16xi32>
    %gather3A_928 = tpu.vector_load_idx %arg7[%broadcast_in_dim3A_924, %select_n3A_927] : memref<8x1152xf32, #tpu.memory_space<vmem>>[vector<16xi32>, vector<16xi32>], vector<16xf32>,
    %convert_element_type3A_929 = arith.sitofp %get3A_917 : vector<16xi32> to vector<16xf32>
    %jit3A_930 = arith.constant -1.000000e+00 : f32
    %broadcast_in_dim3A_931 = vector.broadcast %jit3A_930 : f32 to vector<16xf32>
    %select_n3A_932 = arith.select %ne3A_922, %convert_element_type3A_929, %broadcast_in_dim3A_931 : vector<16xi1>, vector<16xf32>
    %sub3A_933 = arith.subf %gather3A_928, %select_n3A_932 : vector<16xf32>
    %abs3A_934 = math.absf %sub3A_933 : vector<16xf32>
    %add3A_935 = arith.addf %add3A_911, %abs3A_934 : vector<16xf32>
    %get3A_936 = arith.constant 4 : i32
    %get3A_937 = arith.constant 0 : i32
    %get3A_938 = arith.index_cast %get3A_936 : i32 to index
    %get3A_939 = arith.index_cast %get3A_937 : i32 to index
    %get3A_940 = arith.constant 96 : index
    %get3A_941 = tpu.vector_load %arg8[%get3A_938, %get3A_939, %get3A_940] {strides = array<i32>} : memref<8x1x128xi32, #tpu.memory_space<vmem>>, vector<16xi32>,
    %get3A_942 = arith.constant 608 : index
    %get3A_943 = tpu.vector_load %arg9[%get3A_942] {strides = array<i32>} : memref<1024xi32, #tpu.memory_space<vmem>>, vector<16xi32>,
    %ne3A_944 = arith.constant 0 : i32
    %ne3A_945 = vector.broadcast %ne3A_944 : i32 to vector<16xi32>
    %ne3A_946 = arith.cmpi ne, %get3A_943, %ne3A_945 : vector<16xi32>
    %broadcast_in_dim3A_947 = arith.constant 4 : i32
    %broadcast_in_dim3A_948 = vector.broadcast %broadcast_in_dim3A_947 : i32 to vector<16xi32>
    %jit3A_949 = arith.constant 1024 : i32
    %broadcast_in_dim3A_950 = vector.broadcast %jit3A_949 : i32 to vector<16xi32>
    %select_n3A_951 = arith.select %ne3A_946, %broadcast_in_dim3A_950, %get3A_941 : vector<16xi1>, vector<16xi32>
    %gather3A_952 = tpu.vector_load_idx %arg7[%broadcast_in_dim3A_948, %select_n3A_951] : memref<8x1152xf32, #tpu.memory_space<vmem>>[vector<16xi32>, vector<16xi32>], vector<16xf32>,
    %convert_element_type3A_953 = arith.sitofp %get3A_941 : vector<16xi32> to vector<16xf32>
    %jit3A_954 = arith.constant -1.000000e+00 : f32
    %broadcast_in_dim3A_955 = vector.broadcast %jit3A_954 : f32 to vector<16xf32>
    %select_n3A_956 = arith.select %ne3A_946, %convert_element_type3A_953, %broadcast_in_dim3A_955 : vector<16xi1>, vector<16xf32>
    %sub3A_957 = arith.subf %gather3A_952, %select_n3A_956 : vector<16xf32>
    %abs3A_958 = math.absf %sub3A_957 : vector<16xf32>
    %add3A_959 = arith.addf %add3A_935, %abs3A_958 : vector<16xf32>
    %get3A_960 = arith.constant 4 : i32
    %get3A_961 = arith.constant 0 : i32
    %get3A_962 = arith.index_cast %get3A_960 : i32 to index
    %get3A_963 = arith.index_cast %get3A_961 : i32 to index
    %get3A_964 = arith.constant 112 : index
    %get3A_965 = tpu.vector_load %arg8[%get3A_962, %get3A_963, %get3A_964] {strides = array<i32>} : memref<8x1x128xi32, #tpu.memory_space<vmem>>, vector<16xi32>,
    %get3A_966 = arith.constant 624 : index
    %get3A_967 = tpu.vector_load %arg9[%get3A_966] {strides = array<i32>} : memref<1024xi32, #tpu.memory_space<vmem>>, vector<16xi32>,
    %ne3A_968 = arith.constant 0 : i32
    %ne3A_969 = vector.broadcast %ne3A_968 : i32 to vector<16xi32>
    %ne3A_970 = arith.cmpi ne, %get3A_967, %ne3A_969 : vector<16xi32>
    %broadcast_in_dim3A_971 = arith.constant 4 : i32
    %broadcast_in_dim3A_972 = vector.broadcast %broadcast_in_dim3A_971 : i32 to vector<16xi32>
    %jit3A_973 = arith.constant 1024 : i32
    %broadcast_in_dim3A_974 = vector.broadcast %jit3A_973 : i32 to vector<16xi32>
    %select_n3A_975 = arith.select %ne3A_970, %broadcast_in_dim3A_974, %get3A_965 : vector<16xi1>, vector<16xi32>
    %gather3A_976 = tpu.vector_load_idx %arg7[%broadcast_in_dim3A_972, %select_n3A_975] : memref<8x1152xf32, #tpu.memory_space<vmem>>[vector<16xi32>, vector<16xi32>], vector<16xf32>,
    %convert_element_type3A_977 = arith.sitofp %get3A_965 : vector<16xi32> to vector<16xf32>
    %jit3A_978 = arith.constant -1.000000e+00 : f32
    %broadcast_in_dim3A_979 = vector.broadcast %jit3A_978 : f32 to vector<16xf32>
    %select_n3A_980 = arith.select %ne3A_970, %convert_element_type3A_977, %broadcast_in_dim3A_979 : vector<16xi1>, vector<16xf32>
    %sub3A_981 = arith.subf %gather3A_976, %select_n3A_980 : vector<16xf32>
    %abs3A_982 = math.absf %sub3A_981 : vector<16xf32>
    %add3A_983 = arith.addf %add3A_959, %abs3A_982 : vector<16xf32>
    %get3A_984 = arith.constant 5 : i32
    %get3A_985 = arith.constant 0 : i32
    %get3A_986 = arith.index_cast %get3A_984 : i32 to index
    %get3A_987 = arith.index_cast %get3A_985 : i32 to index
    %get3A_988 = arith.constant 0 : index
    %get3A_989 = tpu.vector_load %arg8[%get3A_986, %get3A_987, %get3A_988] {strides = array<i32>} : memref<8x1x128xi32, #tpu.memory_space<vmem>>, vector<16xi32>,
    %get3A_990 = arith.constant 640 : index
    %get3A_991 = tpu.vector_load %arg9[%get3A_990] {strides = array<i32>} : memref<1024xi32, #tpu.memory_space<vmem>>, vector<16xi32>,
    %ne3A_992 = arith.constant 0 : i32
    %ne3A_993 = vector.broadcast %ne3A_992 : i32 to vector<16xi32>
    %ne3A_994 = arith.cmpi ne, %get3A_991, %ne3A_993 : vector<16xi32>
    %broadcast_in_dim3A_995 = arith.constant 5 : i32
    %broadcast_in_dim3A_996 = vector.broadcast %broadcast_in_dim3A_995 : i32 to vector<16xi32>
    %jit3A_997 = arith.constant 1024 : i32
    %broadcast_in_dim3A_998 = vector.broadcast %jit3A_997 : i32 to vector<16xi32>
    %select_n3A_999 = arith.select %ne3A_994, %broadcast_in_dim3A_998, %get3A_989 : vector<16xi1>, vector<16xi32>
    %gather3A_1000 = tpu.vector_load_idx %arg7[%broadcast_in_dim3A_996, %select_n3A_999] : memref<8x1152xf32, #tpu.memory_space<vmem>>[vector<16xi32>, vector<16xi32>], vector<16xf32>,
    %convert_element_type3A_1001 = arith.sitofp %get3A_989 : vector<16xi32> to vector<16xf32>
    %jit3A_1002 = arith.constant -1.000000e+00 : f32
    %broadcast_in_dim3A_1003 = vector.broadcast %jit3A_1002 : f32 to vector<16xf32>
    %select_n3A_1004 = arith.select %ne3A_994, %convert_element_type3A_1001, %broadcast_in_dim3A_1003 : vector<16xi1>, vector<16xf32>
    %sub3A_1005 = arith.subf %gather3A_1000, %select_n3A_1004 : vector<16xf32>
    %abs3A_1006 = math.absf %sub3A_1005 : vector<16xf32>
    %add3A_1007 = arith.addf %add3A_983, %abs3A_1006 : vector<16xf32>
    %get3A_1008 = arith.constant 5 : i32
    %get3A_1009 = arith.constant 0 : i32
    %get3A_1010 = arith.index_cast %get3A_1008 : i32 to index
    %get3A_1011 = arith.index_cast %get3A_1009 : i32 to index
    %get3A_1012 = arith.constant 16 : index
    %get3A_1013 = tpu.vector_load %arg8[%get3A_1010, %get3A_1011, %get3A_1012] {strides = array<i32>} : memref<8x1x128xi32, #tpu.memory_space<vmem>>, vector<16xi32>,
    %get3A_1014 = arith.constant 656 : index
    %get3A_1015 = tpu.vector_load %arg9[%get3A_1014] {strides = array<i32>} : memref<1024xi32, #tpu.memory_space<vmem>>, vector<16xi32>,
    %ne3A_1016 = arith.constant 0 : i32
    %ne3A_1017 = vector.broadcast %ne3A_1016 : i32 to vector<16xi32>
    %ne3A_1018 = arith.cmpi ne, %get3A_1015, %ne3A_1017 : vector<16xi32>
    %broadcast_in_dim3A_1019 = arith.constant 5 : i32
    %broadcast_in_dim3A_1020 = vector.broadcast %broadcast_in_dim3A_1019 : i32 to vector<16xi32>
    %jit3A_1021 = arith.constant 1024 : i32
    %broadcast_in_dim3A_1022 = vector.broadcast %jit3A_1021 : i32 to vector<16xi32>
    %select_n3A_1023 = arith.select %ne3A_1018, %broadcast_in_dim3A_1022, %get3A_1013 : vector<16xi1>, vector<16xi32>
    %gather3A_1024 = tpu.vector_load_idx %arg7[%broadcast_in_dim3A_1020, %select_n3A_1023] : memref<8x1152xf32, #tpu.memory_space<vmem>>[vector<16xi32>, vector<16xi32>], vector<16xf32>,
    %convert_element_type3A_1025 = arith.sitofp %get3A_1013 : vector<16xi32> to vector<16xf32>
    %jit3A_1026 = arith.constant -1.000000e+00 : f32
    %broadcast_in_dim3A_1027 = vector.broadcast %jit3A_1026 : f32 to vector<16xf32>
    %select_n3A_1028 = arith.select %ne3A_1018, %convert_element_type3A_1025, %broadcast_in_dim3A_1027 : vector<16xi1>, vector<16xf32>
    %sub3A_1029 = arith.subf %gather3A_1024, %select_n3A_1028 : vector<16xf32>
    %abs3A_1030 = math.absf %sub3A_1029 : vector<16xf32>
    %add3A_1031 = arith.addf %add3A_1007, %abs3A_1030 : vector<16xf32>
    %get3A_1032 = arith.constant 5 : i32
    %get3A_1033 = arith.constant 0 : i32
    %get3A_1034 = arith.index_cast %get3A_1032 : i32 to index
    %get3A_1035 = arith.index_cast %get3A_1033 : i32 to index
    %get3A_1036 = arith.constant 32 : index
    %get3A_1037 = tpu.vector_load %arg8[%get3A_1034, %get3A_1035, %get3A_1036] {strides = array<i32>} : memref<8x1x128xi32, #tpu.memory_space<vmem>>, vector<16xi32>,
    %get3A_1038 = arith.constant 672 : index
    %get3A_1039 = tpu.vector_load %arg9[%get3A_1038] {strides = array<i32>} : memref<1024xi32, #tpu.memory_space<vmem>>, vector<16xi32>,
    %ne3A_1040 = arith.constant 0 : i32
    %ne3A_1041 = vector.broadcast %ne3A_1040 : i32 to vector<16xi32>
    %ne3A_1042 = arith.cmpi ne, %get3A_1039, %ne3A_1041 : vector<16xi32>
    %broadcast_in_dim3A_1043 = arith.constant 5 : i32
    %broadcast_in_dim3A_1044 = vector.broadcast %broadcast_in_dim3A_1043 : i32 to vector<16xi32>
    %jit3A_1045 = arith.constant 1024 : i32
    %broadcast_in_dim3A_1046 = vector.broadcast %jit3A_1045 : i32 to vector<16xi32>
    %select_n3A_1047 = arith.select %ne3A_1042, %broadcast_in_dim3A_1046, %get3A_1037 : vector<16xi1>, vector<16xi32>
    %gather3A_1048 = tpu.vector_load_idx %arg7[%broadcast_in_dim3A_1044, %select_n3A_1047] : memref<8x1152xf32, #tpu.memory_space<vmem>>[vector<16xi32>, vector<16xi32>], vector<16xf32>,
    %convert_element_type3A_1049 = arith.sitofp %get3A_1037 : vector<16xi32> to vector<16xf32>
    %jit3A_1050 = arith.constant -1.000000e+00 : f32
    %broadcast_in_dim3A_1051 = vector.broadcast %jit3A_1050 : f32 to vector<16xf32>
    %select_n3A_1052 = arith.select %ne3A_1042, %convert_element_type3A_1049, %broadcast_in_dim3A_1051 : vector<16xi1>, vector<16xf32>
    %sub3A_1053 = arith.subf %gather3A_1048, %select_n3A_1052 : vector<16xf32>
    %abs3A_1054 = math.absf %sub3A_1053 : vector<16xf32>
    %add3A_1055 = arith.addf %add3A_1031, %abs3A_1054 : vector<16xf32>
    %get3A_1056 = arith.constant 5 : i32
    %get3A_1057 = arith.constant 0 : i32
    %get3A_1058 = arith.index_cast %get3A_1056 : i32 to index
    %get3A_1059 = arith.index_cast %get3A_1057 : i32 to index
    %get3A_1060 = arith.constant 48 : index
    %get3A_1061 = tpu.vector_load %arg8[%get3A_1058, %get3A_1059, %get3A_1060] {strides = array<i32>} : memref<8x1x128xi32, #tpu.memory_space<vmem>>, vector<16xi32>,
    %get3A_1062 = arith.constant 688 : index
    %get3A_1063 = tpu.vector_load %arg9[%get3A_1062] {strides = array<i32>} : memref<1024xi32, #tpu.memory_space<vmem>>, vector<16xi32>,
    %ne3A_1064 = arith.constant 0 : i32
    %ne3A_1065 = vector.broadcast %ne3A_1064 : i32 to vector<16xi32>
    %ne3A_1066 = arith.cmpi ne, %get3A_1063, %ne3A_1065 : vector<16xi32>
    %broadcast_in_dim3A_1067 = arith.constant 5 : i32
    %broadcast_in_dim3A_1068 = vector.broadcast %broadcast_in_dim3A_1067 : i32 to vector<16xi32>
    %jit3A_1069 = arith.constant 1024 : i32
    %broadcast_in_dim3A_1070 = vector.broadcast %jit3A_1069 : i32 to vector<16xi32>
    %select_n3A_1071 = arith.select %ne3A_1066, %broadcast_in_dim3A_1070, %get3A_1061 : vector<16xi1>, vector<16xi32>
    %gather3A_1072 = tpu.vector_load_idx %arg7[%broadcast_in_dim3A_1068, %select_n3A_1071] : memref<8x1152xf32, #tpu.memory_space<vmem>>[vector<16xi32>, vector<16xi32>], vector<16xf32>,
    %convert_element_type3A_1073 = arith.sitofp %get3A_1061 : vector<16xi32> to vector<16xf32>
    %jit3A_1074 = arith.constant -1.000000e+00 : f32
    %broadcast_in_dim3A_1075 = vector.broadcast %jit3A_1074 : f32 to vector<16xf32>
    %select_n3A_1076 = arith.select %ne3A_1066, %convert_element_type3A_1073, %broadcast_in_dim3A_1075 : vector<16xi1>, vector<16xf32>
    %sub3A_1077 = arith.subf %gather3A_1072, %select_n3A_1076 : vector<16xf32>
    %abs3A_1078 = math.absf %sub3A_1077 : vector<16xf32>
    %add3A_1079 = arith.addf %add3A_1055, %abs3A_1078 : vector<16xf32>
    %get3A_1080 = arith.constant 5 : i32
    %get3A_1081 = arith.constant 0 : i32
    %get3A_1082 = arith.index_cast %get3A_1080 : i32 to index
    %get3A_1083 = arith.index_cast %get3A_1081 : i32 to index
    %get3A_1084 = arith.constant 64 : index
    %get3A_1085 = tpu.vector_load %arg8[%get3A_1082, %get3A_1083, %get3A_1084] {strides = array<i32>} : memref<8x1x128xi32, #tpu.memory_space<vmem>>, vector<16xi32>,
    %get3A_1086 = arith.constant 704 : index
    %get3A_1087 = tpu.vector_load %arg9[%get3A_1086] {strides = array<i32>} : memref<1024xi32, #tpu.memory_space<vmem>>, vector<16xi32>,
    %ne3A_1088 = arith.constant 0 : i32
    %ne3A_1089 = vector.broadcast %ne3A_1088 : i32 to vector<16xi32>
    %ne3A_1090 = arith.cmpi ne, %get3A_1087, %ne3A_1089 : vector<16xi32>
    %broadcast_in_dim3A_1091 = arith.constant 5 : i32
    %broadcast_in_dim3A_1092 = vector.broadcast %broadcast_in_dim3A_1091 : i32 to vector<16xi32>
    %jit3A_1093 = arith.constant 1024 : i32
    %broadcast_in_dim3A_1094 = vector.broadcast %jit3A_1093 : i32 to vector<16xi32>
    %select_n3A_1095 = arith.select %ne3A_1090, %broadcast_in_dim3A_1094, %get3A_1085 : vector<16xi1>, vector<16xi32>
    %gather3A_1096 = tpu.vector_load_idx %arg7[%broadcast_in_dim3A_1092, %select_n3A_1095] : memref<8x1152xf32, #tpu.memory_space<vmem>>[vector<16xi32>, vector<16xi32>], vector<16xf32>,
    %convert_element_type3A_1097 = arith.sitofp %get3A_1085 : vector<16xi32> to vector<16xf32>
    %jit3A_1098 = arith.constant -1.000000e+00 : f32
    %broadcast_in_dim3A_1099 = vector.broadcast %jit3A_1098 : f32 to vector<16xf32>
    %select_n3A_1100 = arith.select %ne3A_1090, %convert_element_type3A_1097, %broadcast_in_dim3A_1099 : vector<16xi1>, vector<16xf32>
    %sub3A_1101 = arith.subf %gather3A_1096, %select_n3A_1100 : vector<16xf32>
    %abs3A_1102 = math.absf %sub3A_1101 : vector<16xf32>
    %add3A_1103 = arith.addf %add3A_1079, %abs3A_1102 : vector<16xf32>
    %get3A_1104 = arith.constant 5 : i32
    %get3A_1105 = arith.constant 0 : i32
    %get3A_1106 = arith.index_cast %get3A_1104 : i32 to index
    %get3A_1107 = arith.index_cast %get3A_1105 : i32 to index
    %get3A_1108 = arith.constant 80 : index
    %get3A_1109 = tpu.vector_load %arg8[%get3A_1106, %get3A_1107, %get3A_1108] {strides = array<i32>} : memref<8x1x128xi32, #tpu.memory_space<vmem>>, vector<16xi32>,
    %get3A_1110 = arith.constant 720 : index
    %get3A_1111 = tpu.vector_load %arg9[%get3A_1110] {strides = array<i32>} : memref<1024xi32, #tpu.memory_space<vmem>>, vector<16xi32>,
    %ne3A_1112 = arith.constant 0 : i32
    %ne3A_1113 = vector.broadcast %ne3A_1112 : i32 to vector<16xi32>
    %ne3A_1114 = arith.cmpi ne, %get3A_1111, %ne3A_1113 : vector<16xi32>
    %broadcast_in_dim3A_1115 = arith.constant 5 : i32
    %broadcast_in_dim3A_1116 = vector.broadcast %broadcast_in_dim3A_1115 : i32 to vector<16xi32>
    %jit3A_1117 = arith.constant 1024 : i32
    %broadcast_in_dim3A_1118 = vector.broadcast %jit3A_1117 : i32 to vector<16xi32>
    %select_n3A_1119 = arith.select %ne3A_1114, %broadcast_in_dim3A_1118, %get3A_1109 : vector<16xi1>, vector<16xi32>
    %gather3A_1120 = tpu.vector_load_idx %arg7[%broadcast_in_dim3A_1116, %select_n3A_1119] : memref<8x1152xf32, #tpu.memory_space<vmem>>[vector<16xi32>, vector<16xi32>], vector<16xf32>,
    %convert_element_type3A_1121 = arith.sitofp %get3A_1109 : vector<16xi32> to vector<16xf32>
    %jit3A_1122 = arith.constant -1.000000e+00 : f32
    %broadcast_in_dim3A_1123 = vector.broadcast %jit3A_1122 : f32 to vector<16xf32>
    %select_n3A_1124 = arith.select %ne3A_1114, %convert_element_type3A_1121, %broadcast_in_dim3A_1123 : vector<16xi1>, vector<16xf32>
    %sub3A_1125 = arith.subf %gather3A_1120, %select_n3A_1124 : vector<16xf32>
    %abs3A_1126 = math.absf %sub3A_1125 : vector<16xf32>
    %add3A_1127 = arith.addf %add3A_1103, %abs3A_1126 : vector<16xf32>
    %get3A_1128 = arith.constant 5 : i32
    %get3A_1129 = arith.constant 0 : i32
    %get3A_1130 = arith.index_cast %get3A_1128 : i32 to index
    %get3A_1131 = arith.index_cast %get3A_1129 : i32 to index
    %get3A_1132 = arith.constant 96 : index
    %get3A_1133 = tpu.vector_load %arg8[%get3A_1130, %get3A_1131, %get3A_1132] {strides = array<i32>} : memref<8x1x128xi32, #tpu.memory_space<vmem>>, vector<16xi32>,
    %get3A_1134 = arith.constant 736 : index
    %get3A_1135 = tpu.vector_load %arg9[%get3A_1134] {strides = array<i32>} : memref<1024xi32, #tpu.memory_space<vmem>>, vector<16xi32>,
    %ne3A_1136 = arith.constant 0 : i32
    %ne3A_1137 = vector.broadcast %ne3A_1136 : i32 to vector<16xi32>
    %ne3A_1138 = arith.cmpi ne, %get3A_1135, %ne3A_1137 : vector<16xi32>
    %broadcast_in_dim3A_1139 = arith.constant 5 : i32
    %broadcast_in_dim3A_1140 = vector.broadcast %broadcast_in_dim3A_1139 : i32 to vector<16xi32>
    %jit3A_1141 = arith.constant 1024 : i32
    %broadcast_in_dim3A_1142 = vector.broadcast %jit3A_1141 : i32 to vector<16xi32>
    %select_n3A_1143 = arith.select %ne3A_1138, %broadcast_in_dim3A_1142, %get3A_1133 : vector<16xi1>, vector<16xi32>
    %gather3A_1144 = tpu.vector_load_idx %arg7[%broadcast_in_dim3A_1140, %select_n3A_1143] : memref<8x1152xf32, #tpu.memory_space<vmem>>[vector<16xi32>, vector<16xi32>], vector<16xf32>,
    %convert_element_type3A_1145 = arith.sitofp %get3A_1133 : vector<16xi32> to vector<16xf32>
    %jit3A_1146 = arith.constant -1.000000e+00 : f32
    %broadcast_in_dim3A_1147 = vector.broadcast %jit3A_1146 : f32 to vector<16xf32>
    %select_n3A_1148 = arith.select %ne3A_1138, %convert_element_type3A_1145, %broadcast_in_dim3A_1147 : vector<16xi1>, vector<16xf32>
    %sub3A_1149 = arith.subf %gather3A_1144, %select_n3A_1148 : vector<16xf32>
    %abs3A_1150 = math.absf %sub3A_1149 : vector<16xf32>
    %add3A_1151 = arith.addf %add3A_1127, %abs3A_1150 : vector<16xf32>
    %get3A_1152 = arith.constant 5 : i32
    %get3A_1153 = arith.constant 0 : i32
    %get3A_1154 = arith.index_cast %get3A_1152 : i32 to index
    %get3A_1155 = arith.index_cast %get3A_1153 : i32 to index
    %get3A_1156 = arith.constant 112 : index
    %get3A_1157 = tpu.vector_load %arg8[%get3A_1154, %get3A_1155, %get3A_1156] {strides = array<i32>} : memref<8x1x128xi32, #tpu.memory_space<vmem>>, vector<16xi32>,
    %get3A_1158 = arith.constant 752 : index
    %get3A_1159 = tpu.vector_load %arg9[%get3A_1158] {strides = array<i32>} : memref<1024xi32, #tpu.memory_space<vmem>>, vector<16xi32>,
    %ne3A_1160 = arith.constant 0 : i32
    %ne3A_1161 = vector.broadcast %ne3A_1160 : i32 to vector<16xi32>
    %ne3A_1162 = arith.cmpi ne, %get3A_1159, %ne3A_1161 : vector<16xi32>
    %broadcast_in_dim3A_1163 = arith.constant 5 : i32
    %broadcast_in_dim3A_1164 = vector.broadcast %broadcast_in_dim3A_1163 : i32 to vector<16xi32>
    %jit3A_1165 = arith.constant 1024 : i32
    %broadcast_in_dim3A_1166 = vector.broadcast %jit3A_1165 : i32 to vector<16xi32>
    %select_n3A_1167 = arith.select %ne3A_1162, %broadcast_in_dim3A_1166, %get3A_1157 : vector<16xi1>, vector<16xi32>
    %gather3A_1168 = tpu.vector_load_idx %arg7[%broadcast_in_dim3A_1164, %select_n3A_1167] : memref<8x1152xf32, #tpu.memory_space<vmem>>[vector<16xi32>, vector<16xi32>], vector<16xf32>,
    %convert_element_type3A_1169 = arith.sitofp %get3A_1157 : vector<16xi32> to vector<16xf32>
    %jit3A_1170 = arith.constant -1.000000e+00 : f32
    %broadcast_in_dim3A_1171 = vector.broadcast %jit3A_1170 : f32 to vector<16xf32>
    %select_n3A_1172 = arith.select %ne3A_1162, %convert_element_type3A_1169, %broadcast_in_dim3A_1171 : vector<16xi1>, vector<16xf32>
    %sub3A_1173 = arith.subf %gather3A_1168, %select_n3A_1172 : vector<16xf32>
    %abs3A_1174 = math.absf %sub3A_1173 : vector<16xf32>
    %add3A_1175 = arith.addf %add3A_1151, %abs3A_1174 : vector<16xf32>
    %get3A_1176 = arith.constant 6 : i32
    %get3A_1177 = arith.constant 0 : i32
    %get3A_1178 = arith.index_cast %get3A_1176 : i32 to index
    %get3A_1179 = arith.index_cast %get3A_1177 : i32 to index
    %get3A_1180 = arith.constant 0 : index
    %get3A_1181 = tpu.vector_load %arg8[%get3A_1178, %get3A_1179, %get3A_1180] {strides = array<i32>} : memref<8x1x128xi32, #tpu.memory_space<vmem>>, vector<16xi32>,
    %get3A_1182 = arith.constant 768 : index
    %get3A_1183 = tpu.vector_load %arg9[%get3A_1182] {strides = array<i32>} : memref<1024xi32, #tpu.memory_space<vmem>>, vector<16xi32>,
    %ne3A_1184 = arith.constant 0 : i32
    %ne3A_1185 = vector.broadcast %ne3A_1184 : i32 to vector<16xi32>
    %ne3A_1186 = arith.cmpi ne, %get3A_1183, %ne3A_1185 : vector<16xi32>
    %broadcast_in_dim3A_1187 = arith.constant 6 : i32
    %broadcast_in_dim3A_1188 = vector.broadcast %broadcast_in_dim3A_1187 : i32 to vector<16xi32>
    %jit3A_1189 = arith.constant 1024 : i32
    %broadcast_in_dim3A_1190 = vector.broadcast %jit3A_1189 : i32 to vector<16xi32>
    %select_n3A_1191 = arith.select %ne3A_1186, %broadcast_in_dim3A_1190, %get3A_1181 : vector<16xi1>, vector<16xi32>
    %gather3A_1192 = tpu.vector_load_idx %arg7[%broadcast_in_dim3A_1188, %select_n3A_1191] : memref<8x1152xf32, #tpu.memory_space<vmem>>[vector<16xi32>, vector<16xi32>], vector<16xf32>,
    %convert_element_type3A_1193 = arith.sitofp %get3A_1181 : vector<16xi32> to vector<16xf32>
    %jit3A_1194 = arith.constant -1.000000e+00 : f32
    %broadcast_in_dim3A_1195 = vector.broadcast %jit3A_1194 : f32 to vector<16xf32>
    %select_n3A_1196 = arith.select %ne3A_1186, %convert_element_type3A_1193, %broadcast_in_dim3A_1195 : vector<16xi1>, vector<16xf32>
    %sub3A_1197 = arith.subf %gather3A_1192, %select_n3A_1196 : vector<16xf32>
    %abs3A_1198 = math.absf %sub3A_1197 : vector<16xf32>
    %add3A_1199 = arith.addf %add3A_1175, %abs3A_1198 : vector<16xf32>
    %get3A_1200 = arith.constant 6 : i32
    %get3A_1201 = arith.constant 0 : i32
    %get3A_1202 = arith.index_cast %get3A_1200 : i32 to index
    %get3A_1203 = arith.index_cast %get3A_1201 : i32 to index
    %get3A_1204 = arith.constant 16 : index
    %get3A_1205 = tpu.vector_load %arg8[%get3A_1202, %get3A_1203, %get3A_1204] {strides = array<i32>} : memref<8x1x128xi32, #tpu.memory_space<vmem>>, vector<16xi32>,
    %get3A_1206 = arith.constant 784 : index
    %get3A_1207 = tpu.vector_load %arg9[%get3A_1206] {strides = array<i32>} : memref<1024xi32, #tpu.memory_space<vmem>>, vector<16xi32>,
    %ne3A_1208 = arith.constant 0 : i32
    %ne3A_1209 = vector.broadcast %ne3A_1208 : i32 to vector<16xi32>
    %ne3A_1210 = arith.cmpi ne, %get3A_1207, %ne3A_1209 : vector<16xi32>
    %broadcast_in_dim3A_1211 = arith.constant 6 : i32
    %broadcast_in_dim3A_1212 = vector.broadcast %broadcast_in_dim3A_1211 : i32 to vector<16xi32>
    %jit3A_1213 = arith.constant 1024 : i32
    %broadcast_in_dim3A_1214 = vector.broadcast %jit3A_1213 : i32 to vector<16xi32>
    %select_n3A_1215 = arith.select %ne3A_1210, %broadcast_in_dim3A_1214, %get3A_1205 : vector<16xi1>, vector<16xi32>
    %gather3A_1216 = tpu.vector_load_idx %arg7[%broadcast_in_dim3A_1212, %select_n3A_1215] : memref<8x1152xf32, #tpu.memory_space<vmem>>[vector<16xi32>, vector<16xi32>], vector<16xf32>,
    %convert_element_type3A_1217 = arith.sitofp %get3A_1205 : vector<16xi32> to vector<16xf32>
    %jit3A_1218 = arith.constant -1.000000e+00 : f32
    %broadcast_in_dim3A_1219 = vector.broadcast %jit3A_1218 : f32 to vector<16xf32>
    %select_n3A_1220 = arith.select %ne3A_1210, %convert_element_type3A_1217, %broadcast_in_dim3A_1219 : vector<16xi1>, vector<16xf32>
    %sub3A_1221 = arith.subf %gather3A_1216, %select_n3A_1220 : vector<16xf32>
    %abs3A_1222 = math.absf %sub3A_1221 : vector<16xf32>
    %add3A_1223 = arith.addf %add3A_1199, %abs3A_1222 : vector<16xf32>
    %get3A_1224 = arith.constant 6 : i32
    %get3A_1225 = arith.constant 0 : i32
    %get3A_1226 = arith.index_cast %get3A_1224 : i32 to index
    %get3A_1227 = arith.index_cast %get3A_1225 : i32 to index
    %get3A_1228 = arith.constant 32 : index
    %get3A_1229 = tpu.vector_load %arg8[%get3A_1226, %get3A_1227, %get3A_1228] {strides = array<i32>} : memref<8x1x128xi32, #tpu.memory_space<vmem>>, vector<16xi32>,
    %get3A_1230 = arith.constant 800 : index
    %get3A_1231 = tpu.vector_load %arg9[%get3A_1230] {strides = array<i32>} : memref<1024xi32, #tpu.memory_space<vmem>>, vector<16xi32>,
    %ne3A_1232 = arith.constant 0 : i32
    %ne3A_1233 = vector.broadcast %ne3A_1232 : i32 to vector<16xi32>
    %ne3A_1234 = arith.cmpi ne, %get3A_1231, %ne3A_1233 : vector<16xi32>
    %broadcast_in_dim3A_1235 = arith.constant 6 : i32
    %broadcast_in_dim3A_1236 = vector.broadcast %broadcast_in_dim3A_1235 : i32 to vector<16xi32>
    %jit3A_1237 = arith.constant 1024 : i32
    %broadcast_in_dim3A_1238 = vector.broadcast %jit3A_1237 : i32 to vector<16xi32>
    %select_n3A_1239 = arith.select %ne3A_1234, %broadcast_in_dim3A_1238, %get3A_1229 : vector<16xi1>, vector<16xi32>
    %gather3A_1240 = tpu.vector_load_idx %arg7[%broadcast_in_dim3A_1236, %select_n3A_1239] : memref<8x1152xf32, #tpu.memory_space<vmem>>[vector<16xi32>, vector<16xi32>], vector<16xf32>,
    %convert_element_type3A_1241 = arith.sitofp %get3A_1229 : vector<16xi32> to vector<16xf32>
    %jit3A_1242 = arith.constant -1.000000e+00 : f32
    %broadcast_in_dim3A_1243 = vector.broadcast %jit3A_1242 : f32 to vector<16xf32>
    %select_n3A_1244 = arith.select %ne3A_1234, %convert_element_type3A_1241, %broadcast_in_dim3A_1243 : vector<16xi1>, vector<16xf32>
    %sub3A_1245 = arith.subf %gather3A_1240, %select_n3A_1244 : vector<16xf32>
    %abs3A_1246 = math.absf %sub3A_1245 : vector<16xf32>
    %add3A_1247 = arith.addf %add3A_1223, %abs3A_1246 : vector<16xf32>
    %get3A_1248 = arith.constant 6 : i32
    %get3A_1249 = arith.constant 0 : i32
    %get3A_1250 = arith.index_cast %get3A_1248 : i32 to index
    %get3A_1251 = arith.index_cast %get3A_1249 : i32 to index
    %get3A_1252 = arith.constant 48 : index
    %get3A_1253 = tpu.vector_load %arg8[%get3A_1250, %get3A_1251, %get3A_1252] {strides = array<i32>} : memref<8x1x128xi32, #tpu.memory_space<vmem>>, vector<16xi32>,
    %get3A_1254 = arith.constant 816 : index
    %get3A_1255 = tpu.vector_load %arg9[%get3A_1254] {strides = array<i32>} : memref<1024xi32, #tpu.memory_space<vmem>>, vector<16xi32>,
    %ne3A_1256 = arith.constant 0 : i32
    %ne3A_1257 = vector.broadcast %ne3A_1256 : i32 to vector<16xi32>
    %ne3A_1258 = arith.cmpi ne, %get3A_1255, %ne3A_1257 : vector<16xi32>
    %broadcast_in_dim3A_1259 = arith.constant 6 : i32
    %broadcast_in_dim3A_1260 = vector.broadcast %broadcast_in_dim3A_1259 : i32 to vector<16xi32>
    %jit3A_1261 = arith.constant 1024 : i32
    %broadcast_in_dim3A_1262 = vector.broadcast %jit3A_1261 : i32 to vector<16xi32>
    %select_n3A_1263 = arith.select %ne3A_1258, %broadcast_in_dim3A_1262, %get3A_1253 : vector<16xi1>, vector<16xi32>
    %gather3A_1264 = tpu.vector_load_idx %arg7[%broadcast_in_dim3A_1260, %select_n3A_1263] : memref<8x1152xf32, #tpu.memory_space<vmem>>[vector<16xi32>, vector<16xi32>], vector<16xf32>,
    %convert_element_type3A_1265 = arith.sitofp %get3A_1253 : vector<16xi32> to vector<16xf32>
    %jit3A_1266 = arith.constant -1.000000e+00 : f32
    %broadcast_in_dim3A_1267 = vector.broadcast %jit3A_1266 : f32 to vector<16xf32>
    %select_n3A_1268 = arith.select %ne3A_1258, %convert_element_type3A_1265, %broadcast_in_dim3A_1267 : vector<16xi1>, vector<16xf32>
    %sub3A_1269 = arith.subf %gather3A_1264, %select_n3A_1268 : vector<16xf32>
    %abs3A_1270 = math.absf %sub3A_1269 : vector<16xf32>
    %add3A_1271 = arith.addf %add3A_1247, %abs3A_1270 : vector<16xf32>
    %get3A_1272 = arith.constant 6 : i32
    %get3A_1273 = arith.constant 0 : i32
    %get3A_1274 = arith.index_cast %get3A_1272 : i32 to index
    %get3A_1275 = arith.index_cast %get3A_1273 : i32 to index
    %get3A_1276 = arith.constant 64 : index
    %get3A_1277 = tpu.vector_load %arg8[%get3A_1274, %get3A_1275, %get3A_1276] {strides = array<i32>} : memref<8x1x128xi32, #tpu.memory_space<vmem>>, vector<16xi32>,
    %get3A_1278 = arith.constant 832 : index
    %get3A_1279 = tpu.vector_load %arg9[%get3A_1278] {strides = array<i32>} : memref<1024xi32, #tpu.memory_space<vmem>>, vector<16xi32>,
    %ne3A_1280 = arith.constant 0 : i32
    %ne3A_1281 = vector.broadcast %ne3A_1280 : i32 to vector<16xi32>
    %ne3A_1282 = arith.cmpi ne, %get3A_1279, %ne3A_1281 : vector<16xi32>
    %broadcast_in_dim3A_1283 = arith.constant 6 : i32
    %broadcast_in_dim3A_1284 = vector.broadcast %broadcast_in_dim3A_1283 : i32 to vector<16xi32>
    %jit3A_1285 = arith.constant 1024 : i32
    %broadcast_in_dim3A_1286 = vector.broadcast %jit3A_1285 : i32 to vector<16xi32>
    %select_n3A_1287 = arith.select %ne3A_1282, %broadcast_in_dim3A_1286, %get3A_1277 : vector<16xi1>, vector<16xi32>
    %gather3A_1288 = tpu.vector_load_idx %arg7[%broadcast_in_dim3A_1284, %select_n3A_1287] : memref<8x1152xf32, #tpu.memory_space<vmem>>[vector<16xi32>, vector<16xi32>], vector<16xf32>,
    %convert_element_type3A_1289 = arith.sitofp %get3A_1277 : vector<16xi32> to vector<16xf32>
    %jit3A_1290 = arith.constant -1.000000e+00 : f32
    %broadcast_in_dim3A_1291 = vector.broadcast %jit3A_1290 : f32 to vector<16xf32>
    %select_n3A_1292 = arith.select %ne3A_1282, %convert_element_type3A_1289, %broadcast_in_dim3A_1291 : vector<16xi1>, vector<16xf32>
    %sub3A_1293 = arith.subf %gather3A_1288, %select_n3A_1292 : vector<16xf32>
    %abs3A_1294 = math.absf %sub3A_1293 : vector<16xf32>
    %add3A_1295 = arith.addf %add3A_1271, %abs3A_1294 : vector<16xf32>
    %get3A_1296 = arith.constant 6 : i32
    %get3A_1297 = arith.constant 0 : i32
    %get3A_1298 = arith.index_cast %get3A_1296 : i32 to index
    %get3A_1299 = arith.index_cast %get3A_1297 : i32 to index
    %get3A_1300 = arith.constant 80 : index
    %get3A_1301 = tpu.vector_load %arg8[%get3A_1298, %get3A_1299, %get3A_1300] {strides = array<i32>} : memref<8x1x128xi32, #tpu.memory_space<vmem>>, vector<16xi32>,
    %get3A_1302 = arith.constant 848 : index
    %get3A_1303 = tpu.vector_load %arg9[%get3A_1302] {strides = array<i32>} : memref<1024xi32, #tpu.memory_space<vmem>>, vector<16xi32>,
    %ne3A_1304 = arith.constant 0 : i32
    %ne3A_1305 = vector.broadcast %ne3A_1304 : i32 to vector<16xi32>
    %ne3A_1306 = arith.cmpi ne, %get3A_1303, %ne3A_1305 : vector<16xi32>
    %broadcast_in_dim3A_1307 = arith.constant 6 : i32
    %broadcast_in_dim3A_1308 = vector.broadcast %broadcast_in_dim3A_1307 : i32 to vector<16xi32>
    %jit3A_1309 = arith.constant 1024 : i32
    %broadcast_in_dim3A_1310 = vector.broadcast %jit3A_1309 : i32 to vector<16xi32>
    %select_n3A_1311 = arith.select %ne3A_1306, %broadcast_in_dim3A_1310, %get3A_1301 : vector<16xi1>, vector<16xi32>
    %gather3A_1312 = tpu.vector_load_idx %arg7[%broadcast_in_dim3A_1308, %select_n3A_1311] : memref<8x1152xf32, #tpu.memory_space<vmem>>[vector<16xi32>, vector<16xi32>], vector<16xf32>,
    %convert_element_type3A_1313 = arith.sitofp %get3A_1301 : vector<16xi32> to vector<16xf32>
    %jit3A_1314 = arith.constant -1.000000e+00 : f32
    %broadcast_in_dim3A_1315 = vector.broadcast %jit3A_1314 : f32 to vector<16xf32>
    %select_n3A_1316 = arith.select %ne3A_1306, %convert_element_type3A_1313, %broadcast_in_dim3A_1315 : vector<16xi1>, vector<16xf32>
    %sub3A_1317 = arith.subf %gather3A_1312, %select_n3A_1316 : vector<16xf32>
    %abs3A_1318 = math.absf %sub3A_1317 : vector<16xf32>
    %add3A_1319 = arith.addf %add3A_1295, %abs3A_1318 : vector<16xf32>
    %get3A_1320 = arith.constant 6 : i32
    %get3A_1321 = arith.constant 0 : i32
    %get3A_1322 = arith.index_cast %get3A_1320 : i32 to index
    %get3A_1323 = arith.index_cast %get3A_1321 : i32 to index
    %get3A_1324 = arith.constant 96 : index
    %get3A_1325 = tpu.vector_load %arg8[%get3A_1322, %get3A_1323, %get3A_1324] {strides = array<i32>} : memref<8x1x128xi32, #tpu.memory_space<vmem>>, vector<16xi32>,
    %get3A_1326 = arith.constant 864 : index
    %get3A_1327 = tpu.vector_load %arg9[%get3A_1326] {strides = array<i32>} : memref<1024xi32, #tpu.memory_space<vmem>>, vector<16xi32>,
    %ne3A_1328 = arith.constant 0 : i32
    %ne3A_1329 = vector.broadcast %ne3A_1328 : i32 to vector<16xi32>
    %ne3A_1330 = arith.cmpi ne, %get3A_1327, %ne3A_1329 : vector<16xi32>
    %broadcast_in_dim3A_1331 = arith.constant 6 : i32
    %broadcast_in_dim3A_1332 = vector.broadcast %broadcast_in_dim3A_1331 : i32 to vector<16xi32>
    %jit3A_1333 = arith.constant 1024 : i32
    %broadcast_in_dim3A_1334 = vector.broadcast %jit3A_1333 : i32 to vector<16xi32>
    %select_n3A_1335 = arith.select %ne3A_1330, %broadcast_in_dim3A_1334, %get3A_1325 : vector<16xi1>, vector<16xi32>
    %gather3A_1336 = tpu.vector_load_idx %arg7[%broadcast_in_dim3A_1332, %select_n3A_1335] : memref<8x1152xf32, #tpu.memory_space<vmem>>[vector<16xi32>, vector<16xi32>], vector<16xf32>,
    %convert_element_type3A_1337 = arith.sitofp %get3A_1325 : vector<16xi32> to vector<16xf32>
    %jit3A_1338 = arith.constant -1.000000e+00 : f32
    %broadcast_in_dim3A_1339 = vector.broadcast %jit3A_1338 : f32 to vector<16xf32>
    %select_n3A_1340 = arith.select %ne3A_1330, %convert_element_type3A_1337, %broadcast_in_dim3A_1339 : vector<16xi1>, vector<16xf32>
    %sub3A_1341 = arith.subf %gather3A_1336, %select_n3A_1340 : vector<16xf32>
    %abs3A_1342 = math.absf %sub3A_1341 : vector<16xf32>
    %add3A_1343 = arith.addf %add3A_1319, %abs3A_1342 : vector<16xf32>
    %get3A_1344 = arith.constant 6 : i32
    %get3A_1345 = arith.constant 0 : i32
    %get3A_1346 = arith.index_cast %get3A_1344 : i32 to index
    %get3A_1347 = arith.index_cast %get3A_1345 : i32 to index
    %get3A_1348 = arith.constant 112 : index
    %get3A_1349 = tpu.vector_load %arg8[%get3A_1346, %get3A_1347, %get3A_1348] {strides = array<i32>} : memref<8x1x128xi32, #tpu.memory_space<vmem>>, vector<16xi32>,
    %get3A_1350 = arith.constant 880 : index
    %get3A_1351 = tpu.vector_load %arg9[%get3A_1350] {strides = array<i32>} : memref<1024xi32, #tpu.memory_space<vmem>>, vector<16xi32>,
    %ne3A_1352 = arith.constant 0 : i32
    %ne3A_1353 = vector.broadcast %ne3A_1352 : i32 to vector<16xi32>
    %ne3A_1354 = arith.cmpi ne, %get3A_1351, %ne3A_1353 : vector<16xi32>
    %broadcast_in_dim3A_1355 = arith.constant 6 : i32
    %broadcast_in_dim3A_1356 = vector.broadcast %broadcast_in_dim3A_1355 : i32 to vector<16xi32>
    %jit3A_1357 = arith.constant 1024 : i32
    %broadcast_in_dim3A_1358 = vector.broadcast %jit3A_1357 : i32 to vector<16xi32>
    %select_n3A_1359 = arith.select %ne3A_1354, %broadcast_in_dim3A_1358, %get3A_1349 : vector<16xi1>, vector<16xi32>
    %gather3A_1360 = tpu.vector_load_idx %arg7[%broadcast_in_dim3A_1356, %select_n3A_1359] : memref<8x1152xf32, #tpu.memory_space<vmem>>[vector<16xi32>, vector<16xi32>], vector<16xf32>,
    %convert_element_type3A_1361 = arith.sitofp %get3A_1349 : vector<16xi32> to vector<16xf32>
    %jit3A_1362 = arith.constant -1.000000e+00 : f32
    %broadcast_in_dim3A_1363 = vector.broadcast %jit3A_1362 : f32 to vector<16xf32>
    %select_n3A_1364 = arith.select %ne3A_1354, %convert_element_type3A_1361, %broadcast_in_dim3A_1363 : vector<16xi1>, vector<16xf32>
    %sub3A_1365 = arith.subf %gather3A_1360, %select_n3A_1364 : vector<16xf32>
    %abs3A_1366 = math.absf %sub3A_1365 : vector<16xf32>
    %add3A_1367 = arith.addf %add3A_1343, %abs3A_1366 : vector<16xf32>
    %get3A_1368 = arith.constant 7 : i32
    %get3A_1369 = arith.constant 0 : i32
    %get3A_1370 = arith.index_cast %get3A_1368 : i32 to index
    %get3A_1371 = arith.index_cast %get3A_1369 : i32 to index
    %get3A_1372 = arith.constant 0 : index
    %get3A_1373 = tpu.vector_load %arg8[%get3A_1370, %get3A_1371, %get3A_1372] {strides = array<i32>} : memref<8x1x128xi32, #tpu.memory_space<vmem>>, vector<16xi32>,
    %get3A_1374 = arith.constant 896 : index
    %get3A_1375 = tpu.vector_load %arg9[%get3A_1374] {strides = array<i32>} : memref<1024xi32, #tpu.memory_space<vmem>>, vector<16xi32>,
    %ne3A_1376 = arith.constant 0 : i32
    %ne3A_1377 = vector.broadcast %ne3A_1376 : i32 to vector<16xi32>
    %ne3A_1378 = arith.cmpi ne, %get3A_1375, %ne3A_1377 : vector<16xi32>
    %broadcast_in_dim3A_1379 = arith.constant 7 : i32
    %broadcast_in_dim3A_1380 = vector.broadcast %broadcast_in_dim3A_1379 : i32 to vector<16xi32>
    %jit3A_1381 = arith.constant 1024 : i32
    %broadcast_in_dim3A_1382 = vector.broadcast %jit3A_1381 : i32 to vector<16xi32>
    %select_n3A_1383 = arith.select %ne3A_1378, %broadcast_in_dim3A_1382, %get3A_1373 : vector<16xi1>, vector<16xi32>
    %gather3A_1384 = tpu.vector_load_idx %arg7[%broadcast_in_dim3A_1380, %select_n3A_1383] : memref<8x1152xf32, #tpu.memory_space<vmem>>[vector<16xi32>, vector<16xi32>], vector<16xf32>,
    %convert_element_type3A_1385 = arith.sitofp %get3A_1373 : vector<16xi32> to vector<16xf32>
    %jit3A_1386 = arith.constant -1.000000e+00 : f32
    %broadcast_in_dim3A_1387 = vector.broadcast %jit3A_1386 : f32 to vector<16xf32>
    %select_n3A_1388 = arith.select %ne3A_1378, %convert_element_type3A_1385, %broadcast_in_dim3A_1387 : vector<16xi1>, vector<16xf32>
    %sub3A_1389 = arith.subf %gather3A_1384, %select_n3A_1388 : vector<16xf32>
    %abs3A_1390 = math.absf %sub3A_1389 : vector<16xf32>
    %add3A_1391 = arith.addf %add3A_1367, %abs3A_1390 : vector<16xf32>
    %get3A_1392 = arith.constant 7 : i32
    %get3A_1393 = arith.constant 0 : i32
    %get3A_1394 = arith.index_cast %get3A_1392 : i32 to index
    %get3A_1395 = arith.index_cast %get3A_1393 : i32 to index
    %get3A_1396 = arith.constant 16 : index
    %get3A_1397 = tpu.vector_load %arg8[%get3A_1394, %get3A_1395, %get3A_1396] {strides = array<i32>} : memref<8x1x128xi32, #tpu.memory_space<vmem>>, vector<16xi32>,
    %get3A_1398 = arith.constant 912 : index
    %get3A_1399 = tpu.vector_load %arg9[%get3A_1398] {strides = array<i32>} : memref<1024xi32, #tpu.memory_space<vmem>>, vector<16xi32>,
    %ne3A_1400 = arith.constant 0 : i32
    %ne3A_1401 = vector.broadcast %ne3A_1400 : i32 to vector<16xi32>
    %ne3A_1402 = arith.cmpi ne, %get3A_1399, %ne3A_1401 : vector<16xi32>
    %broadcast_in_dim3A_1403 = arith.constant 7 : i32
    %broadcast_in_dim3A_1404 = vector.broadcast %broadcast_in_dim3A_1403 : i32 to vector<16xi32>
    %jit3A_1405 = arith.constant 1024 : i32
    %broadcast_in_dim3A_1406 = vector.broadcast %jit3A_1405 : i32 to vector<16xi32>
    %select_n3A_1407 = arith.select %ne3A_1402, %broadcast_in_dim3A_1406, %get3A_1397 : vector<16xi1>, vector<16xi32>
    %gather3A_1408 = tpu.vector_load_idx %arg7[%broadcast_in_dim3A_1404, %select_n3A_1407] : memref<8x1152xf32, #tpu.memory_space<vmem>>[vector<16xi32>, vector<16xi32>], vector<16xf32>,
    %convert_element_type3A_1409 = arith.sitofp %get3A_1397 : vector<16xi32> to vector<16xf32>
    %jit3A_1410 = arith.constant -1.000000e+00 : f32
    %broadcast_in_dim3A_1411 = vector.broadcast %jit3A_1410 : f32 to vector<16xf32>
    %select_n3A_1412 = arith.select %ne3A_1402, %convert_element_type3A_1409, %broadcast_in_dim3A_1411 : vector<16xi1>, vector<16xf32>
    %sub3A_1413 = arith.subf %gather3A_1408, %select_n3A_1412 : vector<16xf32>
    %abs3A_1414 = math.absf %sub3A_1413 : vector<16xf32>
    %add3A_1415 = arith.addf %add3A_1391, %abs3A_1414 : vector<16xf32>
    %get3A_1416 = arith.constant 7 : i32
    %get3A_1417 = arith.constant 0 : i32
    %get3A_1418 = arith.index_cast %get3A_1416 : i32 to index
    %get3A_1419 = arith.index_cast %get3A_1417 : i32 to index
    %get3A_1420 = arith.constant 32 : index
    %get3A_1421 = tpu.vector_load %arg8[%get3A_1418, %get3A_1419, %get3A_1420] {strides = array<i32>} : memref<8x1x128xi32, #tpu.memory_space<vmem>>, vector<16xi32>,
    %get3A_1422 = arith.constant 928 : index
    %get3A_1423 = tpu.vector_load %arg9[%get3A_1422] {strides = array<i32>} : memref<1024xi32, #tpu.memory_space<vmem>>, vector<16xi32>,
    %ne3A_1424 = arith.constant 0 : i32
    %ne3A_1425 = vector.broadcast %ne3A_1424 : i32 to vector<16xi32>
    %ne3A_1426 = arith.cmpi ne, %get3A_1423, %ne3A_1425 : vector<16xi32>
    %broadcast_in_dim3A_1427 = arith.constant 7 : i32
    %broadcast_in_dim3A_1428 = vector.broadcast %broadcast_in_dim3A_1427 : i32 to vector<16xi32>
    %jit3A_1429 = arith.constant 1024 : i32
    %broadcast_in_dim3A_1430 = vector.broadcast %jit3A_1429 : i32 to vector<16xi32>
    %select_n3A_1431 = arith.select %ne3A_1426, %broadcast_in_dim3A_1430, %get3A_1421 : vector<16xi1>, vector<16xi32>
    %gather3A_1432 = tpu.vector_load_idx %arg7[%broadcast_in_dim3A_1428, %select_n3A_1431] : memref<8x1152xf32, #tpu.memory_space<vmem>>[vector<16xi32>, vector<16xi32>], vector<16xf32>,
    %convert_element_type3A_1433 = arith.sitofp %get3A_1421 : vector<16xi32> to vector<16xf32>
    %jit3A_1434 = arith.constant -1.000000e+00 : f32
    %broadcast_in_dim3A_1435 = vector.broadcast %jit3A_1434 : f32 to vector<16xf32>
    %select_n3A_1436 = arith.select %ne3A_1426, %convert_element_type3A_1433, %broadcast_in_dim3A_1435 : vector<16xi1>, vector<16xf32>
    %sub3A_1437 = arith.subf %gather3A_1432, %select_n3A_1436 : vector<16xf32>
    %abs3A_1438 = math.absf %sub3A_1437 : vector<16xf32>
    %add3A_1439 = arith.addf %add3A_1415, %abs3A_1438 : vector<16xf32>
    %get3A_1440 = arith.constant 7 : i32
    %get3A_1441 = arith.constant 0 : i32
    %get3A_1442 = arith.index_cast %get3A_1440 : i32 to index
    %get3A_1443 = arith.index_cast %get3A_1441 : i32 to index
    %get3A_1444 = arith.constant 48 : index
    %get3A_1445 = tpu.vector_load %arg8[%get3A_1442, %get3A_1443, %get3A_1444] {strides = array<i32>} : memref<8x1x128xi32, #tpu.memory_space<vmem>>, vector<16xi32>,
    %get3A_1446 = arith.constant 944 : index
    %get3A_1447 = tpu.vector_load %arg9[%get3A_1446] {strides = array<i32>} : memref<1024xi32, #tpu.memory_space<vmem>>, vector<16xi32>,
    %ne3A_1448 = arith.constant 0 : i32
    %ne3A_1449 = vector.broadcast %ne3A_1448 : i32 to vector<16xi32>
    %ne3A_1450 = arith.cmpi ne, %get3A_1447, %ne3A_1449 : vector<16xi32>
    %broadcast_in_dim3A_1451 = arith.constant 7 : i32
    %broadcast_in_dim3A_1452 = vector.broadcast %broadcast_in_dim3A_1451 : i32 to vector<16xi32>
    %jit3A_1453 = arith.constant 1024 : i32
    %broadcast_in_dim3A_1454 = vector.broadcast %jit3A_1453 : i32 to vector<16xi32>
    %select_n3A_1455 = arith.select %ne3A_1450, %broadcast_in_dim3A_1454, %get3A_1445 : vector<16xi1>, vector<16xi32>
    %gather3A_1456 = tpu.vector_load_idx %arg7[%broadcast_in_dim3A_1452, %select_n3A_1455] : memref<8x1152xf32, #tpu.memory_space<vmem>>[vector<16xi32>, vector<16xi32>], vector<16xf32>,
    %convert_element_type3A_1457 = arith.sitofp %get3A_1445 : vector<16xi32> to vector<16xf32>
    %jit3A_1458 = arith.constant -1.000000e+00 : f32
    %broadcast_in_dim3A_1459 = vector.broadcast %jit3A_1458 : f32 to vector<16xf32>
    %select_n3A_1460 = arith.select %ne3A_1450, %convert_element_type3A_1457, %broadcast_in_dim3A_1459 : vector<16xi1>, vector<16xf32>
    %sub3A_1461 = arith.subf %gather3A_1456, %select_n3A_1460 : vector<16xf32>
    %abs3A_1462 = math.absf %sub3A_1461 : vector<16xf32>
    %add3A_1463 = arith.addf %add3A_1439, %abs3A_1462 : vector<16xf32>
    %get3A_1464 = arith.constant 7 : i32
    %get3A_1465 = arith.constant 0 : i32
    %get3A_1466 = arith.index_cast %get3A_1464 : i32 to index
    %get3A_1467 = arith.index_cast %get3A_1465 : i32 to index
    %get3A_1468 = arith.constant 64 : index
    %get3A_1469 = tpu.vector_load %arg8[%get3A_1466, %get3A_1467, %get3A_1468] {strides = array<i32>} : memref<8x1x128xi32, #tpu.memory_space<vmem>>, vector<16xi32>,
    %get3A_1470 = arith.constant 960 : index
    %get3A_1471 = tpu.vector_load %arg9[%get3A_1470] {strides = array<i32>} : memref<1024xi32, #tpu.memory_space<vmem>>, vector<16xi32>,
    %ne3A_1472 = arith.constant 0 : i32
    %ne3A_1473 = vector.broadcast %ne3A_1472 : i32 to vector<16xi32>
    %ne3A_1474 = arith.cmpi ne, %get3A_1471, %ne3A_1473 : vector<16xi32>
    %broadcast_in_dim3A_1475 = arith.constant 7 : i32
    %broadcast_in_dim3A_1476 = vector.broadcast %broadcast_in_dim3A_1475 : i32 to vector<16xi32>
    %jit3A_1477 = arith.constant 1024 : i32
    %broadcast_in_dim3A_1478 = vector.broadcast %jit3A_1477 : i32 to vector<16xi32>
    %select_n3A_1479 = arith.select %ne3A_1474, %broadcast_in_dim3A_1478, %get3A_1469 : vector<16xi1>, vector<16xi32>
    %gather3A_1480 = tpu.vector_load_idx %arg7[%broadcast_in_dim3A_1476, %select_n3A_1479] : memref<8x1152xf32, #tpu.memory_space<vmem>>[vector<16xi32>, vector<16xi32>], vector<16xf32>,
    %convert_element_type3A_1481 = arith.sitofp %get3A_1469 : vector<16xi32> to vector<16xf32>
    %jit3A_1482 = arith.constant -1.000000e+00 : f32
    %broadcast_in_dim3A_1483 = vector.broadcast %jit3A_1482 : f32 to vector<16xf32>
    %select_n3A_1484 = arith.select %ne3A_1474, %convert_element_type3A_1481, %broadcast_in_dim3A_1483 : vector<16xi1>, vector<16xf32>
    %sub3A_1485 = arith.subf %gather3A_1480, %select_n3A_1484 : vector<16xf32>
    %abs3A_1486 = math.absf %sub3A_1485 : vector<16xf32>
    %add3A_1487 = arith.addf %add3A_1463, %abs3A_1486 : vector<16xf32>
    %get3A_1488 = arith.constant 7 : i32
    %get3A_1489 = arith.constant 0 : i32
    %get3A_1490 = arith.index_cast %get3A_1488 : i32 to index
    %get3A_1491 = arith.index_cast %get3A_1489 : i32 to index
    %get3A_1492 = arith.constant 80 : index
    %get3A_1493 = tpu.vector_load %arg8[%get3A_1490, %get3A_1491, %get3A_1492] {strides = array<i32>} : memref<8x1x128xi32, #tpu.memory_space<vmem>>, vector<16xi32>,
    %get3A_1494 = arith.constant 976 : index
    %get3A_1495 = tpu.vector_load %arg9[%get3A_1494] {strides = array<i32>} : memref<1024xi32, #tpu.memory_space<vmem>>, vector<16xi32>,
    %ne3A_1496 = arith.constant 0 : i32
    %ne3A_1497 = vector.broadcast %ne3A_1496 : i32 to vector<16xi32>
    %ne3A_1498 = arith.cmpi ne, %get3A_1495, %ne3A_1497 : vector<16xi32>
    %broadcast_in_dim3A_1499 = arith.constant 7 : i32
    %broadcast_in_dim3A_1500 = vector.broadcast %broadcast_in_dim3A_1499 : i32 to vector<16xi32>
    %jit3A_1501 = arith.constant 1024 : i32
    %broadcast_in_dim3A_1502 = vector.broadcast %jit3A_1501 : i32 to vector<16xi32>
    %select_n3A_1503 = arith.select %ne3A_1498, %broadcast_in_dim3A_1502, %get3A_1493 : vector<16xi1>, vector<16xi32>
    %gather3A_1504 = tpu.vector_load_idx %arg7[%broadcast_in_dim3A_1500, %select_n3A_1503] : memref<8x1152xf32, #tpu.memory_space<vmem>>[vector<16xi32>, vector<16xi32>], vector<16xf32>,
    %convert_element_type3A_1505 = arith.sitofp %get3A_1493 : vector<16xi32> to vector<16xf32>
    %jit3A_1506 = arith.constant -1.000000e+00 : f32
    %broadcast_in_dim3A_1507 = vector.broadcast %jit3A_1506 : f32 to vector<16xf32>
    %select_n3A_1508 = arith.select %ne3A_1498, %convert_element_type3A_1505, %broadcast_in_dim3A_1507 : vector<16xi1>, vector<16xf32>
    %sub3A_1509 = arith.subf %gather3A_1504, %select_n3A_1508 : vector<16xf32>
    %abs3A_1510 = math.absf %sub3A_1509 : vector<16xf32>
    %add3A_1511 = arith.addf %add3A_1487, %abs3A_1510 : vector<16xf32>
    %get3A_1512 = arith.constant 7 : i32
    %get3A_1513 = arith.constant 0 : i32
    %get3A_1514 = arith.index_cast %get3A_1512 : i32 to index
    %get3A_1515 = arith.index_cast %get3A_1513 : i32 to index
    %get3A_1516 = arith.constant 96 : index
    %get3A_1517 = tpu.vector_load %arg8[%get3A_1514, %get3A_1515, %get3A_1516] {strides = array<i32>} : memref<8x1x128xi32, #tpu.memory_space<vmem>>, vector<16xi32>,
    %get3A_1518 = arith.constant 992 : index
    %get3A_1519 = tpu.vector_load %arg9[%get3A_1518] {strides = array<i32>} : memref<1024xi32, #tpu.memory_space<vmem>>, vector<16xi32>,
    %ne3A_1520 = arith.constant 0 : i32
    %ne3A_1521 = vector.broadcast %ne3A_1520 : i32 to vector<16xi32>
    %ne3A_1522 = arith.cmpi ne, %get3A_1519, %ne3A_1521 : vector<16xi32>
    %broadcast_in_dim3A_1523 = arith.constant 7 : i32
    %broadcast_in_dim3A_1524 = vector.broadcast %broadcast_in_dim3A_1523 : i32 to vector<16xi32>
    %jit3A_1525 = arith.constant 1024 : i32
    %broadcast_in_dim3A_1526 = vector.broadcast %jit3A_1525 : i32 to vector<16xi32>
    %select_n3A_1527 = arith.select %ne3A_1522, %broadcast_in_dim3A_1526, %get3A_1517 : vector<16xi1>, vector<16xi32>
    %gather3A_1528 = tpu.vector_load_idx %arg7[%broadcast_in_dim3A_1524, %select_n3A_1527] : memref<8x1152xf32, #tpu.memory_space<vmem>>[vector<16xi32>, vector<16xi32>], vector<16xf32>,
    %convert_element_type3A_1529 = arith.sitofp %get3A_1517 : vector<16xi32> to vector<16xf32>
    %jit3A_1530 = arith.constant -1.000000e+00 : f32
    %broadcast_in_dim3A_1531 = vector.broadcast %jit3A_1530 : f32 to vector<16xf32>
    %select_n3A_1532 = arith.select %ne3A_1522, %convert_element_type3A_1529, %broadcast_in_dim3A_1531 : vector<16xi1>, vector<16xf32>
    %sub3A_1533 = arith.subf %gather3A_1528, %select_n3A_1532 : vector<16xf32>
    %abs3A_1534 = math.absf %sub3A_1533 : vector<16xf32>
    %add3A_1535 = arith.addf %add3A_1511, %abs3A_1534 : vector<16xf32>
    %get3A_1536 = arith.constant 7 : i32
    %get3A_1537 = arith.constant 0 : i32
    %get3A_1538 = arith.index_cast %get3A_1536 : i32 to index
    %get3A_1539 = arith.index_cast %get3A_1537 : i32 to index
    %get3A_1540 = arith.constant 112 : index
    %get3A_1541 = tpu.vector_load %arg8[%get3A_1538, %get3A_1539, %get3A_1540] {strides = array<i32>} : memref<8x1x128xi32, #tpu.memory_space<vmem>>, vector<16xi32>,
    %get3A_1542 = arith.constant 1008 : index
    %get3A_1543 = tpu.vector_load %arg9[%get3A_1542] {strides = array<i32>} : memref<1024xi32, #tpu.memory_space<vmem>>, vector<16xi32>,
    %ne3A_1544 = arith.constant 0 : i32
    %ne3A_1545 = vector.broadcast %ne3A_1544 : i32 to vector<16xi32>
    %ne3A_1546 = arith.cmpi ne, %get3A_1543, %ne3A_1545 : vector<16xi32>
    %broadcast_in_dim3A_1547 = arith.constant 7 : i32
    %broadcast_in_dim3A_1548 = vector.broadcast %broadcast_in_dim3A_1547 : i32 to vector<16xi32>
    %jit3A_1549 = arith.constant 1024 : i32
    %broadcast_in_dim3A_1550 = vector.broadcast %jit3A_1549 : i32 to vector<16xi32>
    %select_n3A_1551 = arith.select %ne3A_1546, %broadcast_in_dim3A_1550, %get3A_1541 : vector<16xi1>, vector<16xi32>
    %gather3A_1552 = tpu.vector_load_idx %arg7[%broadcast_in_dim3A_1548, %select_n3A_1551] : memref<8x1152xf32, #tpu.memory_space<vmem>>[vector<16xi32>, vector<16xi32>], vector<16xf32>,
    %convert_element_type3A_1553 = arith.sitofp %get3A_1541 : vector<16xi32> to vector<16xf32>
    %jit3A_1554 = arith.constant -1.000000e+00 : f32
    %broadcast_in_dim3A_1555 = vector.broadcast %jit3A_1554 : f32 to vector<16xf32>
    %select_n3A_1556 = arith.select %ne3A_1546, %convert_element_type3A_1553, %broadcast_in_dim3A_1555 : vector<16xi1>, vector<16xf32>
    %sub3A_1557 = arith.subf %gather3A_1552, %select_n3A_1556 : vector<16xf32>
    %abs3A_1558 = math.absf %sub3A_1557 : vector<16xf32>
    %add3A_1559 = arith.addf %add3A_1535, %abs3A_1558 : vector<16xf32>
    %swap3A = arith.constant 0 : index
    %swap3A_1560 = tpu.vector_load %arg11[%swap3A] {strides = array<i32>} : memref<16xf32, #tpu.memory_space<vmem>>, vector<16xf32>,
    tpu.vector_store %arg11[%swap3A], %add3A_1559 {strides = array<i32>} : memref<16xf32, #tpu.memory_space<vmem>>, vector<16xf32>,
    "tpu.region"() ({
      %run_scoped3A = tpu.sem_alloc : memref<!tpu.dma_semaphore, #tpu.memory_space<semaphore_mem>>
      %dma_start3A_1561 = arith.constant 0 : i32
      %dma_start3A_1562 = tpu.memref_slice %arg6[%add3A, %dma_start3A_1561] : memref<16x16xf32, #tpu.memory_space<hbm>> -> memref<1x16xf32, #tpu.memory_space<hbm>>
      %dma_start3A_1563 = tpu.memref_squeeze %dma_start3A_1562 : memref<1x16xf32, #tpu.memory_space<hbm>> -> memref<16xf32, #tpu.memory_space<hbm>>
      %dma_start3A_1564 = arith.constant 0 : i32
      %dma_start3A_1565 = tpu.memref_slice %arg6[%add3A, %dma_start3A_1564] : memref<16x16xf32, #tpu.memory_space<hbm>> -> memref<1x16xf32, #tpu.memory_space<hbm>>
      %dma_start3A_1566 = tpu.memref_squeeze %dma_start3A_1565 : memref<1x16xf32, #tpu.memory_space<hbm>> -> memref<16xf32, #tpu.memory_space<hbm>>
      tpu.enqueue_dma source(%arg11 : memref<16xf32, #tpu.memory_space<vmem>>) target(%dma_start3A_1566 : memref<16xf32, #tpu.memory_space<hbm>>) target_semaphore(%run_scoped3A : memref<!tpu.dma_semaphore, #tpu.memory_space<semaphore_mem>>)
      %dma_wait3A_1567 = arith.constant 0 : i32
      %dma_wait3A_1568 = tpu.memref_slice %arg6[%add3A, %dma_wait3A_1567] : memref<16x16xf32, #tpu.memory_space<hbm>> -> memref<1x16xf32, #tpu.memory_space<hbm>>
      %dma_wait3A_1569 = tpu.memref_squeeze %dma_wait3A_1568 : memref<1x16xf32, #tpu.memory_space<hbm>> -> memref<16xf32, #tpu.memory_space<hbm>>
      %dma_wait3A_1570 = arith.constant 0 : i32
      %dma_wait3A_1571 = tpu.memref_slice %arg6[%add3A, %dma_wait3A_1570] : memref<16x16xf32, #tpu.memory_space<hbm>> -> memref<1x16xf32, #tpu.memory_space<hbm>>
      %dma_wait3A_1572 = tpu.memref_squeeze %dma_wait3A_1571 : memref<1x16xf32, #tpu.memory_space<hbm>> -> memref<16xf32, #tpu.memory_space<hbm>>
      tpu.wait_dma2 semaphore(%run_scoped3A : memref<!tpu.dma_semaphore, #tpu.memory_space<semaphore_mem>>) src(%arg11 : memref<16xf32, #tpu.memory_space<vmem>>) dst(%dma_wait3A_1572 : memref<16xf32, #tpu.memory_space<hbm>>)
      tpu.yield
    }) : () -> ()
    return
  }
}

module attributes {stable_mosaic.version = 14 : i64} {
  func.func @_g_table_body(%arg0: i32, %arg1: memref<1025x256xf32, #tpu.memory_space<vmem>>, %arg2: memref<49x256xf32, #tpu.memory_space<vmem>>, %arg3: memref<256x256xf32, #tpu.memory_space<vmem>>, %arg4: memref<256x1xf32, #tpu.memory_space<vmem>>, %arg5: memref<64x1152xf32, #tpu.memory_space<vmem>>, %arg6: memref<1216x256xf32, #tpu.memory_space<vmem>>, %arg7: memref<256x1152xf32, #tpu.memory_space<vmem>>) attributes {dimension_semantics = [#tpu.dimension_semantics<arbitrary>], iteration_bounds = array<i64: 1>, scalar_prefetch = 0 : i64, scratch_operands = 2 : i64, tpu.core_type = #tpu.core_type<tc>, window_params = [{pipeline_mode = #tpu.pipeline_mode<synchronous>, transform_indices = @transform_0, window_bounds = array<i64: 1025, 256>}, {pipeline_mode = #tpu.pipeline_mode<synchronous>, transform_indices = @transform_1, window_bounds = array<i64: 49, 256>}, {pipeline_mode = #tpu.pipeline_mode<synchronous>, transform_indices = @transform_2, window_bounds = array<i64: 256, 256>}, {pipeline_mode = #tpu.pipeline_mode<synchronous>, transform_indices = @transform_3, window_bounds = array<i64: 256, 1>}, {transform_indices = @transform_4, window_bounds = array<i64: 64, 1152>}]} {
    %eq3A = arith.constant 0 : i32
    %eq3A_0 = arith.cmpi eq, %arg0, %eq3A : i32
    %convert_element_type3A = arith.extui %eq3A_0 : i1 to i32
    %cond3A = arith.constant 0 : i32
    %cond3A_1 = arith.cmpi ne, %convert_element_type3A, %cond3A : i32
    scf.if %cond3A_1 {
      %get3A_904 = arith.constant 0 : index
      %get3A_905 = arith.constant 0 : index
      %get3A_906 = vector.load %arg3[%get3A_904, %get3A_905] : memref<256x256xf32, #tpu.memory_space<vmem>>, vector<256x256xf32>
      %get3A_907 = arith.constant 0 : index
      %get3A_908 = arith.constant 0 : index
      %get3A_909 = vector.load %arg1[%get3A_907, %get3A_908] : memref<1025x256xf32, #tpu.memory_space<vmem>>, vector<1025x256xf32>
      %dot_general3A_910 = arith.constant dense<0.000000e+00> : vector<1025x256xf32>
      %dot_general3A_911 = tpu.matmul %get3A_909, %get3A_906, %dot_general3A_910 {dimension_numbers = #tpu.dot_dimension_numbers<[1], [0], [0], [1], [0, 0, 1, 1], [], []>, transpose_lhs_hint = false} : vector<1025x256xf32>, vector<256x256xf32>, vector<1025x256xf32> -> vector<1025x256xf32>
      %swap3A_912 = arith.constant 0 : index
      %swap3A_913 = arith.constant 0 : index
      %swap3A_914 = vector.load %arg6[%swap3A_912, %swap3A_913] : memref<1216x256xf32, #tpu.memory_space<vmem>>, vector<1025x256xf32>
      tpu.vector_store %arg6[%swap3A_912, %swap3A_913], %dot_general3A_911 {strides = array<i32>} : memref<1216x256xf32, #tpu.memory_space<vmem>>, vector<1025x256xf32>,
      %get3A_915 = arith.constant 0 : index
      %get3A_916 = arith.constant 0 : index
      %get3A_917 = vector.load %arg2[%get3A_915, %get3A_916] : memref<49x256xf32, #tpu.memory_space<vmem>>, vector<49x256xf32>
      %dot_general3A_918 = arith.constant dense<0.000000e+00> : vector<49x256xf32>
      %dot_general3A_919 = tpu.matmul %get3A_917, %get3A_906, %dot_general3A_918 {dimension_numbers = #tpu.dot_dimension_numbers<[1], [0], [0], [1], [0, 0, 1, 1], [], []>, transpose_lhs_hint = false} : vector<49x256xf32>, vector<256x256xf32>, vector<49x256xf32> -> vector<49x256xf32>
      %swap3A_920 = arith.constant 1152 : index
      %swap3A_921 = arith.constant 0 : index
      %swap3A_922 = vector.load %arg6[%swap3A_920, %swap3A_921] : memref<1216x256xf32, #tpu.memory_space<vmem>>, vector<49x256xf32>
      tpu.vector_store %arg6[%swap3A_920, %swap3A_921], %dot_general3A_919 {strides = array<i32>} : memref<1216x256xf32, #tpu.memory_space<vmem>>, vector<49x256xf32>,
      %get3A_923 = arith.constant 0 : index
      %get3A_924 = arith.constant 0 : index
      %get3A_925 = vector.load %arg6[%get3A_923, %get3A_924] : memref<1216x256xf32, #tpu.memory_space<vmem>>, vector<1152x256xf32>
      %transpose3A_926 = tpu.transpose %get3A_925, [1, 0] : vector<1152x256xf32> -> vector<256x1152xf32>
      %swap3A_927 = arith.constant 0 : index
      %swap3A_928 = arith.constant 0 : index
      %swap3A_929 = vector.load %arg7[%swap3A_927, %swap3A_928] : memref<256x1152xf32, #tpu.memory_space<vmem>>, vector<256x1152xf32>
      tpu.vector_store %arg7[%swap3A_927, %swap3A_928], %transpose3A_926 {strides = array<i32>} : memref<256x1152xf32, #tpu.memory_space<vmem>>, vector<256x1152xf32>,
    } else {
    }
    %get3A = arith.constant 0 : index
    %get3A_2 = arith.constant 0 : index
    %get3A_3 = vector.load %arg7[%get3A, %get3A_2] : memref<256x1152xf32, #tpu.memory_space<vmem>>, vector<256x1152xf32>
    %mul3A = arith.constant 64 : i32
    %mul3A_4 = arith.muli %arg0, %mul3A : i32
    %add3A = arith.constant 1152 : i32
    %add3A_5 = arith.addi %add3A, %mul3A_4 : i32
    %get3A_6 = arith.index_cast %add3A_5 : i32 to index
    %get3A_7 = arith.constant 0 : index
    %get3A_8 = vector.load %arg6[%get3A_6, %get3A_7] : memref<1216x256xf32, #tpu.memory_space<vmem>>, vector<64x256xf32>
    %transpose3A = tpu.transpose %get3A_8, [1, 0] : vector<64x256xf32> -> vector<256x64xf32>
    %get3A_9 = arith.constant 0 : index
    %get3A_10 = arith.constant 0 : index
    %get3A_11 = vector.load %arg4[%get3A_9, %get3A_10] : memref<256x1xf32, #tpu.memory_space<vmem>>, vector<256x1xf32>
    %transpose3A_12 = tpu.transpose %get3A_11, [1, 0] : vector<256x1xf32> -> vector<1x256xf32>
    %slice3A = vector.extract_strided_slice %transpose3A {offsets = [0, 0], sizes = [256, 1], strides = [1, 1]} : vector<256x64xf32> to vector<256x1xf32>
    %add3A_13 = vector.broadcast %slice3A : vector<256x1xf32> to vector<256x1152xf32>
    %add3A_14 = arith.addf %get3A_3, %add3A_13 : vector<256x1152xf32>
    %max3A = arith.constant 0.000000e+00 : f32
    %max3A_15 = vector.broadcast %max3A : f32 to vector<256x1152xf32>
    %max3A_16 = arith.maximumf %add3A_14, %max3A_15 : vector<256x1152xf32>
    %dot_general3A = arith.constant dense<0.000000e+00> : vector<1x1152xf32>
    %dot_general3A_17 = tpu.matmul %transpose3A_12, %max3A_16, %dot_general3A {dimension_numbers = #tpu.dot_dimension_numbers<[1], [0], [0], [1], [0, 0, 1, 1], [], []>, transpose_lhs_hint = false} : vector<1x256xf32>, vector<256x1152xf32>, vector<1x1152xf32> -> vector<1x1152xf32>
    %squeeze3A = vector.shape_cast %dot_general3A_17 : vector<1x1152xf32> to vector<1152xf32>
    %swap3A = arith.constant 0 : index
    %swap3A_18 = arith.constant 0 : index
    %swap3A_19 = vector.load %arg5[%swap3A, %swap3A_18] : memref<64x1152xf32, #tpu.memory_space<vmem>>, vector<1x1152xf32>
    %swap3A_20 = vector.shape_cast %swap3A_19 : vector<1x1152xf32> to vector<1152xf32>
    %swap3A_21 = vector.shape_cast %squeeze3A : vector<1152xf32> to vector<1x1152xf32>
    tpu.vector_store %arg5[%swap3A, %swap3A_18], %swap3A_21 {strides = array<i32>} : memref<64x1152xf32, #tpu.memory_space<vmem>>, vector<1x1152xf32>,
    %slice3A_22 = vector.extract_strided_slice %transpose3A {offsets = [0, 1], sizes = [256, 1], strides = [1, 1]} : vector<256x64xf32> to vector<256x1xf32>
    %add3A_23 = vector.broadcast %slice3A_22 : vector<256x1xf32> to vector<256x1152xf32>
    %add3A_24 = arith.addf %get3A_3, %add3A_23 : vector<256x1152xf32>
    %max3A_25 = arith.constant 0.000000e+00 : f32
    %max3A_26 = vector.broadcast %max3A_25 : f32 to vector<256x1152xf32>
    %max3A_27 = arith.maximumf %add3A_24, %max3A_26 : vector<256x1152xf32>
    %dot_general3A_28 = arith.constant dense<0.000000e+00> : vector<1x1152xf32>
    %dot_general3A_29 = tpu.matmul %transpose3A_12, %max3A_27, %dot_general3A_28 {dimension_numbers = #tpu.dot_dimension_numbers<[1], [0], [0], [1], [0, 0, 1, 1], [], []>, transpose_lhs_hint = false} : vector<1x256xf32>, vector<256x1152xf32>, vector<1x1152xf32> -> vector<1x1152xf32>
    %squeeze3A_30 = vector.shape_cast %dot_general3A_29 : vector<1x1152xf32> to vector<1152xf32>
    %swap3A_31 = arith.constant 1 : index
    %swap3A_32 = arith.constant 0 : index
    %swap3A_33 = vector.load %arg5[%swap3A_31, %swap3A_32] : memref<64x1152xf32, #tpu.memory_space<vmem>>, vector<1x1152xf32>
    %swap3A_34 = vector.shape_cast %swap3A_33 : vector<1x1152xf32> to vector<1152xf32>
    %swap3A_35 = vector.shape_cast %squeeze3A_30 : vector<1152xf32> to vector<1x1152xf32>
    tpu.vector_store %arg5[%swap3A_31, %swap3A_32], %swap3A_35 {strides = array<i32>} : memref<64x1152xf32, #tpu.memory_space<vmem>>, vector<1x1152xf32>,
    %slice3A_36 = vector.extract_strided_slice %transpose3A {offsets = [0, 2], sizes = [256, 1], strides = [1, 1]} : vector<256x64xf32> to vector<256x1xf32>
    %add3A_37 = vector.broadcast %slice3A_36 : vector<256x1xf32> to vector<256x1152xf32>
    %add3A_38 = arith.addf %get3A_3, %add3A_37 : vector<256x1152xf32>
    %max3A_39 = arith.constant 0.000000e+00 : f32
    %max3A_40 = vector.broadcast %max3A_39 : f32 to vector<256x1152xf32>
    %max3A_41 = arith.maximumf %add3A_38, %max3A_40 : vector<256x1152xf32>
    %dot_general3A_42 = arith.constant dense<0.000000e+00> : vector<1x1152xf32>
    %dot_general3A_43 = tpu.matmul %transpose3A_12, %max3A_41, %dot_general3A_42 {dimension_numbers = #tpu.dot_dimension_numbers<[1], [0], [0], [1], [0, 0, 1, 1], [], []>, transpose_lhs_hint = false} : vector<1x256xf32>, vector<256x1152xf32>, vector<1x1152xf32> -> vector<1x1152xf32>
    %squeeze3A_44 = vector.shape_cast %dot_general3A_43 : vector<1x1152xf32> to vector<1152xf32>
    %swap3A_45 = arith.constant 2 : index
    %swap3A_46 = arith.constant 0 : index
    %swap3A_47 = vector.load %arg5[%swap3A_45, %swap3A_46] : memref<64x1152xf32, #tpu.memory_space<vmem>>, vector<1x1152xf32>
    %swap3A_48 = vector.shape_cast %swap3A_47 : vector<1x1152xf32> to vector<1152xf32>
    %swap3A_49 = vector.shape_cast %squeeze3A_44 : vector<1152xf32> to vector<1x1152xf32>
    tpu.vector_store %arg5[%swap3A_45, %swap3A_46], %swap3A_49 {strides = array<i32>} : memref<64x1152xf32, #tpu.memory_space<vmem>>, vector<1x1152xf32>,
    %slice3A_50 = vector.extract_strided_slice %transpose3A {offsets = [0, 3], sizes = [256, 1], strides = [1, 1]} : vector<256x64xf32> to vector<256x1xf32>
    %add3A_51 = vector.broadcast %slice3A_50 : vector<256x1xf32> to vector<256x1152xf32>
    %add3A_52 = arith.addf %get3A_3, %add3A_51 : vector<256x1152xf32>
    %max3A_53 = arith.constant 0.000000e+00 : f32
    %max3A_54 = vector.broadcast %max3A_53 : f32 to vector<256x1152xf32>
    %max3A_55 = arith.maximumf %add3A_52, %max3A_54 : vector<256x1152xf32>
    %dot_general3A_56 = arith.constant dense<0.000000e+00> : vector<1x1152xf32>
    %dot_general3A_57 = tpu.matmul %transpose3A_12, %max3A_55, %dot_general3A_56 {dimension_numbers = #tpu.dot_dimension_numbers<[1], [0], [0], [1], [0, 0, 1, 1], [], []>, transpose_lhs_hint = false} : vector<1x256xf32>, vector<256x1152xf32>, vector<1x1152xf32> -> vector<1x1152xf32>
    %squeeze3A_58 = vector.shape_cast %dot_general3A_57 : vector<1x1152xf32> to vector<1152xf32>
    %swap3A_59 = arith.constant 3 : index
    %swap3A_60 = arith.constant 0 : index
    %swap3A_61 = vector.load %arg5[%swap3A_59, %swap3A_60] : memref<64x1152xf32, #tpu.memory_space<vmem>>, vector<1x1152xf32>
    %swap3A_62 = vector.shape_cast %swap3A_61 : vector<1x1152xf32> to vector<1152xf32>
    %swap3A_63 = vector.shape_cast %squeeze3A_58 : vector<1152xf32> to vector<1x1152xf32>
    tpu.vector_store %arg5[%swap3A_59, %swap3A_60], %swap3A_63 {strides = array<i32>} : memref<64x1152xf32, #tpu.memory_space<vmem>>, vector<1x1152xf32>,
    %slice3A_64 = vector.extract_strided_slice %transpose3A {offsets = [0, 4], sizes = [256, 1], strides = [1, 1]} : vector<256x64xf32> to vector<256x1xf32>
    %add3A_65 = vector.broadcast %slice3A_64 : vector<256x1xf32> to vector<256x1152xf32>
    %add3A_66 = arith.addf %get3A_3, %add3A_65 : vector<256x1152xf32>
    %max3A_67 = arith.constant 0.000000e+00 : f32
    %max3A_68 = vector.broadcast %max3A_67 : f32 to vector<256x1152xf32>
    %max3A_69 = arith.maximumf %add3A_66, %max3A_68 : vector<256x1152xf32>
    %dot_general3A_70 = arith.constant dense<0.000000e+00> : vector<1x1152xf32>
    %dot_general3A_71 = tpu.matmul %transpose3A_12, %max3A_69, %dot_general3A_70 {dimension_numbers = #tpu.dot_dimension_numbers<[1], [0], [0], [1], [0, 0, 1, 1], [], []>, transpose_lhs_hint = false} : vector<1x256xf32>, vector<256x1152xf32>, vector<1x1152xf32> -> vector<1x1152xf32>
    %squeeze3A_72 = vector.shape_cast %dot_general3A_71 : vector<1x1152xf32> to vector<1152xf32>
    %swap3A_73 = arith.constant 4 : index
    %swap3A_74 = arith.constant 0 : index
    %swap3A_75 = vector.load %arg5[%swap3A_73, %swap3A_74] : memref<64x1152xf32, #tpu.memory_space<vmem>>, vector<1x1152xf32>
    %swap3A_76 = vector.shape_cast %swap3A_75 : vector<1x1152xf32> to vector<1152xf32>
    %swap3A_77 = vector.shape_cast %squeeze3A_72 : vector<1152xf32> to vector<1x1152xf32>
    tpu.vector_store %arg5[%swap3A_73, %swap3A_74], %swap3A_77 {strides = array<i32>} : memref<64x1152xf32, #tpu.memory_space<vmem>>, vector<1x1152xf32>,
    %slice3A_78 = vector.extract_strided_slice %transpose3A {offsets = [0, 5], sizes = [256, 1], strides = [1, 1]} : vector<256x64xf32> to vector<256x1xf32>
    %add3A_79 = vector.broadcast %slice3A_78 : vector<256x1xf32> to vector<256x1152xf32>
    %add3A_80 = arith.addf %get3A_3, %add3A_79 : vector<256x1152xf32>
    %max3A_81 = arith.constant 0.000000e+00 : f32
    %max3A_82 = vector.broadcast %max3A_81 : f32 to vector<256x1152xf32>
    %max3A_83 = arith.maximumf %add3A_80, %max3A_82 : vector<256x1152xf32>
    %dot_general3A_84 = arith.constant dense<0.000000e+00> : vector<1x1152xf32>
    %dot_general3A_85 = tpu.matmul %transpose3A_12, %max3A_83, %dot_general3A_84 {dimension_numbers = #tpu.dot_dimension_numbers<[1], [0], [0], [1], [0, 0, 1, 1], [], []>, transpose_lhs_hint = false} : vector<1x256xf32>, vector<256x1152xf32>, vector<1x1152xf32> -> vector<1x1152xf32>
    %squeeze3A_86 = vector.shape_cast %dot_general3A_85 : vector<1x1152xf32> to vector<1152xf32>
    %swap3A_87 = arith.constant 5 : index
    %swap3A_88 = arith.constant 0 : index
    %swap3A_89 = vector.load %arg5[%swap3A_87, %swap3A_88] : memref<64x1152xf32, #tpu.memory_space<vmem>>, vector<1x1152xf32>
    %swap3A_90 = vector.shape_cast %swap3A_89 : vector<1x1152xf32> to vector<1152xf32>
    %swap3A_91 = vector.shape_cast %squeeze3A_86 : vector<1152xf32> to vector<1x1152xf32>
    tpu.vector_store %arg5[%swap3A_87, %swap3A_88], %swap3A_91 {strides = array<i32>} : memref<64x1152xf32, #tpu.memory_space<vmem>>, vector<1x1152xf32>,
    %slice3A_92 = vector.extract_strided_slice %transpose3A {offsets = [0, 6], sizes = [256, 1], strides = [1, 1]} : vector<256x64xf32> to vector<256x1xf32>
    %add3A_93 = vector.broadcast %slice3A_92 : vector<256x1xf32> to vector<256x1152xf32>
    %add3A_94 = arith.addf %get3A_3, %add3A_93 : vector<256x1152xf32>
    %max3A_95 = arith.constant 0.000000e+00 : f32
    %max3A_96 = vector.broadcast %max3A_95 : f32 to vector<256x1152xf32>
    %max3A_97 = arith.maximumf %add3A_94, %max3A_96 : vector<256x1152xf32>
    %dot_general3A_98 = arith.constant dense<0.000000e+00> : vector<1x1152xf32>
    %dot_general3A_99 = tpu.matmul %transpose3A_12, %max3A_97, %dot_general3A_98 {dimension_numbers = #tpu.dot_dimension_numbers<[1], [0], [0], [1], [0, 0, 1, 1], [], []>, transpose_lhs_hint = false} : vector<1x256xf32>, vector<256x1152xf32>, vector<1x1152xf32> -> vector<1x1152xf32>
    %squeeze3A_100 = vector.shape_cast %dot_general3A_99 : vector<1x1152xf32> to vector<1152xf32>
    %swap3A_101 = arith.constant 6 : index
    %swap3A_102 = arith.constant 0 : index
    %swap3A_103 = vector.load %arg5[%swap3A_101, %swap3A_102] : memref<64x1152xf32, #tpu.memory_space<vmem>>, vector<1x1152xf32>
    %swap3A_104 = vector.shape_cast %swap3A_103 : vector<1x1152xf32> to vector<1152xf32>
    %swap3A_105 = vector.shape_cast %squeeze3A_100 : vector<1152xf32> to vector<1x1152xf32>
    tpu.vector_store %arg5[%swap3A_101, %swap3A_102], %swap3A_105 {strides = array<i32>} : memref<64x1152xf32, #tpu.memory_space<vmem>>, vector<1x1152xf32>,
    %slice3A_106 = vector.extract_strided_slice %transpose3A {offsets = [0, 7], sizes = [256, 1], strides = [1, 1]} : vector<256x64xf32> to vector<256x1xf32>
    %add3A_107 = vector.broadcast %slice3A_106 : vector<256x1xf32> to vector<256x1152xf32>
    %add3A_108 = arith.addf %get3A_3, %add3A_107 : vector<256x1152xf32>
    %max3A_109 = arith.constant 0.000000e+00 : f32
    %max3A_110 = vector.broadcast %max3A_109 : f32 to vector<256x1152xf32>
    %max3A_111 = arith.maximumf %add3A_108, %max3A_110 : vector<256x1152xf32>
    %dot_general3A_112 = arith.constant dense<0.000000e+00> : vector<1x1152xf32>
    %dot_general3A_113 = tpu.matmul %transpose3A_12, %max3A_111, %dot_general3A_112 {dimension_numbers = #tpu.dot_dimension_numbers<[1], [0], [0], [1], [0, 0, 1, 1], [], []>, transpose_lhs_hint = false} : vector<1x256xf32>, vector<256x1152xf32>, vector<1x1152xf32> -> vector<1x1152xf32>
    %squeeze3A_114 = vector.shape_cast %dot_general3A_113 : vector<1x1152xf32> to vector<1152xf32>
    %swap3A_115 = arith.constant 7 : index
    %swap3A_116 = arith.constant 0 : index
    %swap3A_117 = vector.load %arg5[%swap3A_115, %swap3A_116] : memref<64x1152xf32, #tpu.memory_space<vmem>>, vector<1x1152xf32>
    %swap3A_118 = vector.shape_cast %swap3A_117 : vector<1x1152xf32> to vector<1152xf32>
    %swap3A_119 = vector.shape_cast %squeeze3A_114 : vector<1152xf32> to vector<1x1152xf32>
    tpu.vector_store %arg5[%swap3A_115, %swap3A_116], %swap3A_119 {strides = array<i32>} : memref<64x1152xf32, #tpu.memory_space<vmem>>, vector<1x1152xf32>,
    %slice3A_120 = vector.extract_strided_slice %transpose3A {offsets = [0, 8], sizes = [256, 1], strides = [1, 1]} : vector<256x64xf32> to vector<256x1xf32>
    %add3A_121 = vector.broadcast %slice3A_120 : vector<256x1xf32> to vector<256x1152xf32>
    %add3A_122 = arith.addf %get3A_3, %add3A_121 : vector<256x1152xf32>
    %max3A_123 = arith.constant 0.000000e+00 : f32
    %max3A_124 = vector.broadcast %max3A_123 : f32 to vector<256x1152xf32>
    %max3A_125 = arith.maximumf %add3A_122, %max3A_124 : vector<256x1152xf32>
    %dot_general3A_126 = arith.constant dense<0.000000e+00> : vector<1x1152xf32>
    %dot_general3A_127 = tpu.matmul %transpose3A_12, %max3A_125, %dot_general3A_126 {dimension_numbers = #tpu.dot_dimension_numbers<[1], [0], [0], [1], [0, 0, 1, 1], [], []>, transpose_lhs_hint = false} : vector<1x256xf32>, vector<256x1152xf32>, vector<1x1152xf32> -> vector<1x1152xf32>
    %squeeze3A_128 = vector.shape_cast %dot_general3A_127 : vector<1x1152xf32> to vector<1152xf32>
    %swap3A_129 = arith.constant 8 : index
    %swap3A_130 = arith.constant 0 : index
    %swap3A_131 = vector.load %arg5[%swap3A_129, %swap3A_130] : memref<64x1152xf32, #tpu.memory_space<vmem>>, vector<1x1152xf32>
    %swap3A_132 = vector.shape_cast %swap3A_131 : vector<1x1152xf32> to vector<1152xf32>
    %swap3A_133 = vector.shape_cast %squeeze3A_128 : vector<1152xf32> to vector<1x1152xf32>
    tpu.vector_store %arg5[%swap3A_129, %swap3A_130], %swap3A_133 {strides = array<i32>} : memref<64x1152xf32, #tpu.memory_space<vmem>>, vector<1x1152xf32>,
    %slice3A_134 = vector.extract_strided_slice %transpose3A {offsets = [0, 9], sizes = [256, 1], strides = [1, 1]} : vector<256x64xf32> to vector<256x1xf32>
    %add3A_135 = vector.broadcast %slice3A_134 : vector<256x1xf32> to vector<256x1152xf32>
    %add3A_136 = arith.addf %get3A_3, %add3A_135 : vector<256x1152xf32>
    %max3A_137 = arith.constant 0.000000e+00 : f32
    %max3A_138 = vector.broadcast %max3A_137 : f32 to vector<256x1152xf32>
    %max3A_139 = arith.maximumf %add3A_136, %max3A_138 : vector<256x1152xf32>
    %dot_general3A_140 = arith.constant dense<0.000000e+00> : vector<1x1152xf32>
    %dot_general3A_141 = tpu.matmul %transpose3A_12, %max3A_139, %dot_general3A_140 {dimension_numbers = #tpu.dot_dimension_numbers<[1], [0], [0], [1], [0, 0, 1, 1], [], []>, transpose_lhs_hint = false} : vector<1x256xf32>, vector<256x1152xf32>, vector<1x1152xf32> -> vector<1x1152xf32>
    %squeeze3A_142 = vector.shape_cast %dot_general3A_141 : vector<1x1152xf32> to vector<1152xf32>
    %swap3A_143 = arith.constant 9 : index
    %swap3A_144 = arith.constant 0 : index
    %swap3A_145 = vector.load %arg5[%swap3A_143, %swap3A_144] : memref<64x1152xf32, #tpu.memory_space<vmem>>, vector<1x1152xf32>
    %swap3A_146 = vector.shape_cast %swap3A_145 : vector<1x1152xf32> to vector<1152xf32>
    %swap3A_147 = vector.shape_cast %squeeze3A_142 : vector<1152xf32> to vector<1x1152xf32>
    tpu.vector_store %arg5[%swap3A_143, %swap3A_144], %swap3A_147 {strides = array<i32>} : memref<64x1152xf32, #tpu.memory_space<vmem>>, vector<1x1152xf32>,
    %slice3A_148 = vector.extract_strided_slice %transpose3A {offsets = [0, 10], sizes = [256, 1], strides = [1, 1]} : vector<256x64xf32> to vector<256x1xf32>
    %add3A_149 = vector.broadcast %slice3A_148 : vector<256x1xf32> to vector<256x1152xf32>
    %add3A_150 = arith.addf %get3A_3, %add3A_149 : vector<256x1152xf32>
    %max3A_151 = arith.constant 0.000000e+00 : f32
    %max3A_152 = vector.broadcast %max3A_151 : f32 to vector<256x1152xf32>
    %max3A_153 = arith.maximumf %add3A_150, %max3A_152 : vector<256x1152xf32>
    %dot_general3A_154 = arith.constant dense<0.000000e+00> : vector<1x1152xf32>
    %dot_general3A_155 = tpu.matmul %transpose3A_12, %max3A_153, %dot_general3A_154 {dimension_numbers = #tpu.dot_dimension_numbers<[1], [0], [0], [1], [0, 0, 1, 1], [], []>, transpose_lhs_hint = false} : vector<1x256xf32>, vector<256x1152xf32>, vector<1x1152xf32> -> vector<1x1152xf32>
    %squeeze3A_156 = vector.shape_cast %dot_general3A_155 : vector<1x1152xf32> to vector<1152xf32>
    %swap3A_157 = arith.constant 10 : index
    %swap3A_158 = arith.constant 0 : index
    %swap3A_159 = vector.load %arg5[%swap3A_157, %swap3A_158] : memref<64x1152xf32, #tpu.memory_space<vmem>>, vector<1x1152xf32>
    %swap3A_160 = vector.shape_cast %swap3A_159 : vector<1x1152xf32> to vector<1152xf32>
    %swap3A_161 = vector.shape_cast %squeeze3A_156 : vector<1152xf32> to vector<1x1152xf32>
    tpu.vector_store %arg5[%swap3A_157, %swap3A_158], %swap3A_161 {strides = array<i32>} : memref<64x1152xf32, #tpu.memory_space<vmem>>, vector<1x1152xf32>,
    %slice3A_162 = vector.extract_strided_slice %transpose3A {offsets = [0, 11], sizes = [256, 1], strides = [1, 1]} : vector<256x64xf32> to vector<256x1xf32>
    %add3A_163 = vector.broadcast %slice3A_162 : vector<256x1xf32> to vector<256x1152xf32>
    %add3A_164 = arith.addf %get3A_3, %add3A_163 : vector<256x1152xf32>
    %max3A_165 = arith.constant 0.000000e+00 : f32
    %max3A_166 = vector.broadcast %max3A_165 : f32 to vector<256x1152xf32>
    %max3A_167 = arith.maximumf %add3A_164, %max3A_166 : vector<256x1152xf32>
    %dot_general3A_168 = arith.constant dense<0.000000e+00> : vector<1x1152xf32>
    %dot_general3A_169 = tpu.matmul %transpose3A_12, %max3A_167, %dot_general3A_168 {dimension_numbers = #tpu.dot_dimension_numbers<[1], [0], [0], [1], [0, 0, 1, 1], [], []>, transpose_lhs_hint = false} : vector<1x256xf32>, vector<256x1152xf32>, vector<1x1152xf32> -> vector<1x1152xf32>
    %squeeze3A_170 = vector.shape_cast %dot_general3A_169 : vector<1x1152xf32> to vector<1152xf32>
    %swap3A_171 = arith.constant 11 : index
    %swap3A_172 = arith.constant 0 : index
    %swap3A_173 = vector.load %arg5[%swap3A_171, %swap3A_172] : memref<64x1152xf32, #tpu.memory_space<vmem>>, vector<1x1152xf32>
    %swap3A_174 = vector.shape_cast %swap3A_173 : vector<1x1152xf32> to vector<1152xf32>
    %swap3A_175 = vector.shape_cast %squeeze3A_170 : vector<1152xf32> to vector<1x1152xf32>
    tpu.vector_store %arg5[%swap3A_171, %swap3A_172], %swap3A_175 {strides = array<i32>} : memref<64x1152xf32, #tpu.memory_space<vmem>>, vector<1x1152xf32>,
    %slice3A_176 = vector.extract_strided_slice %transpose3A {offsets = [0, 12], sizes = [256, 1], strides = [1, 1]} : vector<256x64xf32> to vector<256x1xf32>
    %add3A_177 = vector.broadcast %slice3A_176 : vector<256x1xf32> to vector<256x1152xf32>
    %add3A_178 = arith.addf %get3A_3, %add3A_177 : vector<256x1152xf32>
    %max3A_179 = arith.constant 0.000000e+00 : f32
    %max3A_180 = vector.broadcast %max3A_179 : f32 to vector<256x1152xf32>
    %max3A_181 = arith.maximumf %add3A_178, %max3A_180 : vector<256x1152xf32>
    %dot_general3A_182 = arith.constant dense<0.000000e+00> : vector<1x1152xf32>
    %dot_general3A_183 = tpu.matmul %transpose3A_12, %max3A_181, %dot_general3A_182 {dimension_numbers = #tpu.dot_dimension_numbers<[1], [0], [0], [1], [0, 0, 1, 1], [], []>, transpose_lhs_hint = false} : vector<1x256xf32>, vector<256x1152xf32>, vector<1x1152xf32> -> vector<1x1152xf32>
    %squeeze3A_184 = vector.shape_cast %dot_general3A_183 : vector<1x1152xf32> to vector<1152xf32>
    %swap3A_185 = arith.constant 12 : index
    %swap3A_186 = arith.constant 0 : index
    %swap3A_187 = vector.load %arg5[%swap3A_185, %swap3A_186] : memref<64x1152xf32, #tpu.memory_space<vmem>>, vector<1x1152xf32>
    %swap3A_188 = vector.shape_cast %swap3A_187 : vector<1x1152xf32> to vector<1152xf32>
    %swap3A_189 = vector.shape_cast %squeeze3A_184 : vector<1152xf32> to vector<1x1152xf32>
    tpu.vector_store %arg5[%swap3A_185, %swap3A_186], %swap3A_189 {strides = array<i32>} : memref<64x1152xf32, #tpu.memory_space<vmem>>, vector<1x1152xf32>,
    %slice3A_190 = vector.extract_strided_slice %transpose3A {offsets = [0, 13], sizes = [256, 1], strides = [1, 1]} : vector<256x64xf32> to vector<256x1xf32>
    %add3A_191 = vector.broadcast %slice3A_190 : vector<256x1xf32> to vector<256x1152xf32>
    %add3A_192 = arith.addf %get3A_3, %add3A_191 : vector<256x1152xf32>
    %max3A_193 = arith.constant 0.000000e+00 : f32
    %max3A_194 = vector.broadcast %max3A_193 : f32 to vector<256x1152xf32>
    %max3A_195 = arith.maximumf %add3A_192, %max3A_194 : vector<256x1152xf32>
    %dot_general3A_196 = arith.constant dense<0.000000e+00> : vector<1x1152xf32>
    %dot_general3A_197 = tpu.matmul %transpose3A_12, %max3A_195, %dot_general3A_196 {dimension_numbers = #tpu.dot_dimension_numbers<[1], [0], [0], [1], [0, 0, 1, 1], [], []>, transpose_lhs_hint = false} : vector<1x256xf32>, vector<256x1152xf32>, vector<1x1152xf32> -> vector<1x1152xf32>
    %squeeze3A_198 = vector.shape_cast %dot_general3A_197 : vector<1x1152xf32> to vector<1152xf32>
    %swap3A_199 = arith.constant 13 : index
    %swap3A_200 = arith.constant 0 : index
    %swap3A_201 = vector.load %arg5[%swap3A_199, %swap3A_200] : memref<64x1152xf32, #tpu.memory_space<vmem>>, vector<1x1152xf32>
    %swap3A_202 = vector.shape_cast %swap3A_201 : vector<1x1152xf32> to vector<1152xf32>
    %swap3A_203 = vector.shape_cast %squeeze3A_198 : vector<1152xf32> to vector<1x1152xf32>
    tpu.vector_store %arg5[%swap3A_199, %swap3A_200], %swap3A_203 {strides = array<i32>} : memref<64x1152xf32, #tpu.memory_space<vmem>>, vector<1x1152xf32>,
    %slice3A_204 = vector.extract_strided_slice %transpose3A {offsets = [0, 14], sizes = [256, 1], strides = [1, 1]} : vector<256x64xf32> to vector<256x1xf32>
    %add3A_205 = vector.broadcast %slice3A_204 : vector<256x1xf32> to vector<256x1152xf32>
    %add3A_206 = arith.addf %get3A_3, %add3A_205 : vector<256x1152xf32>
    %max3A_207 = arith.constant 0.000000e+00 : f32
    %max3A_208 = vector.broadcast %max3A_207 : f32 to vector<256x1152xf32>
    %max3A_209 = arith.maximumf %add3A_206, %max3A_208 : vector<256x1152xf32>
    %dot_general3A_210 = arith.constant dense<0.000000e+00> : vector<1x1152xf32>
    %dot_general3A_211 = tpu.matmul %transpose3A_12, %max3A_209, %dot_general3A_210 {dimension_numbers = #tpu.dot_dimension_numbers<[1], [0], [0], [1], [0, 0, 1, 1], [], []>, transpose_lhs_hint = false} : vector<1x256xf32>, vector<256x1152xf32>, vector<1x1152xf32> -> vector<1x1152xf32>
    %squeeze3A_212 = vector.shape_cast %dot_general3A_211 : vector<1x1152xf32> to vector<1152xf32>
    %swap3A_213 = arith.constant 14 : index
    %swap3A_214 = arith.constant 0 : index
    %swap3A_215 = vector.load %arg5[%swap3A_213, %swap3A_214] : memref<64x1152xf32, #tpu.memory_space<vmem>>, vector<1x1152xf32>
    %swap3A_216 = vector.shape_cast %swap3A_215 : vector<1x1152xf32> to vector<1152xf32>
    %swap3A_217 = vector.shape_cast %squeeze3A_212 : vector<1152xf32> to vector<1x1152xf32>
    tpu.vector_store %arg5[%swap3A_213, %swap3A_214], %swap3A_217 {strides = array<i32>} : memref<64x1152xf32, #tpu.memory_space<vmem>>, vector<1x1152xf32>,
    %slice3A_218 = vector.extract_strided_slice %transpose3A {offsets = [0, 15], sizes = [256, 1], strides = [1, 1]} : vector<256x64xf32> to vector<256x1xf32>
    %add3A_219 = vector.broadcast %slice3A_218 : vector<256x1xf32> to vector<256x1152xf32>
    %add3A_220 = arith.addf %get3A_3, %add3A_219 : vector<256x1152xf32>
    %max3A_221 = arith.constant 0.000000e+00 : f32
    %max3A_222 = vector.broadcast %max3A_221 : f32 to vector<256x1152xf32>
    %max3A_223 = arith.maximumf %add3A_220, %max3A_222 : vector<256x1152xf32>
    %dot_general3A_224 = arith.constant dense<0.000000e+00> : vector<1x1152xf32>
    %dot_general3A_225 = tpu.matmul %transpose3A_12, %max3A_223, %dot_general3A_224 {dimension_numbers = #tpu.dot_dimension_numbers<[1], [0], [0], [1], [0, 0, 1, 1], [], []>, transpose_lhs_hint = false} : vector<1x256xf32>, vector<256x1152xf32>, vector<1x1152xf32> -> vector<1x1152xf32>
    %squeeze3A_226 = vector.shape_cast %dot_general3A_225 : vector<1x1152xf32> to vector<1152xf32>
    %swap3A_227 = arith.constant 15 : index
    %swap3A_228 = arith.constant 0 : index
    %swap3A_229 = vector.load %arg5[%swap3A_227, %swap3A_228] : memref<64x1152xf32, #tpu.memory_space<vmem>>, vector<1x1152xf32>
    %swap3A_230 = vector.shape_cast %swap3A_229 : vector<1x1152xf32> to vector<1152xf32>
    %swap3A_231 = vector.shape_cast %squeeze3A_226 : vector<1152xf32> to vector<1x1152xf32>
    tpu.vector_store %arg5[%swap3A_227, %swap3A_228], %swap3A_231 {strides = array<i32>} : memref<64x1152xf32, #tpu.memory_space<vmem>>, vector<1x1152xf32>,
    %slice3A_232 = vector.extract_strided_slice %transpose3A {offsets = [0, 16], sizes = [256, 1], strides = [1, 1]} : vector<256x64xf32> to vector<256x1xf32>
    %add3A_233 = vector.broadcast %slice3A_232 : vector<256x1xf32> to vector<256x1152xf32>
    %add3A_234 = arith.addf %get3A_3, %add3A_233 : vector<256x1152xf32>
    %max3A_235 = arith.constant 0.000000e+00 : f32
    %max3A_236 = vector.broadcast %max3A_235 : f32 to vector<256x1152xf32>
    %max3A_237 = arith.maximumf %add3A_234, %max3A_236 : vector<256x1152xf32>
    %dot_general3A_238 = arith.constant dense<0.000000e+00> : vector<1x1152xf32>
    %dot_general3A_239 = tpu.matmul %transpose3A_12, %max3A_237, %dot_general3A_238 {dimension_numbers = #tpu.dot_dimension_numbers<[1], [0], [0], [1], [0, 0, 1, 1], [], []>, transpose_lhs_hint = false} : vector<1x256xf32>, vector<256x1152xf32>, vector<1x1152xf32> -> vector<1x1152xf32>
    %squeeze3A_240 = vector.shape_cast %dot_general3A_239 : vector<1x1152xf32> to vector<1152xf32>
    %swap3A_241 = arith.constant 16 : index
    %swap3A_242 = arith.constant 0 : index
    %swap3A_243 = vector.load %arg5[%swap3A_241, %swap3A_242] : memref<64x1152xf32, #tpu.memory_space<vmem>>, vector<1x1152xf32>
    %swap3A_244 = vector.shape_cast %swap3A_243 : vector<1x1152xf32> to vector<1152xf32>
    %swap3A_245 = vector.shape_cast %squeeze3A_240 : vector<1152xf32> to vector<1x1152xf32>
    tpu.vector_store %arg5[%swap3A_241, %swap3A_242], %swap3A_245 {strides = array<i32>} : memref<64x1152xf32, #tpu.memory_space<vmem>>, vector<1x1152xf32>,
    %slice3A_246 = vector.extract_strided_slice %transpose3A {offsets = [0, 17], sizes = [256, 1], strides = [1, 1]} : vector<256x64xf32> to vector<256x1xf32>
    %add3A_247 = vector.broadcast %slice3A_246 : vector<256x1xf32> to vector<256x1152xf32>
    %add3A_248 = arith.addf %get3A_3, %add3A_247 : vector<256x1152xf32>
    %max3A_249 = arith.constant 0.000000e+00 : f32
    %max3A_250 = vector.broadcast %max3A_249 : f32 to vector<256x1152xf32>
    %max3A_251 = arith.maximumf %add3A_248, %max3A_250 : vector<256x1152xf32>
    %dot_general3A_252 = arith.constant dense<0.000000e+00> : vector<1x1152xf32>
    %dot_general3A_253 = tpu.matmul %transpose3A_12, %max3A_251, %dot_general3A_252 {dimension_numbers = #tpu.dot_dimension_numbers<[1], [0], [0], [1], [0, 0, 1, 1], [], []>, transpose_lhs_hint = false} : vector<1x256xf32>, vector<256x1152xf32>, vector<1x1152xf32> -> vector<1x1152xf32>
    %squeeze3A_254 = vector.shape_cast %dot_general3A_253 : vector<1x1152xf32> to vector<1152xf32>
    %swap3A_255 = arith.constant 17 : index
    %swap3A_256 = arith.constant 0 : index
    %swap3A_257 = vector.load %arg5[%swap3A_255, %swap3A_256] : memref<64x1152xf32, #tpu.memory_space<vmem>>, vector<1x1152xf32>
    %swap3A_258 = vector.shape_cast %swap3A_257 : vector<1x1152xf32> to vector<1152xf32>
    %swap3A_259 = vector.shape_cast %squeeze3A_254 : vector<1152xf32> to vector<1x1152xf32>
    tpu.vector_store %arg5[%swap3A_255, %swap3A_256], %swap3A_259 {strides = array<i32>} : memref<64x1152xf32, #tpu.memory_space<vmem>>, vector<1x1152xf32>,
    %slice3A_260 = vector.extract_strided_slice %transpose3A {offsets = [0, 18], sizes = [256, 1], strides = [1, 1]} : vector<256x64xf32> to vector<256x1xf32>
    %add3A_261 = vector.broadcast %slice3A_260 : vector<256x1xf32> to vector<256x1152xf32>
    %add3A_262 = arith.addf %get3A_3, %add3A_261 : vector<256x1152xf32>
    %max3A_263 = arith.constant 0.000000e+00 : f32
    %max3A_264 = vector.broadcast %max3A_263 : f32 to vector<256x1152xf32>
    %max3A_265 = arith.maximumf %add3A_262, %max3A_264 : vector<256x1152xf32>
    %dot_general3A_266 = arith.constant dense<0.000000e+00> : vector<1x1152xf32>
    %dot_general3A_267 = tpu.matmul %transpose3A_12, %max3A_265, %dot_general3A_266 {dimension_numbers = #tpu.dot_dimension_numbers<[1], [0], [0], [1], [0, 0, 1, 1], [], []>, transpose_lhs_hint = false} : vector<1x256xf32>, vector<256x1152xf32>, vector<1x1152xf32> -> vector<1x1152xf32>
    %squeeze3A_268 = vector.shape_cast %dot_general3A_267 : vector<1x1152xf32> to vector<1152xf32>
    %swap3A_269 = arith.constant 18 : index
    %swap3A_270 = arith.constant 0 : index
    %swap3A_271 = vector.load %arg5[%swap3A_269, %swap3A_270] : memref<64x1152xf32, #tpu.memory_space<vmem>>, vector<1x1152xf32>
    %swap3A_272 = vector.shape_cast %swap3A_271 : vector<1x1152xf32> to vector<1152xf32>
    %swap3A_273 = vector.shape_cast %squeeze3A_268 : vector<1152xf32> to vector<1x1152xf32>
    tpu.vector_store %arg5[%swap3A_269, %swap3A_270], %swap3A_273 {strides = array<i32>} : memref<64x1152xf32, #tpu.memory_space<vmem>>, vector<1x1152xf32>,
    %slice3A_274 = vector.extract_strided_slice %transpose3A {offsets = [0, 19], sizes = [256, 1], strides = [1, 1]} : vector<256x64xf32> to vector<256x1xf32>
    %add3A_275 = vector.broadcast %slice3A_274 : vector<256x1xf32> to vector<256x1152xf32>
    %add3A_276 = arith.addf %get3A_3, %add3A_275 : vector<256x1152xf32>
    %max3A_277 = arith.constant 0.000000e+00 : f32
    %max3A_278 = vector.broadcast %max3A_277 : f32 to vector<256x1152xf32>
    %max3A_279 = arith.maximumf %add3A_276, %max3A_278 : vector<256x1152xf32>
    %dot_general3A_280 = arith.constant dense<0.000000e+00> : vector<1x1152xf32>
    %dot_general3A_281 = tpu.matmul %transpose3A_12, %max3A_279, %dot_general3A_280 {dimension_numbers = #tpu.dot_dimension_numbers<[1], [0], [0], [1], [0, 0, 1, 1], [], []>, transpose_lhs_hint = false} : vector<1x256xf32>, vector<256x1152xf32>, vector<1x1152xf32> -> vector<1x1152xf32>
    %squeeze3A_282 = vector.shape_cast %dot_general3A_281 : vector<1x1152xf32> to vector<1152xf32>
    %swap3A_283 = arith.constant 19 : index
    %swap3A_284 = arith.constant 0 : index
    %swap3A_285 = vector.load %arg5[%swap3A_283, %swap3A_284] : memref<64x1152xf32, #tpu.memory_space<vmem>>, vector<1x1152xf32>
    %swap3A_286 = vector.shape_cast %swap3A_285 : vector<1x1152xf32> to vector<1152xf32>
    %swap3A_287 = vector.shape_cast %squeeze3A_282 : vector<1152xf32> to vector<1x1152xf32>
    tpu.vector_store %arg5[%swap3A_283, %swap3A_284], %swap3A_287 {strides = array<i32>} : memref<64x1152xf32, #tpu.memory_space<vmem>>, vector<1x1152xf32>,
    %slice3A_288 = vector.extract_strided_slice %transpose3A {offsets = [0, 20], sizes = [256, 1], strides = [1, 1]} : vector<256x64xf32> to vector<256x1xf32>
    %add3A_289 = vector.broadcast %slice3A_288 : vector<256x1xf32> to vector<256x1152xf32>
    %add3A_290 = arith.addf %get3A_3, %add3A_289 : vector<256x1152xf32>
    %max3A_291 = arith.constant 0.000000e+00 : f32
    %max3A_292 = vector.broadcast %max3A_291 : f32 to vector<256x1152xf32>
    %max3A_293 = arith.maximumf %add3A_290, %max3A_292 : vector<256x1152xf32>
    %dot_general3A_294 = arith.constant dense<0.000000e+00> : vector<1x1152xf32>
    %dot_general3A_295 = tpu.matmul %transpose3A_12, %max3A_293, %dot_general3A_294 {dimension_numbers = #tpu.dot_dimension_numbers<[1], [0], [0], [1], [0, 0, 1, 1], [], []>, transpose_lhs_hint = false} : vector<1x256xf32>, vector<256x1152xf32>, vector<1x1152xf32> -> vector<1x1152xf32>
    %squeeze3A_296 = vector.shape_cast %dot_general3A_295 : vector<1x1152xf32> to vector<1152xf32>
    %swap3A_297 = arith.constant 20 : index
    %swap3A_298 = arith.constant 0 : index
    %swap3A_299 = vector.load %arg5[%swap3A_297, %swap3A_298] : memref<64x1152xf32, #tpu.memory_space<vmem>>, vector<1x1152xf32>
    %swap3A_300 = vector.shape_cast %swap3A_299 : vector<1x1152xf32> to vector<1152xf32>
    %swap3A_301 = vector.shape_cast %squeeze3A_296 : vector<1152xf32> to vector<1x1152xf32>
    tpu.vector_store %arg5[%swap3A_297, %swap3A_298], %swap3A_301 {strides = array<i32>} : memref<64x1152xf32, #tpu.memory_space<vmem>>, vector<1x1152xf32>,
    %slice3A_302 = vector.extract_strided_slice %transpose3A {offsets = [0, 21], sizes = [256, 1], strides = [1, 1]} : vector<256x64xf32> to vector<256x1xf32>
    %add3A_303 = vector.broadcast %slice3A_302 : vector<256x1xf32> to vector<256x1152xf32>
    %add3A_304 = arith.addf %get3A_3, %add3A_303 : vector<256x1152xf32>
    %max3A_305 = arith.constant 0.000000e+00 : f32
    %max3A_306 = vector.broadcast %max3A_305 : f32 to vector<256x1152xf32>
    %max3A_307 = arith.maximumf %add3A_304, %max3A_306 : vector<256x1152xf32>
    %dot_general3A_308 = arith.constant dense<0.000000e+00> : vector<1x1152xf32>
    %dot_general3A_309 = tpu.matmul %transpose3A_12, %max3A_307, %dot_general3A_308 {dimension_numbers = #tpu.dot_dimension_numbers<[1], [0], [0], [1], [0, 0, 1, 1], [], []>, transpose_lhs_hint = false} : vector<1x256xf32>, vector<256x1152xf32>, vector<1x1152xf32> -> vector<1x1152xf32>
    %squeeze3A_310 = vector.shape_cast %dot_general3A_309 : vector<1x1152xf32> to vector<1152xf32>
    %swap3A_311 = arith.constant 21 : index
    %swap3A_312 = arith.constant 0 : index
    %swap3A_313 = vector.load %arg5[%swap3A_311, %swap3A_312] : memref<64x1152xf32, #tpu.memory_space<vmem>>, vector<1x1152xf32>
    %swap3A_314 = vector.shape_cast %swap3A_313 : vector<1x1152xf32> to vector<1152xf32>
    %swap3A_315 = vector.shape_cast %squeeze3A_310 : vector<1152xf32> to vector<1x1152xf32>
    tpu.vector_store %arg5[%swap3A_311, %swap3A_312], %swap3A_315 {strides = array<i32>} : memref<64x1152xf32, #tpu.memory_space<vmem>>, vector<1x1152xf32>,
    %slice3A_316 = vector.extract_strided_slice %transpose3A {offsets = [0, 22], sizes = [256, 1], strides = [1, 1]} : vector<256x64xf32> to vector<256x1xf32>
    %add3A_317 = vector.broadcast %slice3A_316 : vector<256x1xf32> to vector<256x1152xf32>
    %add3A_318 = arith.addf %get3A_3, %add3A_317 : vector<256x1152xf32>
    %max3A_319 = arith.constant 0.000000e+00 : f32
    %max3A_320 = vector.broadcast %max3A_319 : f32 to vector<256x1152xf32>
    %max3A_321 = arith.maximumf %add3A_318, %max3A_320 : vector<256x1152xf32>
    %dot_general3A_322 = arith.constant dense<0.000000e+00> : vector<1x1152xf32>
    %dot_general3A_323 = tpu.matmul %transpose3A_12, %max3A_321, %dot_general3A_322 {dimension_numbers = #tpu.dot_dimension_numbers<[1], [0], [0], [1], [0, 0, 1, 1], [], []>, transpose_lhs_hint = false} : vector<1x256xf32>, vector<256x1152xf32>, vector<1x1152xf32> -> vector<1x1152xf32>
    %squeeze3A_324 = vector.shape_cast %dot_general3A_323 : vector<1x1152xf32> to vector<1152xf32>
    %swap3A_325 = arith.constant 22 : index
    %swap3A_326 = arith.constant 0 : index
    %swap3A_327 = vector.load %arg5[%swap3A_325, %swap3A_326] : memref<64x1152xf32, #tpu.memory_space<vmem>>, vector<1x1152xf32>
    %swap3A_328 = vector.shape_cast %swap3A_327 : vector<1x1152xf32> to vector<1152xf32>
    %swap3A_329 = vector.shape_cast %squeeze3A_324 : vector<1152xf32> to vector<1x1152xf32>
    tpu.vector_store %arg5[%swap3A_325, %swap3A_326], %swap3A_329 {strides = array<i32>} : memref<64x1152xf32, #tpu.memory_space<vmem>>, vector<1x1152xf32>,
    %slice3A_330 = vector.extract_strided_slice %transpose3A {offsets = [0, 23], sizes = [256, 1], strides = [1, 1]} : vector<256x64xf32> to vector<256x1xf32>
    %add3A_331 = vector.broadcast %slice3A_330 : vector<256x1xf32> to vector<256x1152xf32>
    %add3A_332 = arith.addf %get3A_3, %add3A_331 : vector<256x1152xf32>
    %max3A_333 = arith.constant 0.000000e+00 : f32
    %max3A_334 = vector.broadcast %max3A_333 : f32 to vector<256x1152xf32>
    %max3A_335 = arith.maximumf %add3A_332, %max3A_334 : vector<256x1152xf32>
    %dot_general3A_336 = arith.constant dense<0.000000e+00> : vector<1x1152xf32>
    %dot_general3A_337 = tpu.matmul %transpose3A_12, %max3A_335, %dot_general3A_336 {dimension_numbers = #tpu.dot_dimension_numbers<[1], [0], [0], [1], [0, 0, 1, 1], [], []>, transpose_lhs_hint = false} : vector<1x256xf32>, vector<256x1152xf32>, vector<1x1152xf32> -> vector<1x1152xf32>
    %squeeze3A_338 = vector.shape_cast %dot_general3A_337 : vector<1x1152xf32> to vector<1152xf32>
    %swap3A_339 = arith.constant 23 : index
    %swap3A_340 = arith.constant 0 : index
    %swap3A_341 = vector.load %arg5[%swap3A_339, %swap3A_340] : memref<64x1152xf32, #tpu.memory_space<vmem>>, vector<1x1152xf32>
    %swap3A_342 = vector.shape_cast %swap3A_341 : vector<1x1152xf32> to vector<1152xf32>
    %swap3A_343 = vector.shape_cast %squeeze3A_338 : vector<1152xf32> to vector<1x1152xf32>
    tpu.vector_store %arg5[%swap3A_339, %swap3A_340], %swap3A_343 {strides = array<i32>} : memref<64x1152xf32, #tpu.memory_space<vmem>>, vector<1x1152xf32>,
    %slice3A_344 = vector.extract_strided_slice %transpose3A {offsets = [0, 24], sizes = [256, 1], strides = [1, 1]} : vector<256x64xf32> to vector<256x1xf32>
    %add3A_345 = vector.broadcast %slice3A_344 : vector<256x1xf32> to vector<256x1152xf32>
    %add3A_346 = arith.addf %get3A_3, %add3A_345 : vector<256x1152xf32>
    %max3A_347 = arith.constant 0.000000e+00 : f32
    %max3A_348 = vector.broadcast %max3A_347 : f32 to vector<256x1152xf32>
    %max3A_349 = arith.maximumf %add3A_346, %max3A_348 : vector<256x1152xf32>
    %dot_general3A_350 = arith.constant dense<0.000000e+00> : vector<1x1152xf32>
    %dot_general3A_351 = tpu.matmul %transpose3A_12, %max3A_349, %dot_general3A_350 {dimension_numbers = #tpu.dot_dimension_numbers<[1], [0], [0], [1], [0, 0, 1, 1], [], []>, transpose_lhs_hint = false} : vector<1x256xf32>, vector<256x1152xf32>, vector<1x1152xf32> -> vector<1x1152xf32>
    %squeeze3A_352 = vector.shape_cast %dot_general3A_351 : vector<1x1152xf32> to vector<1152xf32>
    %swap3A_353 = arith.constant 24 : index
    %swap3A_354 = arith.constant 0 : index
    %swap3A_355 = vector.load %arg5[%swap3A_353, %swap3A_354] : memref<64x1152xf32, #tpu.memory_space<vmem>>, vector<1x1152xf32>
    %swap3A_356 = vector.shape_cast %swap3A_355 : vector<1x1152xf32> to vector<1152xf32>
    %swap3A_357 = vector.shape_cast %squeeze3A_352 : vector<1152xf32> to vector<1x1152xf32>
    tpu.vector_store %arg5[%swap3A_353, %swap3A_354], %swap3A_357 {strides = array<i32>} : memref<64x1152xf32, #tpu.memory_space<vmem>>, vector<1x1152xf32>,
    %slice3A_358 = vector.extract_strided_slice %transpose3A {offsets = [0, 25], sizes = [256, 1], strides = [1, 1]} : vector<256x64xf32> to vector<256x1xf32>
    %add3A_359 = vector.broadcast %slice3A_358 : vector<256x1xf32> to vector<256x1152xf32>
    %add3A_360 = arith.addf %get3A_3, %add3A_359 : vector<256x1152xf32>
    %max3A_361 = arith.constant 0.000000e+00 : f32
    %max3A_362 = vector.broadcast %max3A_361 : f32 to vector<256x1152xf32>
    %max3A_363 = arith.maximumf %add3A_360, %max3A_362 : vector<256x1152xf32>
    %dot_general3A_364 = arith.constant dense<0.000000e+00> : vector<1x1152xf32>
    %dot_general3A_365 = tpu.matmul %transpose3A_12, %max3A_363, %dot_general3A_364 {dimension_numbers = #tpu.dot_dimension_numbers<[1], [0], [0], [1], [0, 0, 1, 1], [], []>, transpose_lhs_hint = false} : vector<1x256xf32>, vector<256x1152xf32>, vector<1x1152xf32> -> vector<1x1152xf32>
    %squeeze3A_366 = vector.shape_cast %dot_general3A_365 : vector<1x1152xf32> to vector<1152xf32>
    %swap3A_367 = arith.constant 25 : index
    %swap3A_368 = arith.constant 0 : index
    %swap3A_369 = vector.load %arg5[%swap3A_367, %swap3A_368] : memref<64x1152xf32, #tpu.memory_space<vmem>>, vector<1x1152xf32>
    %swap3A_370 = vector.shape_cast %swap3A_369 : vector<1x1152xf32> to vector<1152xf32>
    %swap3A_371 = vector.shape_cast %squeeze3A_366 : vector<1152xf32> to vector<1x1152xf32>
    tpu.vector_store %arg5[%swap3A_367, %swap3A_368], %swap3A_371 {strides = array<i32>} : memref<64x1152xf32, #tpu.memory_space<vmem>>, vector<1x1152xf32>,
    %slice3A_372 = vector.extract_strided_slice %transpose3A {offsets = [0, 26], sizes = [256, 1], strides = [1, 1]} : vector<256x64xf32> to vector<256x1xf32>
    %add3A_373 = vector.broadcast %slice3A_372 : vector<256x1xf32> to vector<256x1152xf32>
    %add3A_374 = arith.addf %get3A_3, %add3A_373 : vector<256x1152xf32>
    %max3A_375 = arith.constant 0.000000e+00 : f32
    %max3A_376 = vector.broadcast %max3A_375 : f32 to vector<256x1152xf32>
    %max3A_377 = arith.maximumf %add3A_374, %max3A_376 : vector<256x1152xf32>
    %dot_general3A_378 = arith.constant dense<0.000000e+00> : vector<1x1152xf32>
    %dot_general3A_379 = tpu.matmul %transpose3A_12, %max3A_377, %dot_general3A_378 {dimension_numbers = #tpu.dot_dimension_numbers<[1], [0], [0], [1], [0, 0, 1, 1], [], []>, transpose_lhs_hint = false} : vector<1x256xf32>, vector<256x1152xf32>, vector<1x1152xf32> -> vector<1x1152xf32>
    %squeeze3A_380 = vector.shape_cast %dot_general3A_379 : vector<1x1152xf32> to vector<1152xf32>
    %swap3A_381 = arith.constant 26 : index
    %swap3A_382 = arith.constant 0 : index
    %swap3A_383 = vector.load %arg5[%swap3A_381, %swap3A_382] : memref<64x1152xf32, #tpu.memory_space<vmem>>, vector<1x1152xf32>
    %swap3A_384 = vector.shape_cast %swap3A_383 : vector<1x1152xf32> to vector<1152xf32>
    %swap3A_385 = vector.shape_cast %squeeze3A_380 : vector<1152xf32> to vector<1x1152xf32>
    tpu.vector_store %arg5[%swap3A_381, %swap3A_382], %swap3A_385 {strides = array<i32>} : memref<64x1152xf32, #tpu.memory_space<vmem>>, vector<1x1152xf32>,
    %slice3A_386 = vector.extract_strided_slice %transpose3A {offsets = [0, 27], sizes = [256, 1], strides = [1, 1]} : vector<256x64xf32> to vector<256x1xf32>
    %add3A_387 = vector.broadcast %slice3A_386 : vector<256x1xf32> to vector<256x1152xf32>
    %add3A_388 = arith.addf %get3A_3, %add3A_387 : vector<256x1152xf32>
    %max3A_389 = arith.constant 0.000000e+00 : f32
    %max3A_390 = vector.broadcast %max3A_389 : f32 to vector<256x1152xf32>
    %max3A_391 = arith.maximumf %add3A_388, %max3A_390 : vector<256x1152xf32>
    %dot_general3A_392 = arith.constant dense<0.000000e+00> : vector<1x1152xf32>
    %dot_general3A_393 = tpu.matmul %transpose3A_12, %max3A_391, %dot_general3A_392 {dimension_numbers = #tpu.dot_dimension_numbers<[1], [0], [0], [1], [0, 0, 1, 1], [], []>, transpose_lhs_hint = false} : vector<1x256xf32>, vector<256x1152xf32>, vector<1x1152xf32> -> vector<1x1152xf32>
    %squeeze3A_394 = vector.shape_cast %dot_general3A_393 : vector<1x1152xf32> to vector<1152xf32>
    %swap3A_395 = arith.constant 27 : index
    %swap3A_396 = arith.constant 0 : index
    %swap3A_397 = vector.load %arg5[%swap3A_395, %swap3A_396] : memref<64x1152xf32, #tpu.memory_space<vmem>>, vector<1x1152xf32>
    %swap3A_398 = vector.shape_cast %swap3A_397 : vector<1x1152xf32> to vector<1152xf32>
    %swap3A_399 = vector.shape_cast %squeeze3A_394 : vector<1152xf32> to vector<1x1152xf32>
    tpu.vector_store %arg5[%swap3A_395, %swap3A_396], %swap3A_399 {strides = array<i32>} : memref<64x1152xf32, #tpu.memory_space<vmem>>, vector<1x1152xf32>,
    %slice3A_400 = vector.extract_strided_slice %transpose3A {offsets = [0, 28], sizes = [256, 1], strides = [1, 1]} : vector<256x64xf32> to vector<256x1xf32>
    %add3A_401 = vector.broadcast %slice3A_400 : vector<256x1xf32> to vector<256x1152xf32>
    %add3A_402 = arith.addf %get3A_3, %add3A_401 : vector<256x1152xf32>
    %max3A_403 = arith.constant 0.000000e+00 : f32
    %max3A_404 = vector.broadcast %max3A_403 : f32 to vector<256x1152xf32>
    %max3A_405 = arith.maximumf %add3A_402, %max3A_404 : vector<256x1152xf32>
    %dot_general3A_406 = arith.constant dense<0.000000e+00> : vector<1x1152xf32>
    %dot_general3A_407 = tpu.matmul %transpose3A_12, %max3A_405, %dot_general3A_406 {dimension_numbers = #tpu.dot_dimension_numbers<[1], [0], [0], [1], [0, 0, 1, 1], [], []>, transpose_lhs_hint = false} : vector<1x256xf32>, vector<256x1152xf32>, vector<1x1152xf32> -> vector<1x1152xf32>
    %squeeze3A_408 = vector.shape_cast %dot_general3A_407 : vector<1x1152xf32> to vector<1152xf32>
    %swap3A_409 = arith.constant 28 : index
    %swap3A_410 = arith.constant 0 : index
    %swap3A_411 = vector.load %arg5[%swap3A_409, %swap3A_410] : memref<64x1152xf32, #tpu.memory_space<vmem>>, vector<1x1152xf32>
    %swap3A_412 = vector.shape_cast %swap3A_411 : vector<1x1152xf32> to vector<1152xf32>
    %swap3A_413 = vector.shape_cast %squeeze3A_408 : vector<1152xf32> to vector<1x1152xf32>
    tpu.vector_store %arg5[%swap3A_409, %swap3A_410], %swap3A_413 {strides = array<i32>} : memref<64x1152xf32, #tpu.memory_space<vmem>>, vector<1x1152xf32>,
    %slice3A_414 = vector.extract_strided_slice %transpose3A {offsets = [0, 29], sizes = [256, 1], strides = [1, 1]} : vector<256x64xf32> to vector<256x1xf32>
    %add3A_415 = vector.broadcast %slice3A_414 : vector<256x1xf32> to vector<256x1152xf32>
    %add3A_416 = arith.addf %get3A_3, %add3A_415 : vector<256x1152xf32>
    %max3A_417 = arith.constant 0.000000e+00 : f32
    %max3A_418 = vector.broadcast %max3A_417 : f32 to vector<256x1152xf32>
    %max3A_419 = arith.maximumf %add3A_416, %max3A_418 : vector<256x1152xf32>
    %dot_general3A_420 = arith.constant dense<0.000000e+00> : vector<1x1152xf32>
    %dot_general3A_421 = tpu.matmul %transpose3A_12, %max3A_419, %dot_general3A_420 {dimension_numbers = #tpu.dot_dimension_numbers<[1], [0], [0], [1], [0, 0, 1, 1], [], []>, transpose_lhs_hint = false} : vector<1x256xf32>, vector<256x1152xf32>, vector<1x1152xf32> -> vector<1x1152xf32>
    %squeeze3A_422 = vector.shape_cast %dot_general3A_421 : vector<1x1152xf32> to vector<1152xf32>
    %swap3A_423 = arith.constant 29 : index
    %swap3A_424 = arith.constant 0 : index
    %swap3A_425 = vector.load %arg5[%swap3A_423, %swap3A_424] : memref<64x1152xf32, #tpu.memory_space<vmem>>, vector<1x1152xf32>
    %swap3A_426 = vector.shape_cast %swap3A_425 : vector<1x1152xf32> to vector<1152xf32>
    %swap3A_427 = vector.shape_cast %squeeze3A_422 : vector<1152xf32> to vector<1x1152xf32>
    tpu.vector_store %arg5[%swap3A_423, %swap3A_424], %swap3A_427 {strides = array<i32>} : memref<64x1152xf32, #tpu.memory_space<vmem>>, vector<1x1152xf32>,
    %slice3A_428 = vector.extract_strided_slice %transpose3A {offsets = [0, 30], sizes = [256, 1], strides = [1, 1]} : vector<256x64xf32> to vector<256x1xf32>
    %add3A_429 = vector.broadcast %slice3A_428 : vector<256x1xf32> to vector<256x1152xf32>
    %add3A_430 = arith.addf %get3A_3, %add3A_429 : vector<256x1152xf32>
    %max3A_431 = arith.constant 0.000000e+00 : f32
    %max3A_432 = vector.broadcast %max3A_431 : f32 to vector<256x1152xf32>
    %max3A_433 = arith.maximumf %add3A_430, %max3A_432 : vector<256x1152xf32>
    %dot_general3A_434 = arith.constant dense<0.000000e+00> : vector<1x1152xf32>
    %dot_general3A_435 = tpu.matmul %transpose3A_12, %max3A_433, %dot_general3A_434 {dimension_numbers = #tpu.dot_dimension_numbers<[1], [0], [0], [1], [0, 0, 1, 1], [], []>, transpose_lhs_hint = false} : vector<1x256xf32>, vector<256x1152xf32>, vector<1x1152xf32> -> vector<1x1152xf32>
    %squeeze3A_436 = vector.shape_cast %dot_general3A_435 : vector<1x1152xf32> to vector<1152xf32>
    %swap3A_437 = arith.constant 30 : index
    %swap3A_438 = arith.constant 0 : index
    %swap3A_439 = vector.load %arg5[%swap3A_437, %swap3A_438] : memref<64x1152xf32, #tpu.memory_space<vmem>>, vector<1x1152xf32>
    %swap3A_440 = vector.shape_cast %swap3A_439 : vector<1x1152xf32> to vector<1152xf32>
    %swap3A_441 = vector.shape_cast %squeeze3A_436 : vector<1152xf32> to vector<1x1152xf32>
    tpu.vector_store %arg5[%swap3A_437, %swap3A_438], %swap3A_441 {strides = array<i32>} : memref<64x1152xf32, #tpu.memory_space<vmem>>, vector<1x1152xf32>,
    %slice3A_442 = vector.extract_strided_slice %transpose3A {offsets = [0, 31], sizes = [256, 1], strides = [1, 1]} : vector<256x64xf32> to vector<256x1xf32>
    %add3A_443 = vector.broadcast %slice3A_442 : vector<256x1xf32> to vector<256x1152xf32>
    %add3A_444 = arith.addf %get3A_3, %add3A_443 : vector<256x1152xf32>
    %max3A_445 = arith.constant 0.000000e+00 : f32
    %max3A_446 = vector.broadcast %max3A_445 : f32 to vector<256x1152xf32>
    %max3A_447 = arith.maximumf %add3A_444, %max3A_446 : vector<256x1152xf32>
    %dot_general3A_448 = arith.constant dense<0.000000e+00> : vector<1x1152xf32>
    %dot_general3A_449 = tpu.matmul %transpose3A_12, %max3A_447, %dot_general3A_448 {dimension_numbers = #tpu.dot_dimension_numbers<[1], [0], [0], [1], [0, 0, 1, 1], [], []>, transpose_lhs_hint = false} : vector<1x256xf32>, vector<256x1152xf32>, vector<1x1152xf32> -> vector<1x1152xf32>
    %squeeze3A_450 = vector.shape_cast %dot_general3A_449 : vector<1x1152xf32> to vector<1152xf32>
    %swap3A_451 = arith.constant 31 : index
    %swap3A_452 = arith.constant 0 : index
    %swap3A_453 = vector.load %arg5[%swap3A_451, %swap3A_452] : memref<64x1152xf32, #tpu.memory_space<vmem>>, vector<1x1152xf32>
    %swap3A_454 = vector.shape_cast %swap3A_453 : vector<1x1152xf32> to vector<1152xf32>
    %swap3A_455 = vector.shape_cast %squeeze3A_450 : vector<1152xf32> to vector<1x1152xf32>
    tpu.vector_store %arg5[%swap3A_451, %swap3A_452], %swap3A_455 {strides = array<i32>} : memref<64x1152xf32, #tpu.memory_space<vmem>>, vector<1x1152xf32>,
    %slice3A_456 = vector.extract_strided_slice %transpose3A {offsets = [0, 32], sizes = [256, 1], strides = [1, 1]} : vector<256x64xf32> to vector<256x1xf32>
    %add3A_457 = vector.broadcast %slice3A_456 : vector<256x1xf32> to vector<256x1152xf32>
    %add3A_458 = arith.addf %get3A_3, %add3A_457 : vector<256x1152xf32>
    %max3A_459 = arith.constant 0.000000e+00 : f32
    %max3A_460 = vector.broadcast %max3A_459 : f32 to vector<256x1152xf32>
    %max3A_461 = arith.maximumf %add3A_458, %max3A_460 : vector<256x1152xf32>
    %dot_general3A_462 = arith.constant dense<0.000000e+00> : vector<1x1152xf32>
    %dot_general3A_463 = tpu.matmul %transpose3A_12, %max3A_461, %dot_general3A_462 {dimension_numbers = #tpu.dot_dimension_numbers<[1], [0], [0], [1], [0, 0, 1, 1], [], []>, transpose_lhs_hint = false} : vector<1x256xf32>, vector<256x1152xf32>, vector<1x1152xf32> -> vector<1x1152xf32>
    %squeeze3A_464 = vector.shape_cast %dot_general3A_463 : vector<1x1152xf32> to vector<1152xf32>
    %swap3A_465 = arith.constant 32 : index
    %swap3A_466 = arith.constant 0 : index
    %swap3A_467 = vector.load %arg5[%swap3A_465, %swap3A_466] : memref<64x1152xf32, #tpu.memory_space<vmem>>, vector<1x1152xf32>
    %swap3A_468 = vector.shape_cast %swap3A_467 : vector<1x1152xf32> to vector<1152xf32>
    %swap3A_469 = vector.shape_cast %squeeze3A_464 : vector<1152xf32> to vector<1x1152xf32>
    tpu.vector_store %arg5[%swap3A_465, %swap3A_466], %swap3A_469 {strides = array<i32>} : memref<64x1152xf32, #tpu.memory_space<vmem>>, vector<1x1152xf32>,
    %slice3A_470 = vector.extract_strided_slice %transpose3A {offsets = [0, 33], sizes = [256, 1], strides = [1, 1]} : vector<256x64xf32> to vector<256x1xf32>
    %add3A_471 = vector.broadcast %slice3A_470 : vector<256x1xf32> to vector<256x1152xf32>
    %add3A_472 = arith.addf %get3A_3, %add3A_471 : vector<256x1152xf32>
    %max3A_473 = arith.constant 0.000000e+00 : f32
    %max3A_474 = vector.broadcast %max3A_473 : f32 to vector<256x1152xf32>
    %max3A_475 = arith.maximumf %add3A_472, %max3A_474 : vector<256x1152xf32>
    %dot_general3A_476 = arith.constant dense<0.000000e+00> : vector<1x1152xf32>
    %dot_general3A_477 = tpu.matmul %transpose3A_12, %max3A_475, %dot_general3A_476 {dimension_numbers = #tpu.dot_dimension_numbers<[1], [0], [0], [1], [0, 0, 1, 1], [], []>, transpose_lhs_hint = false} : vector<1x256xf32>, vector<256x1152xf32>, vector<1x1152xf32> -> vector<1x1152xf32>
    %squeeze3A_478 = vector.shape_cast %dot_general3A_477 : vector<1x1152xf32> to vector<1152xf32>
    %swap3A_479 = arith.constant 33 : index
    %swap3A_480 = arith.constant 0 : index
    %swap3A_481 = vector.load %arg5[%swap3A_479, %swap3A_480] : memref<64x1152xf32, #tpu.memory_space<vmem>>, vector<1x1152xf32>
    %swap3A_482 = vector.shape_cast %swap3A_481 : vector<1x1152xf32> to vector<1152xf32>
    %swap3A_483 = vector.shape_cast %squeeze3A_478 : vector<1152xf32> to vector<1x1152xf32>
    tpu.vector_store %arg5[%swap3A_479, %swap3A_480], %swap3A_483 {strides = array<i32>} : memref<64x1152xf32, #tpu.memory_space<vmem>>, vector<1x1152xf32>,
    %slice3A_484 = vector.extract_strided_slice %transpose3A {offsets = [0, 34], sizes = [256, 1], strides = [1, 1]} : vector<256x64xf32> to vector<256x1xf32>
    %add3A_485 = vector.broadcast %slice3A_484 : vector<256x1xf32> to vector<256x1152xf32>
    %add3A_486 = arith.addf %get3A_3, %add3A_485 : vector<256x1152xf32>
    %max3A_487 = arith.constant 0.000000e+00 : f32
    %max3A_488 = vector.broadcast %max3A_487 : f32 to vector<256x1152xf32>
    %max3A_489 = arith.maximumf %add3A_486, %max3A_488 : vector<256x1152xf32>
    %dot_general3A_490 = arith.constant dense<0.000000e+00> : vector<1x1152xf32>
    %dot_general3A_491 = tpu.matmul %transpose3A_12, %max3A_489, %dot_general3A_490 {dimension_numbers = #tpu.dot_dimension_numbers<[1], [0], [0], [1], [0, 0, 1, 1], [], []>, transpose_lhs_hint = false} : vector<1x256xf32>, vector<256x1152xf32>, vector<1x1152xf32> -> vector<1x1152xf32>
    %squeeze3A_492 = vector.shape_cast %dot_general3A_491 : vector<1x1152xf32> to vector<1152xf32>
    %swap3A_493 = arith.constant 34 : index
    %swap3A_494 = arith.constant 0 : index
    %swap3A_495 = vector.load %arg5[%swap3A_493, %swap3A_494] : memref<64x1152xf32, #tpu.memory_space<vmem>>, vector<1x1152xf32>
    %swap3A_496 = vector.shape_cast %swap3A_495 : vector<1x1152xf32> to vector<1152xf32>
    %swap3A_497 = vector.shape_cast %squeeze3A_492 : vector<1152xf32> to vector<1x1152xf32>
    tpu.vector_store %arg5[%swap3A_493, %swap3A_494], %swap3A_497 {strides = array<i32>} : memref<64x1152xf32, #tpu.memory_space<vmem>>, vector<1x1152xf32>,
    %slice3A_498 = vector.extract_strided_slice %transpose3A {offsets = [0, 35], sizes = [256, 1], strides = [1, 1]} : vector<256x64xf32> to vector<256x1xf32>
    %add3A_499 = vector.broadcast %slice3A_498 : vector<256x1xf32> to vector<256x1152xf32>
    %add3A_500 = arith.addf %get3A_3, %add3A_499 : vector<256x1152xf32>
    %max3A_501 = arith.constant 0.000000e+00 : f32
    %max3A_502 = vector.broadcast %max3A_501 : f32 to vector<256x1152xf32>
    %max3A_503 = arith.maximumf %add3A_500, %max3A_502 : vector<256x1152xf32>
    %dot_general3A_504 = arith.constant dense<0.000000e+00> : vector<1x1152xf32>
    %dot_general3A_505 = tpu.matmul %transpose3A_12, %max3A_503, %dot_general3A_504 {dimension_numbers = #tpu.dot_dimension_numbers<[1], [0], [0], [1], [0, 0, 1, 1], [], []>, transpose_lhs_hint = false} : vector<1x256xf32>, vector<256x1152xf32>, vector<1x1152xf32> -> vector<1x1152xf32>
    %squeeze3A_506 = vector.shape_cast %dot_general3A_505 : vector<1x1152xf32> to vector<1152xf32>
    %swap3A_507 = arith.constant 35 : index
    %swap3A_508 = arith.constant 0 : index
    %swap3A_509 = vector.load %arg5[%swap3A_507, %swap3A_508] : memref<64x1152xf32, #tpu.memory_space<vmem>>, vector<1x1152xf32>
    %swap3A_510 = vector.shape_cast %swap3A_509 : vector<1x1152xf32> to vector<1152xf32>
    %swap3A_511 = vector.shape_cast %squeeze3A_506 : vector<1152xf32> to vector<1x1152xf32>
    tpu.vector_store %arg5[%swap3A_507, %swap3A_508], %swap3A_511 {strides = array<i32>} : memref<64x1152xf32, #tpu.memory_space<vmem>>, vector<1x1152xf32>,
    %slice3A_512 = vector.extract_strided_slice %transpose3A {offsets = [0, 36], sizes = [256, 1], strides = [1, 1]} : vector<256x64xf32> to vector<256x1xf32>
    %add3A_513 = vector.broadcast %slice3A_512 : vector<256x1xf32> to vector<256x1152xf32>
    %add3A_514 = arith.addf %get3A_3, %add3A_513 : vector<256x1152xf32>
    %max3A_515 = arith.constant 0.000000e+00 : f32
    %max3A_516 = vector.broadcast %max3A_515 : f32 to vector<256x1152xf32>
    %max3A_517 = arith.maximumf %add3A_514, %max3A_516 : vector<256x1152xf32>
    %dot_general3A_518 = arith.constant dense<0.000000e+00> : vector<1x1152xf32>
    %dot_general3A_519 = tpu.matmul %transpose3A_12, %max3A_517, %dot_general3A_518 {dimension_numbers = #tpu.dot_dimension_numbers<[1], [0], [0], [1], [0, 0, 1, 1], [], []>, transpose_lhs_hint = false} : vector<1x256xf32>, vector<256x1152xf32>, vector<1x1152xf32> -> vector<1x1152xf32>
    %squeeze3A_520 = vector.shape_cast %dot_general3A_519 : vector<1x1152xf32> to vector<1152xf32>
    %swap3A_521 = arith.constant 36 : index
    %swap3A_522 = arith.constant 0 : index
    %swap3A_523 = vector.load %arg5[%swap3A_521, %swap3A_522] : memref<64x1152xf32, #tpu.memory_space<vmem>>, vector<1x1152xf32>
    %swap3A_524 = vector.shape_cast %swap3A_523 : vector<1x1152xf32> to vector<1152xf32>
    %swap3A_525 = vector.shape_cast %squeeze3A_520 : vector<1152xf32> to vector<1x1152xf32>
    tpu.vector_store %arg5[%swap3A_521, %swap3A_522], %swap3A_525 {strides = array<i32>} : memref<64x1152xf32, #tpu.memory_space<vmem>>, vector<1x1152xf32>,
    %slice3A_526 = vector.extract_strided_slice %transpose3A {offsets = [0, 37], sizes = [256, 1], strides = [1, 1]} : vector<256x64xf32> to vector<256x1xf32>
    %add3A_527 = vector.broadcast %slice3A_526 : vector<256x1xf32> to vector<256x1152xf32>
    %add3A_528 = arith.addf %get3A_3, %add3A_527 : vector<256x1152xf32>
    %max3A_529 = arith.constant 0.000000e+00 : f32
    %max3A_530 = vector.broadcast %max3A_529 : f32 to vector<256x1152xf32>
    %max3A_531 = arith.maximumf %add3A_528, %max3A_530 : vector<256x1152xf32>
    %dot_general3A_532 = arith.constant dense<0.000000e+00> : vector<1x1152xf32>
    %dot_general3A_533 = tpu.matmul %transpose3A_12, %max3A_531, %dot_general3A_532 {dimension_numbers = #tpu.dot_dimension_numbers<[1], [0], [0], [1], [0, 0, 1, 1], [], []>, transpose_lhs_hint = false} : vector<1x256xf32>, vector<256x1152xf32>, vector<1x1152xf32> -> vector<1x1152xf32>
    %squeeze3A_534 = vector.shape_cast %dot_general3A_533 : vector<1x1152xf32> to vector<1152xf32>
    %swap3A_535 = arith.constant 37 : index
    %swap3A_536 = arith.constant 0 : index
    %swap3A_537 = vector.load %arg5[%swap3A_535, %swap3A_536] : memref<64x1152xf32, #tpu.memory_space<vmem>>, vector<1x1152xf32>
    %swap3A_538 = vector.shape_cast %swap3A_537 : vector<1x1152xf32> to vector<1152xf32>
    %swap3A_539 = vector.shape_cast %squeeze3A_534 : vector<1152xf32> to vector<1x1152xf32>
    tpu.vector_store %arg5[%swap3A_535, %swap3A_536], %swap3A_539 {strides = array<i32>} : memref<64x1152xf32, #tpu.memory_space<vmem>>, vector<1x1152xf32>,
    %slice3A_540 = vector.extract_strided_slice %transpose3A {offsets = [0, 38], sizes = [256, 1], strides = [1, 1]} : vector<256x64xf32> to vector<256x1xf32>
    %add3A_541 = vector.broadcast %slice3A_540 : vector<256x1xf32> to vector<256x1152xf32>
    %add3A_542 = arith.addf %get3A_3, %add3A_541 : vector<256x1152xf32>
    %max3A_543 = arith.constant 0.000000e+00 : f32
    %max3A_544 = vector.broadcast %max3A_543 : f32 to vector<256x1152xf32>
    %max3A_545 = arith.maximumf %add3A_542, %max3A_544 : vector<256x1152xf32>
    %dot_general3A_546 = arith.constant dense<0.000000e+00> : vector<1x1152xf32>
    %dot_general3A_547 = tpu.matmul %transpose3A_12, %max3A_545, %dot_general3A_546 {dimension_numbers = #tpu.dot_dimension_numbers<[1], [0], [0], [1], [0, 0, 1, 1], [], []>, transpose_lhs_hint = false} : vector<1x256xf32>, vector<256x1152xf32>, vector<1x1152xf32> -> vector<1x1152xf32>
    %squeeze3A_548 = vector.shape_cast %dot_general3A_547 : vector<1x1152xf32> to vector<1152xf32>
    %swap3A_549 = arith.constant 38 : index
    %swap3A_550 = arith.constant 0 : index
    %swap3A_551 = vector.load %arg5[%swap3A_549, %swap3A_550] : memref<64x1152xf32, #tpu.memory_space<vmem>>, vector<1x1152xf32>
    %swap3A_552 = vector.shape_cast %swap3A_551 : vector<1x1152xf32> to vector<1152xf32>
    %swap3A_553 = vector.shape_cast %squeeze3A_548 : vector<1152xf32> to vector<1x1152xf32>
    tpu.vector_store %arg5[%swap3A_549, %swap3A_550], %swap3A_553 {strides = array<i32>} : memref<64x1152xf32, #tpu.memory_space<vmem>>, vector<1x1152xf32>,
    %slice3A_554 = vector.extract_strided_slice %transpose3A {offsets = [0, 39], sizes = [256, 1], strides = [1, 1]} : vector<256x64xf32> to vector<256x1xf32>
    %add3A_555 = vector.broadcast %slice3A_554 : vector<256x1xf32> to vector<256x1152xf32>
    %add3A_556 = arith.addf %get3A_3, %add3A_555 : vector<256x1152xf32>
    %max3A_557 = arith.constant 0.000000e+00 : f32
    %max3A_558 = vector.broadcast %max3A_557 : f32 to vector<256x1152xf32>
    %max3A_559 = arith.maximumf %add3A_556, %max3A_558 : vector<256x1152xf32>
    %dot_general3A_560 = arith.constant dense<0.000000e+00> : vector<1x1152xf32>
    %dot_general3A_561 = tpu.matmul %transpose3A_12, %max3A_559, %dot_general3A_560 {dimension_numbers = #tpu.dot_dimension_numbers<[1], [0], [0], [1], [0, 0, 1, 1], [], []>, transpose_lhs_hint = false} : vector<1x256xf32>, vector<256x1152xf32>, vector<1x1152xf32> -> vector<1x1152xf32>
    %squeeze3A_562 = vector.shape_cast %dot_general3A_561 : vector<1x1152xf32> to vector<1152xf32>
    %swap3A_563 = arith.constant 39 : index
    %swap3A_564 = arith.constant 0 : index
    %swap3A_565 = vector.load %arg5[%swap3A_563, %swap3A_564] : memref<64x1152xf32, #tpu.memory_space<vmem>>, vector<1x1152xf32>
    %swap3A_566 = vector.shape_cast %swap3A_565 : vector<1x1152xf32> to vector<1152xf32>
    %swap3A_567 = vector.shape_cast %squeeze3A_562 : vector<1152xf32> to vector<1x1152xf32>
    tpu.vector_store %arg5[%swap3A_563, %swap3A_564], %swap3A_567 {strides = array<i32>} : memref<64x1152xf32, #tpu.memory_space<vmem>>, vector<1x1152xf32>,
    %slice3A_568 = vector.extract_strided_slice %transpose3A {offsets = [0, 40], sizes = [256, 1], strides = [1, 1]} : vector<256x64xf32> to vector<256x1xf32>
    %add3A_569 = vector.broadcast %slice3A_568 : vector<256x1xf32> to vector<256x1152xf32>
    %add3A_570 = arith.addf %get3A_3, %add3A_569 : vector<256x1152xf32>
    %max3A_571 = arith.constant 0.000000e+00 : f32
    %max3A_572 = vector.broadcast %max3A_571 : f32 to vector<256x1152xf32>
    %max3A_573 = arith.maximumf %add3A_570, %max3A_572 : vector<256x1152xf32>
    %dot_general3A_574 = arith.constant dense<0.000000e+00> : vector<1x1152xf32>
    %dot_general3A_575 = tpu.matmul %transpose3A_12, %max3A_573, %dot_general3A_574 {dimension_numbers = #tpu.dot_dimension_numbers<[1], [0], [0], [1], [0, 0, 1, 1], [], []>, transpose_lhs_hint = false} : vector<1x256xf32>, vector<256x1152xf32>, vector<1x1152xf32> -> vector<1x1152xf32>
    %squeeze3A_576 = vector.shape_cast %dot_general3A_575 : vector<1x1152xf32> to vector<1152xf32>
    %swap3A_577 = arith.constant 40 : index
    %swap3A_578 = arith.constant 0 : index
    %swap3A_579 = vector.load %arg5[%swap3A_577, %swap3A_578] : memref<64x1152xf32, #tpu.memory_space<vmem>>, vector<1x1152xf32>
    %swap3A_580 = vector.shape_cast %swap3A_579 : vector<1x1152xf32> to vector<1152xf32>
    %swap3A_581 = vector.shape_cast %squeeze3A_576 : vector<1152xf32> to vector<1x1152xf32>
    tpu.vector_store %arg5[%swap3A_577, %swap3A_578], %swap3A_581 {strides = array<i32>} : memref<64x1152xf32, #tpu.memory_space<vmem>>, vector<1x1152xf32>,
    %slice3A_582 = vector.extract_strided_slice %transpose3A {offsets = [0, 41], sizes = [256, 1], strides = [1, 1]} : vector<256x64xf32> to vector<256x1xf32>
    %add3A_583 = vector.broadcast %slice3A_582 : vector<256x1xf32> to vector<256x1152xf32>
    %add3A_584 = arith.addf %get3A_3, %add3A_583 : vector<256x1152xf32>
    %max3A_585 = arith.constant 0.000000e+00 : f32
    %max3A_586 = vector.broadcast %max3A_585 : f32 to vector<256x1152xf32>
    %max3A_587 = arith.maximumf %add3A_584, %max3A_586 : vector<256x1152xf32>
    %dot_general3A_588 = arith.constant dense<0.000000e+00> : vector<1x1152xf32>
    %dot_general3A_589 = tpu.matmul %transpose3A_12, %max3A_587, %dot_general3A_588 {dimension_numbers = #tpu.dot_dimension_numbers<[1], [0], [0], [1], [0, 0, 1, 1], [], []>, transpose_lhs_hint = false} : vector<1x256xf32>, vector<256x1152xf32>, vector<1x1152xf32> -> vector<1x1152xf32>
    %squeeze3A_590 = vector.shape_cast %dot_general3A_589 : vector<1x1152xf32> to vector<1152xf32>
    %swap3A_591 = arith.constant 41 : index
    %swap3A_592 = arith.constant 0 : index
    %swap3A_593 = vector.load %arg5[%swap3A_591, %swap3A_592] : memref<64x1152xf32, #tpu.memory_space<vmem>>, vector<1x1152xf32>
    %swap3A_594 = vector.shape_cast %swap3A_593 : vector<1x1152xf32> to vector<1152xf32>
    %swap3A_595 = vector.shape_cast %squeeze3A_590 : vector<1152xf32> to vector<1x1152xf32>
    tpu.vector_store %arg5[%swap3A_591, %swap3A_592], %swap3A_595 {strides = array<i32>} : memref<64x1152xf32, #tpu.memory_space<vmem>>, vector<1x1152xf32>,
    %slice3A_596 = vector.extract_strided_slice %transpose3A {offsets = [0, 42], sizes = [256, 1], strides = [1, 1]} : vector<256x64xf32> to vector<256x1xf32>
    %add3A_597 = vector.broadcast %slice3A_596 : vector<256x1xf32> to vector<256x1152xf32>
    %add3A_598 = arith.addf %get3A_3, %add3A_597 : vector<256x1152xf32>
    %max3A_599 = arith.constant 0.000000e+00 : f32
    %max3A_600 = vector.broadcast %max3A_599 : f32 to vector<256x1152xf32>
    %max3A_601 = arith.maximumf %add3A_598, %max3A_600 : vector<256x1152xf32>
    %dot_general3A_602 = arith.constant dense<0.000000e+00> : vector<1x1152xf32>
    %dot_general3A_603 = tpu.matmul %transpose3A_12, %max3A_601, %dot_general3A_602 {dimension_numbers = #tpu.dot_dimension_numbers<[1], [0], [0], [1], [0, 0, 1, 1], [], []>, transpose_lhs_hint = false} : vector<1x256xf32>, vector<256x1152xf32>, vector<1x1152xf32> -> vector<1x1152xf32>
    %squeeze3A_604 = vector.shape_cast %dot_general3A_603 : vector<1x1152xf32> to vector<1152xf32>
    %swap3A_605 = arith.constant 42 : index
    %swap3A_606 = arith.constant 0 : index
    %swap3A_607 = vector.load %arg5[%swap3A_605, %swap3A_606] : memref<64x1152xf32, #tpu.memory_space<vmem>>, vector<1x1152xf32>
    %swap3A_608 = vector.shape_cast %swap3A_607 : vector<1x1152xf32> to vector<1152xf32>
    %swap3A_609 = vector.shape_cast %squeeze3A_604 : vector<1152xf32> to vector<1x1152xf32>
    tpu.vector_store %arg5[%swap3A_605, %swap3A_606], %swap3A_609 {strides = array<i32>} : memref<64x1152xf32, #tpu.memory_space<vmem>>, vector<1x1152xf32>,
    %slice3A_610 = vector.extract_strided_slice %transpose3A {offsets = [0, 43], sizes = [256, 1], strides = [1, 1]} : vector<256x64xf32> to vector<256x1xf32>
    %add3A_611 = vector.broadcast %slice3A_610 : vector<256x1xf32> to vector<256x1152xf32>
    %add3A_612 = arith.addf %get3A_3, %add3A_611 : vector<256x1152xf32>
    %max3A_613 = arith.constant 0.000000e+00 : f32
    %max3A_614 = vector.broadcast %max3A_613 : f32 to vector<256x1152xf32>
    %max3A_615 = arith.maximumf %add3A_612, %max3A_614 : vector<256x1152xf32>
    %dot_general3A_616 = arith.constant dense<0.000000e+00> : vector<1x1152xf32>
    %dot_general3A_617 = tpu.matmul %transpose3A_12, %max3A_615, %dot_general3A_616 {dimension_numbers = #tpu.dot_dimension_numbers<[1], [0], [0], [1], [0, 0, 1, 1], [], []>, transpose_lhs_hint = false} : vector<1x256xf32>, vector<256x1152xf32>, vector<1x1152xf32> -> vector<1x1152xf32>
    %squeeze3A_618 = vector.shape_cast %dot_general3A_617 : vector<1x1152xf32> to vector<1152xf32>
    %swap3A_619 = arith.constant 43 : index
    %swap3A_620 = arith.constant 0 : index
    %swap3A_621 = vector.load %arg5[%swap3A_619, %swap3A_620] : memref<64x1152xf32, #tpu.memory_space<vmem>>, vector<1x1152xf32>
    %swap3A_622 = vector.shape_cast %swap3A_621 : vector<1x1152xf32> to vector<1152xf32>
    %swap3A_623 = vector.shape_cast %squeeze3A_618 : vector<1152xf32> to vector<1x1152xf32>
    tpu.vector_store %arg5[%swap3A_619, %swap3A_620], %swap3A_623 {strides = array<i32>} : memref<64x1152xf32, #tpu.memory_space<vmem>>, vector<1x1152xf32>,
    %slice3A_624 = vector.extract_strided_slice %transpose3A {offsets = [0, 44], sizes = [256, 1], strides = [1, 1]} : vector<256x64xf32> to vector<256x1xf32>
    %add3A_625 = vector.broadcast %slice3A_624 : vector<256x1xf32> to vector<256x1152xf32>
    %add3A_626 = arith.addf %get3A_3, %add3A_625 : vector<256x1152xf32>
    %max3A_627 = arith.constant 0.000000e+00 : f32
    %max3A_628 = vector.broadcast %max3A_627 : f32 to vector<256x1152xf32>
    %max3A_629 = arith.maximumf %add3A_626, %max3A_628 : vector<256x1152xf32>
    %dot_general3A_630 = arith.constant dense<0.000000e+00> : vector<1x1152xf32>
    %dot_general3A_631 = tpu.matmul %transpose3A_12, %max3A_629, %dot_general3A_630 {dimension_numbers = #tpu.dot_dimension_numbers<[1], [0], [0], [1], [0, 0, 1, 1], [], []>, transpose_lhs_hint = false} : vector<1x256xf32>, vector<256x1152xf32>, vector<1x1152xf32> -> vector<1x1152xf32>
    %squeeze3A_632 = vector.shape_cast %dot_general3A_631 : vector<1x1152xf32> to vector<1152xf32>
    %swap3A_633 = arith.constant 44 : index
    %swap3A_634 = arith.constant 0 : index
    %swap3A_635 = vector.load %arg5[%swap3A_633, %swap3A_634] : memref<64x1152xf32, #tpu.memory_space<vmem>>, vector<1x1152xf32>
    %swap3A_636 = vector.shape_cast %swap3A_635 : vector<1x1152xf32> to vector<1152xf32>
    %swap3A_637 = vector.shape_cast %squeeze3A_632 : vector<1152xf32> to vector<1x1152xf32>
    tpu.vector_store %arg5[%swap3A_633, %swap3A_634], %swap3A_637 {strides = array<i32>} : memref<64x1152xf32, #tpu.memory_space<vmem>>, vector<1x1152xf32>,
    %slice3A_638 = vector.extract_strided_slice %transpose3A {offsets = [0, 45], sizes = [256, 1], strides = [1, 1]} : vector<256x64xf32> to vector<256x1xf32>
    %add3A_639 = vector.broadcast %slice3A_638 : vector<256x1xf32> to vector<256x1152xf32>
    %add3A_640 = arith.addf %get3A_3, %add3A_639 : vector<256x1152xf32>
    %max3A_641 = arith.constant 0.000000e+00 : f32
    %max3A_642 = vector.broadcast %max3A_641 : f32 to vector<256x1152xf32>
    %max3A_643 = arith.maximumf %add3A_640, %max3A_642 : vector<256x1152xf32>
    %dot_general3A_644 = arith.constant dense<0.000000e+00> : vector<1x1152xf32>
    %dot_general3A_645 = tpu.matmul %transpose3A_12, %max3A_643, %dot_general3A_644 {dimension_numbers = #tpu.dot_dimension_numbers<[1], [0], [0], [1], [0, 0, 1, 1], [], []>, transpose_lhs_hint = false} : vector<1x256xf32>, vector<256x1152xf32>, vector<1x1152xf32> -> vector<1x1152xf32>
    %squeeze3A_646 = vector.shape_cast %dot_general3A_645 : vector<1x1152xf32> to vector<1152xf32>
    %swap3A_647 = arith.constant 45 : index
    %swap3A_648 = arith.constant 0 : index
    %swap3A_649 = vector.load %arg5[%swap3A_647, %swap3A_648] : memref<64x1152xf32, #tpu.memory_space<vmem>>, vector<1x1152xf32>
    %swap3A_650 = vector.shape_cast %swap3A_649 : vector<1x1152xf32> to vector<1152xf32>
    %swap3A_651 = vector.shape_cast %squeeze3A_646 : vector<1152xf32> to vector<1x1152xf32>
    tpu.vector_store %arg5[%swap3A_647, %swap3A_648], %swap3A_651 {strides = array<i32>} : memref<64x1152xf32, #tpu.memory_space<vmem>>, vector<1x1152xf32>,
    %slice3A_652 = vector.extract_strided_slice %transpose3A {offsets = [0, 46], sizes = [256, 1], strides = [1, 1]} : vector<256x64xf32> to vector<256x1xf32>
    %add3A_653 = vector.broadcast %slice3A_652 : vector<256x1xf32> to vector<256x1152xf32>
    %add3A_654 = arith.addf %get3A_3, %add3A_653 : vector<256x1152xf32>
    %max3A_655 = arith.constant 0.000000e+00 : f32
    %max3A_656 = vector.broadcast %max3A_655 : f32 to vector<256x1152xf32>
    %max3A_657 = arith.maximumf %add3A_654, %max3A_656 : vector<256x1152xf32>
    %dot_general3A_658 = arith.constant dense<0.000000e+00> : vector<1x1152xf32>
    %dot_general3A_659 = tpu.matmul %transpose3A_12, %max3A_657, %dot_general3A_658 {dimension_numbers = #tpu.dot_dimension_numbers<[1], [0], [0], [1], [0, 0, 1, 1], [], []>, transpose_lhs_hint = false} : vector<1x256xf32>, vector<256x1152xf32>, vector<1x1152xf32> -> vector<1x1152xf32>
    %squeeze3A_660 = vector.shape_cast %dot_general3A_659 : vector<1x1152xf32> to vector<1152xf32>
    %swap3A_661 = arith.constant 46 : index
    %swap3A_662 = arith.constant 0 : index
    %swap3A_663 = vector.load %arg5[%swap3A_661, %swap3A_662] : memref<64x1152xf32, #tpu.memory_space<vmem>>, vector<1x1152xf32>
    %swap3A_664 = vector.shape_cast %swap3A_663 : vector<1x1152xf32> to vector<1152xf32>
    %swap3A_665 = vector.shape_cast %squeeze3A_660 : vector<1152xf32> to vector<1x1152xf32>
    tpu.vector_store %arg5[%swap3A_661, %swap3A_662], %swap3A_665 {strides = array<i32>} : memref<64x1152xf32, #tpu.memory_space<vmem>>, vector<1x1152xf32>,
    %slice3A_666 = vector.extract_strided_slice %transpose3A {offsets = [0, 47], sizes = [256, 1], strides = [1, 1]} : vector<256x64xf32> to vector<256x1xf32>
    %add3A_667 = vector.broadcast %slice3A_666 : vector<256x1xf32> to vector<256x1152xf32>
    %add3A_668 = arith.addf %get3A_3, %add3A_667 : vector<256x1152xf32>
    %max3A_669 = arith.constant 0.000000e+00 : f32
    %max3A_670 = vector.broadcast %max3A_669 : f32 to vector<256x1152xf32>
    %max3A_671 = arith.maximumf %add3A_668, %max3A_670 : vector<256x1152xf32>
    %dot_general3A_672 = arith.constant dense<0.000000e+00> : vector<1x1152xf32>
    %dot_general3A_673 = tpu.matmul %transpose3A_12, %max3A_671, %dot_general3A_672 {dimension_numbers = #tpu.dot_dimension_numbers<[1], [0], [0], [1], [0, 0, 1, 1], [], []>, transpose_lhs_hint = false} : vector<1x256xf32>, vector<256x1152xf32>, vector<1x1152xf32> -> vector<1x1152xf32>
    %squeeze3A_674 = vector.shape_cast %dot_general3A_673 : vector<1x1152xf32> to vector<1152xf32>
    %swap3A_675 = arith.constant 47 : index
    %swap3A_676 = arith.constant 0 : index
    %swap3A_677 = vector.load %arg5[%swap3A_675, %swap3A_676] : memref<64x1152xf32, #tpu.memory_space<vmem>>, vector<1x1152xf32>
    %swap3A_678 = vector.shape_cast %swap3A_677 : vector<1x1152xf32> to vector<1152xf32>
    %swap3A_679 = vector.shape_cast %squeeze3A_674 : vector<1152xf32> to vector<1x1152xf32>
    tpu.vector_store %arg5[%swap3A_675, %swap3A_676], %swap3A_679 {strides = array<i32>} : memref<64x1152xf32, #tpu.memory_space<vmem>>, vector<1x1152xf32>,
    %slice3A_680 = vector.extract_strided_slice %transpose3A {offsets = [0, 48], sizes = [256, 1], strides = [1, 1]} : vector<256x64xf32> to vector<256x1xf32>
    %add3A_681 = vector.broadcast %slice3A_680 : vector<256x1xf32> to vector<256x1152xf32>
    %add3A_682 = arith.addf %get3A_3, %add3A_681 : vector<256x1152xf32>
    %max3A_683 = arith.constant 0.000000e+00 : f32
    %max3A_684 = vector.broadcast %max3A_683 : f32 to vector<256x1152xf32>
    %max3A_685 = arith.maximumf %add3A_682, %max3A_684 : vector<256x1152xf32>
    %dot_general3A_686 = arith.constant dense<0.000000e+00> : vector<1x1152xf32>
    %dot_general3A_687 = tpu.matmul %transpose3A_12, %max3A_685, %dot_general3A_686 {dimension_numbers = #tpu.dot_dimension_numbers<[1], [0], [0], [1], [0, 0, 1, 1], [], []>, transpose_lhs_hint = false} : vector<1x256xf32>, vector<256x1152xf32>, vector<1x1152xf32> -> vector<1x1152xf32>
    %squeeze3A_688 = vector.shape_cast %dot_general3A_687 : vector<1x1152xf32> to vector<1152xf32>
    %swap3A_689 = arith.constant 48 : index
    %swap3A_690 = arith.constant 0 : index
    %swap3A_691 = vector.load %arg5[%swap3A_689, %swap3A_690] : memref<64x1152xf32, #tpu.memory_space<vmem>>, vector<1x1152xf32>
    %swap3A_692 = vector.shape_cast %swap3A_691 : vector<1x1152xf32> to vector<1152xf32>
    %swap3A_693 = vector.shape_cast %squeeze3A_688 : vector<1152xf32> to vector<1x1152xf32>
    tpu.vector_store %arg5[%swap3A_689, %swap3A_690], %swap3A_693 {strides = array<i32>} : memref<64x1152xf32, #tpu.memory_space<vmem>>, vector<1x1152xf32>,
    %slice3A_694 = vector.extract_strided_slice %transpose3A {offsets = [0, 49], sizes = [256, 1], strides = [1, 1]} : vector<256x64xf32> to vector<256x1xf32>
    %add3A_695 = vector.broadcast %slice3A_694 : vector<256x1xf32> to vector<256x1152xf32>
    %add3A_696 = arith.addf %get3A_3, %add3A_695 : vector<256x1152xf32>
    %max3A_697 = arith.constant 0.000000e+00 : f32
    %max3A_698 = vector.broadcast %max3A_697 : f32 to vector<256x1152xf32>
    %max3A_699 = arith.maximumf %add3A_696, %max3A_698 : vector<256x1152xf32>
    %dot_general3A_700 = arith.constant dense<0.000000e+00> : vector<1x1152xf32>
    %dot_general3A_701 = tpu.matmul %transpose3A_12, %max3A_699, %dot_general3A_700 {dimension_numbers = #tpu.dot_dimension_numbers<[1], [0], [0], [1], [0, 0, 1, 1], [], []>, transpose_lhs_hint = false} : vector<1x256xf32>, vector<256x1152xf32>, vector<1x1152xf32> -> vector<1x1152xf32>
    %squeeze3A_702 = vector.shape_cast %dot_general3A_701 : vector<1x1152xf32> to vector<1152xf32>
    %swap3A_703 = arith.constant 49 : index
    %swap3A_704 = arith.constant 0 : index
    %swap3A_705 = vector.load %arg5[%swap3A_703, %swap3A_704] : memref<64x1152xf32, #tpu.memory_space<vmem>>, vector<1x1152xf32>
    %swap3A_706 = vector.shape_cast %swap3A_705 : vector<1x1152xf32> to vector<1152xf32>
    %swap3A_707 = vector.shape_cast %squeeze3A_702 : vector<1152xf32> to vector<1x1152xf32>
    tpu.vector_store %arg5[%swap3A_703, %swap3A_704], %swap3A_707 {strides = array<i32>} : memref<64x1152xf32, #tpu.memory_space<vmem>>, vector<1x1152xf32>,
    %slice3A_708 = vector.extract_strided_slice %transpose3A {offsets = [0, 50], sizes = [256, 1], strides = [1, 1]} : vector<256x64xf32> to vector<256x1xf32>
    %add3A_709 = vector.broadcast %slice3A_708 : vector<256x1xf32> to vector<256x1152xf32>
    %add3A_710 = arith.addf %get3A_3, %add3A_709 : vector<256x1152xf32>
    %max3A_711 = arith.constant 0.000000e+00 : f32
    %max3A_712 = vector.broadcast %max3A_711 : f32 to vector<256x1152xf32>
    %max3A_713 = arith.maximumf %add3A_710, %max3A_712 : vector<256x1152xf32>
    %dot_general3A_714 = arith.constant dense<0.000000e+00> : vector<1x1152xf32>
    %dot_general3A_715 = tpu.matmul %transpose3A_12, %max3A_713, %dot_general3A_714 {dimension_numbers = #tpu.dot_dimension_numbers<[1], [0], [0], [1], [0, 0, 1, 1], [], []>, transpose_lhs_hint = false} : vector<1x256xf32>, vector<256x1152xf32>, vector<1x1152xf32> -> vector<1x1152xf32>
    %squeeze3A_716 = vector.shape_cast %dot_general3A_715 : vector<1x1152xf32> to vector<1152xf32>
    %swap3A_717 = arith.constant 50 : index
    %swap3A_718 = arith.constant 0 : index
    %swap3A_719 = vector.load %arg5[%swap3A_717, %swap3A_718] : memref<64x1152xf32, #tpu.memory_space<vmem>>, vector<1x1152xf32>
    %swap3A_720 = vector.shape_cast %swap3A_719 : vector<1x1152xf32> to vector<1152xf32>
    %swap3A_721 = vector.shape_cast %squeeze3A_716 : vector<1152xf32> to vector<1x1152xf32>
    tpu.vector_store %arg5[%swap3A_717, %swap3A_718], %swap3A_721 {strides = array<i32>} : memref<64x1152xf32, #tpu.memory_space<vmem>>, vector<1x1152xf32>,
    %slice3A_722 = vector.extract_strided_slice %transpose3A {offsets = [0, 51], sizes = [256, 1], strides = [1, 1]} : vector<256x64xf32> to vector<256x1xf32>
    %add3A_723 = vector.broadcast %slice3A_722 : vector<256x1xf32> to vector<256x1152xf32>
    %add3A_724 = arith.addf %get3A_3, %add3A_723 : vector<256x1152xf32>
    %max3A_725 = arith.constant 0.000000e+00 : f32
    %max3A_726 = vector.broadcast %max3A_725 : f32 to vector<256x1152xf32>
    %max3A_727 = arith.maximumf %add3A_724, %max3A_726 : vector<256x1152xf32>
    %dot_general3A_728 = arith.constant dense<0.000000e+00> : vector<1x1152xf32>
    %dot_general3A_729 = tpu.matmul %transpose3A_12, %max3A_727, %dot_general3A_728 {dimension_numbers = #tpu.dot_dimension_numbers<[1], [0], [0], [1], [0, 0, 1, 1], [], []>, transpose_lhs_hint = false} : vector<1x256xf32>, vector<256x1152xf32>, vector<1x1152xf32> -> vector<1x1152xf32>
    %squeeze3A_730 = vector.shape_cast %dot_general3A_729 : vector<1x1152xf32> to vector<1152xf32>
    %swap3A_731 = arith.constant 51 : index
    %swap3A_732 = arith.constant 0 : index
    %swap3A_733 = vector.load %arg5[%swap3A_731, %swap3A_732] : memref<64x1152xf32, #tpu.memory_space<vmem>>, vector<1x1152xf32>
    %swap3A_734 = vector.shape_cast %swap3A_733 : vector<1x1152xf32> to vector<1152xf32>
    %swap3A_735 = vector.shape_cast %squeeze3A_730 : vector<1152xf32> to vector<1x1152xf32>
    tpu.vector_store %arg5[%swap3A_731, %swap3A_732], %swap3A_735 {strides = array<i32>} : memref<64x1152xf32, #tpu.memory_space<vmem>>, vector<1x1152xf32>,
    %slice3A_736 = vector.extract_strided_slice %transpose3A {offsets = [0, 52], sizes = [256, 1], strides = [1, 1]} : vector<256x64xf32> to vector<256x1xf32>
    %add3A_737 = vector.broadcast %slice3A_736 : vector<256x1xf32> to vector<256x1152xf32>
    %add3A_738 = arith.addf %get3A_3, %add3A_737 : vector<256x1152xf32>
    %max3A_739 = arith.constant 0.000000e+00 : f32
    %max3A_740 = vector.broadcast %max3A_739 : f32 to vector<256x1152xf32>
    %max3A_741 = arith.maximumf %add3A_738, %max3A_740 : vector<256x1152xf32>
    %dot_general3A_742 = arith.constant dense<0.000000e+00> : vector<1x1152xf32>
    %dot_general3A_743 = tpu.matmul %transpose3A_12, %max3A_741, %dot_general3A_742 {dimension_numbers = #tpu.dot_dimension_numbers<[1], [0], [0], [1], [0, 0, 1, 1], [], []>, transpose_lhs_hint = false} : vector<1x256xf32>, vector<256x1152xf32>, vector<1x1152xf32> -> vector<1x1152xf32>
    %squeeze3A_744 = vector.shape_cast %dot_general3A_743 : vector<1x1152xf32> to vector<1152xf32>
    %swap3A_745 = arith.constant 52 : index
    %swap3A_746 = arith.constant 0 : index
    %swap3A_747 = vector.load %arg5[%swap3A_745, %swap3A_746] : memref<64x1152xf32, #tpu.memory_space<vmem>>, vector<1x1152xf32>
    %swap3A_748 = vector.shape_cast %swap3A_747 : vector<1x1152xf32> to vector<1152xf32>
    %swap3A_749 = vector.shape_cast %squeeze3A_744 : vector<1152xf32> to vector<1x1152xf32>
    tpu.vector_store %arg5[%swap3A_745, %swap3A_746], %swap3A_749 {strides = array<i32>} : memref<64x1152xf32, #tpu.memory_space<vmem>>, vector<1x1152xf32>,
    %slice3A_750 = vector.extract_strided_slice %transpose3A {offsets = [0, 53], sizes = [256, 1], strides = [1, 1]} : vector<256x64xf32> to vector<256x1xf32>
    %add3A_751 = vector.broadcast %slice3A_750 : vector<256x1xf32> to vector<256x1152xf32>
    %add3A_752 = arith.addf %get3A_3, %add3A_751 : vector<256x1152xf32>
    %max3A_753 = arith.constant 0.000000e+00 : f32
    %max3A_754 = vector.broadcast %max3A_753 : f32 to vector<256x1152xf32>
    %max3A_755 = arith.maximumf %add3A_752, %max3A_754 : vector<256x1152xf32>
    %dot_general3A_756 = arith.constant dense<0.000000e+00> : vector<1x1152xf32>
    %dot_general3A_757 = tpu.matmul %transpose3A_12, %max3A_755, %dot_general3A_756 {dimension_numbers = #tpu.dot_dimension_numbers<[1], [0], [0], [1], [0, 0, 1, 1], [], []>, transpose_lhs_hint = false} : vector<1x256xf32>, vector<256x1152xf32>, vector<1x1152xf32> -> vector<1x1152xf32>
    %squeeze3A_758 = vector.shape_cast %dot_general3A_757 : vector<1x1152xf32> to vector<1152xf32>
    %swap3A_759 = arith.constant 53 : index
    %swap3A_760 = arith.constant 0 : index
    %swap3A_761 = vector.load %arg5[%swap3A_759, %swap3A_760] : memref<64x1152xf32, #tpu.memory_space<vmem>>, vector<1x1152xf32>
    %swap3A_762 = vector.shape_cast %swap3A_761 : vector<1x1152xf32> to vector<1152xf32>
    %swap3A_763 = vector.shape_cast %squeeze3A_758 : vector<1152xf32> to vector<1x1152xf32>
    tpu.vector_store %arg5[%swap3A_759, %swap3A_760], %swap3A_763 {strides = array<i32>} : memref<64x1152xf32, #tpu.memory_space<vmem>>, vector<1x1152xf32>,
    %slice3A_764 = vector.extract_strided_slice %transpose3A {offsets = [0, 54], sizes = [256, 1], strides = [1, 1]} : vector<256x64xf32> to vector<256x1xf32>
    %add3A_765 = vector.broadcast %slice3A_764 : vector<256x1xf32> to vector<256x1152xf32>
    %add3A_766 = arith.addf %get3A_3, %add3A_765 : vector<256x1152xf32>
    %max3A_767 = arith.constant 0.000000e+00 : f32
    %max3A_768 = vector.broadcast %max3A_767 : f32 to vector<256x1152xf32>
    %max3A_769 = arith.maximumf %add3A_766, %max3A_768 : vector<256x1152xf32>
    %dot_general3A_770 = arith.constant dense<0.000000e+00> : vector<1x1152xf32>
    %dot_general3A_771 = tpu.matmul %transpose3A_12, %max3A_769, %dot_general3A_770 {dimension_numbers = #tpu.dot_dimension_numbers<[1], [0], [0], [1], [0, 0, 1, 1], [], []>, transpose_lhs_hint = false} : vector<1x256xf32>, vector<256x1152xf32>, vector<1x1152xf32> -> vector<1x1152xf32>
    %squeeze3A_772 = vector.shape_cast %dot_general3A_771 : vector<1x1152xf32> to vector<1152xf32>
    %swap3A_773 = arith.constant 54 : index
    %swap3A_774 = arith.constant 0 : index
    %swap3A_775 = vector.load %arg5[%swap3A_773, %swap3A_774] : memref<64x1152xf32, #tpu.memory_space<vmem>>, vector<1x1152xf32>
    %swap3A_776 = vector.shape_cast %swap3A_775 : vector<1x1152xf32> to vector<1152xf32>
    %swap3A_777 = vector.shape_cast %squeeze3A_772 : vector<1152xf32> to vector<1x1152xf32>
    tpu.vector_store %arg5[%swap3A_773, %swap3A_774], %swap3A_777 {strides = array<i32>} : memref<64x1152xf32, #tpu.memory_space<vmem>>, vector<1x1152xf32>,
    %slice3A_778 = vector.extract_strided_slice %transpose3A {offsets = [0, 55], sizes = [256, 1], strides = [1, 1]} : vector<256x64xf32> to vector<256x1xf32>
    %add3A_779 = vector.broadcast %slice3A_778 : vector<256x1xf32> to vector<256x1152xf32>
    %add3A_780 = arith.addf %get3A_3, %add3A_779 : vector<256x1152xf32>
    %max3A_781 = arith.constant 0.000000e+00 : f32
    %max3A_782 = vector.broadcast %max3A_781 : f32 to vector<256x1152xf32>
    %max3A_783 = arith.maximumf %add3A_780, %max3A_782 : vector<256x1152xf32>
    %dot_general3A_784 = arith.constant dense<0.000000e+00> : vector<1x1152xf32>
    %dot_general3A_785 = tpu.matmul %transpose3A_12, %max3A_783, %dot_general3A_784 {dimension_numbers = #tpu.dot_dimension_numbers<[1], [0], [0], [1], [0, 0, 1, 1], [], []>, transpose_lhs_hint = false} : vector<1x256xf32>, vector<256x1152xf32>, vector<1x1152xf32> -> vector<1x1152xf32>
    %squeeze3A_786 = vector.shape_cast %dot_general3A_785 : vector<1x1152xf32> to vector<1152xf32>
    %swap3A_787 = arith.constant 55 : index
    %swap3A_788 = arith.constant 0 : index
    %swap3A_789 = vector.load %arg5[%swap3A_787, %swap3A_788] : memref<64x1152xf32, #tpu.memory_space<vmem>>, vector<1x1152xf32>
    %swap3A_790 = vector.shape_cast %swap3A_789 : vector<1x1152xf32> to vector<1152xf32>
    %swap3A_791 = vector.shape_cast %squeeze3A_786 : vector<1152xf32> to vector<1x1152xf32>
    tpu.vector_store %arg5[%swap3A_787, %swap3A_788], %swap3A_791 {strides = array<i32>} : memref<64x1152xf32, #tpu.memory_space<vmem>>, vector<1x1152xf32>,
    %slice3A_792 = vector.extract_strided_slice %transpose3A {offsets = [0, 56], sizes = [256, 1], strides = [1, 1]} : vector<256x64xf32> to vector<256x1xf32>
    %add3A_793 = vector.broadcast %slice3A_792 : vector<256x1xf32> to vector<256x1152xf32>
    %add3A_794 = arith.addf %get3A_3, %add3A_793 : vector<256x1152xf32>
    %max3A_795 = arith.constant 0.000000e+00 : f32
    %max3A_796 = vector.broadcast %max3A_795 : f32 to vector<256x1152xf32>
    %max3A_797 = arith.maximumf %add3A_794, %max3A_796 : vector<256x1152xf32>
    %dot_general3A_798 = arith.constant dense<0.000000e+00> : vector<1x1152xf32>
    %dot_general3A_799 = tpu.matmul %transpose3A_12, %max3A_797, %dot_general3A_798 {dimension_numbers = #tpu.dot_dimension_numbers<[1], [0], [0], [1], [0, 0, 1, 1], [], []>, transpose_lhs_hint = false} : vector<1x256xf32>, vector<256x1152xf32>, vector<1x1152xf32> -> vector<1x1152xf32>
    %squeeze3A_800 = vector.shape_cast %dot_general3A_799 : vector<1x1152xf32> to vector<1152xf32>
    %swap3A_801 = arith.constant 56 : index
    %swap3A_802 = arith.constant 0 : index
    %swap3A_803 = vector.load %arg5[%swap3A_801, %swap3A_802] : memref<64x1152xf32, #tpu.memory_space<vmem>>, vector<1x1152xf32>
    %swap3A_804 = vector.shape_cast %swap3A_803 : vector<1x1152xf32> to vector<1152xf32>
    %swap3A_805 = vector.shape_cast %squeeze3A_800 : vector<1152xf32> to vector<1x1152xf32>
    tpu.vector_store %arg5[%swap3A_801, %swap3A_802], %swap3A_805 {strides = array<i32>} : memref<64x1152xf32, #tpu.memory_space<vmem>>, vector<1x1152xf32>,
    %slice3A_806 = vector.extract_strided_slice %transpose3A {offsets = [0, 57], sizes = [256, 1], strides = [1, 1]} : vector<256x64xf32> to vector<256x1xf32>
    %add3A_807 = vector.broadcast %slice3A_806 : vector<256x1xf32> to vector<256x1152xf32>
    %add3A_808 = arith.addf %get3A_3, %add3A_807 : vector<256x1152xf32>
    %max3A_809 = arith.constant 0.000000e+00 : f32
    %max3A_810 = vector.broadcast %max3A_809 : f32 to vector<256x1152xf32>
    %max3A_811 = arith.maximumf %add3A_808, %max3A_810 : vector<256x1152xf32>
    %dot_general3A_812 = arith.constant dense<0.000000e+00> : vector<1x1152xf32>
    %dot_general3A_813 = tpu.matmul %transpose3A_12, %max3A_811, %dot_general3A_812 {dimension_numbers = #tpu.dot_dimension_numbers<[1], [0], [0], [1], [0, 0, 1, 1], [], []>, transpose_lhs_hint = false} : vector<1x256xf32>, vector<256x1152xf32>, vector<1x1152xf32> -> vector<1x1152xf32>
    %squeeze3A_814 = vector.shape_cast %dot_general3A_813 : vector<1x1152xf32> to vector<1152xf32>
    %swap3A_815 = arith.constant 57 : index
    %swap3A_816 = arith.constant 0 : index
    %swap3A_817 = vector.load %arg5[%swap3A_815, %swap3A_816] : memref<64x1152xf32, #tpu.memory_space<vmem>>, vector<1x1152xf32>
    %swap3A_818 = vector.shape_cast %swap3A_817 : vector<1x1152xf32> to vector<1152xf32>
    %swap3A_819 = vector.shape_cast %squeeze3A_814 : vector<1152xf32> to vector<1x1152xf32>
    tpu.vector_store %arg5[%swap3A_815, %swap3A_816], %swap3A_819 {strides = array<i32>} : memref<64x1152xf32, #tpu.memory_space<vmem>>, vector<1x1152xf32>,
    %slice3A_820 = vector.extract_strided_slice %transpose3A {offsets = [0, 58], sizes = [256, 1], strides = [1, 1]} : vector<256x64xf32> to vector<256x1xf32>
    %add3A_821 = vector.broadcast %slice3A_820 : vector<256x1xf32> to vector<256x1152xf32>
    %add3A_822 = arith.addf %get3A_3, %add3A_821 : vector<256x1152xf32>
    %max3A_823 = arith.constant 0.000000e+00 : f32
    %max3A_824 = vector.broadcast %max3A_823 : f32 to vector<256x1152xf32>
    %max3A_825 = arith.maximumf %add3A_822, %max3A_824 : vector<256x1152xf32>
    %dot_general3A_826 = arith.constant dense<0.000000e+00> : vector<1x1152xf32>
    %dot_general3A_827 = tpu.matmul %transpose3A_12, %max3A_825, %dot_general3A_826 {dimension_numbers = #tpu.dot_dimension_numbers<[1], [0], [0], [1], [0, 0, 1, 1], [], []>, transpose_lhs_hint = false} : vector<1x256xf32>, vector<256x1152xf32>, vector<1x1152xf32> -> vector<1x1152xf32>
    %squeeze3A_828 = vector.shape_cast %dot_general3A_827 : vector<1x1152xf32> to vector<1152xf32>
    %swap3A_829 = arith.constant 58 : index
    %swap3A_830 = arith.constant 0 : index
    %swap3A_831 = vector.load %arg5[%swap3A_829, %swap3A_830] : memref<64x1152xf32, #tpu.memory_space<vmem>>, vector<1x1152xf32>
    %swap3A_832 = vector.shape_cast %swap3A_831 : vector<1x1152xf32> to vector<1152xf32>
    %swap3A_833 = vector.shape_cast %squeeze3A_828 : vector<1152xf32> to vector<1x1152xf32>
    tpu.vector_store %arg5[%swap3A_829, %swap3A_830], %swap3A_833 {strides = array<i32>} : memref<64x1152xf32, #tpu.memory_space<vmem>>, vector<1x1152xf32>,
    %slice3A_834 = vector.extract_strided_slice %transpose3A {offsets = [0, 59], sizes = [256, 1], strides = [1, 1]} : vector<256x64xf32> to vector<256x1xf32>
    %add3A_835 = vector.broadcast %slice3A_834 : vector<256x1xf32> to vector<256x1152xf32>
    %add3A_836 = arith.addf %get3A_3, %add3A_835 : vector<256x1152xf32>
    %max3A_837 = arith.constant 0.000000e+00 : f32
    %max3A_838 = vector.broadcast %max3A_837 : f32 to vector<256x1152xf32>
    %max3A_839 = arith.maximumf %add3A_836, %max3A_838 : vector<256x1152xf32>
    %dot_general3A_840 = arith.constant dense<0.000000e+00> : vector<1x1152xf32>
    %dot_general3A_841 = tpu.matmul %transpose3A_12, %max3A_839, %dot_general3A_840 {dimension_numbers = #tpu.dot_dimension_numbers<[1], [0], [0], [1], [0, 0, 1, 1], [], []>, transpose_lhs_hint = false} : vector<1x256xf32>, vector<256x1152xf32>, vector<1x1152xf32> -> vector<1x1152xf32>
    %squeeze3A_842 = vector.shape_cast %dot_general3A_841 : vector<1x1152xf32> to vector<1152xf32>
    %swap3A_843 = arith.constant 59 : index
    %swap3A_844 = arith.constant 0 : index
    %swap3A_845 = vector.load %arg5[%swap3A_843, %swap3A_844] : memref<64x1152xf32, #tpu.memory_space<vmem>>, vector<1x1152xf32>
    %swap3A_846 = vector.shape_cast %swap3A_845 : vector<1x1152xf32> to vector<1152xf32>
    %swap3A_847 = vector.shape_cast %squeeze3A_842 : vector<1152xf32> to vector<1x1152xf32>
    tpu.vector_store %arg5[%swap3A_843, %swap3A_844], %swap3A_847 {strides = array<i32>} : memref<64x1152xf32, #tpu.memory_space<vmem>>, vector<1x1152xf32>,
    %slice3A_848 = vector.extract_strided_slice %transpose3A {offsets = [0, 60], sizes = [256, 1], strides = [1, 1]} : vector<256x64xf32> to vector<256x1xf32>
    %add3A_849 = vector.broadcast %slice3A_848 : vector<256x1xf32> to vector<256x1152xf32>
    %add3A_850 = arith.addf %get3A_3, %add3A_849 : vector<256x1152xf32>
    %max3A_851 = arith.constant 0.000000e+00 : f32
    %max3A_852 = vector.broadcast %max3A_851 : f32 to vector<256x1152xf32>
    %max3A_853 = arith.maximumf %add3A_850, %max3A_852 : vector<256x1152xf32>
    %dot_general3A_854 = arith.constant dense<0.000000e+00> : vector<1x1152xf32>
    %dot_general3A_855 = tpu.matmul %transpose3A_12, %max3A_853, %dot_general3A_854 {dimension_numbers = #tpu.dot_dimension_numbers<[1], [0], [0], [1], [0, 0, 1, 1], [], []>, transpose_lhs_hint = false} : vector<1x256xf32>, vector<256x1152xf32>, vector<1x1152xf32> -> vector<1x1152xf32>
    %squeeze3A_856 = vector.shape_cast %dot_general3A_855 : vector<1x1152xf32> to vector<1152xf32>
    %swap3A_857 = arith.constant 60 : index
    %swap3A_858 = arith.constant 0 : index
    %swap3A_859 = vector.load %arg5[%swap3A_857, %swap3A_858] : memref<64x1152xf32, #tpu.memory_space<vmem>>, vector<1x1152xf32>
    %swap3A_860 = vector.shape_cast %swap3A_859 : vector<1x1152xf32> to vector<1152xf32>
    %swap3A_861 = vector.shape_cast %squeeze3A_856 : vector<1152xf32> to vector<1x1152xf32>
    tpu.vector_store %arg5[%swap3A_857, %swap3A_858], %swap3A_861 {strides = array<i32>} : memref<64x1152xf32, #tpu.memory_space<vmem>>, vector<1x1152xf32>,
    %slice3A_862 = vector.extract_strided_slice %transpose3A {offsets = [0, 61], sizes = [256, 1], strides = [1, 1]} : vector<256x64xf32> to vector<256x1xf32>
    %add3A_863 = vector.broadcast %slice3A_862 : vector<256x1xf32> to vector<256x1152xf32>
    %add3A_864 = arith.addf %get3A_3, %add3A_863 : vector<256x1152xf32>
    %max3A_865 = arith.constant 0.000000e+00 : f32
    %max3A_866 = vector.broadcast %max3A_865 : f32 to vector<256x1152xf32>
    %max3A_867 = arith.maximumf %add3A_864, %max3A_866 : vector<256x1152xf32>
    %dot_general3A_868 = arith.constant dense<0.000000e+00> : vector<1x1152xf32>
    %dot_general3A_869 = tpu.matmul %transpose3A_12, %max3A_867, %dot_general3A_868 {dimension_numbers = #tpu.dot_dimension_numbers<[1], [0], [0], [1], [0, 0, 1, 1], [], []>, transpose_lhs_hint = false} : vector<1x256xf32>, vector<256x1152xf32>, vector<1x1152xf32> -> vector<1x1152xf32>
    %squeeze3A_870 = vector.shape_cast %dot_general3A_869 : vector<1x1152xf32> to vector<1152xf32>
    %swap3A_871 = arith.constant 61 : index
    %swap3A_872 = arith.constant 0 : index
    %swap3A_873 = vector.load %arg5[%swap3A_871, %swap3A_872] : memref<64x1152xf32, #tpu.memory_space<vmem>>, vector<1x1152xf32>
    %swap3A_874 = vector.shape_cast %swap3A_873 : vector<1x1152xf32> to vector<1152xf32>
    %swap3A_875 = vector.shape_cast %squeeze3A_870 : vector<1152xf32> to vector<1x1152xf32>
    tpu.vector_store %arg5[%swap3A_871, %swap3A_872], %swap3A_875 {strides = array<i32>} : memref<64x1152xf32, #tpu.memory_space<vmem>>, vector<1x1152xf32>,
    %slice3A_876 = vector.extract_strided_slice %transpose3A {offsets = [0, 62], sizes = [256, 1], strides = [1, 1]} : vector<256x64xf32> to vector<256x1xf32>
    %add3A_877 = vector.broadcast %slice3A_876 : vector<256x1xf32> to vector<256x1152xf32>
    %add3A_878 = arith.addf %get3A_3, %add3A_877 : vector<256x1152xf32>
    %max3A_879 = arith.constant 0.000000e+00 : f32
    %max3A_880 = vector.broadcast %max3A_879 : f32 to vector<256x1152xf32>
    %max3A_881 = arith.maximumf %add3A_878, %max3A_880 : vector<256x1152xf32>
    %dot_general3A_882 = arith.constant dense<0.000000e+00> : vector<1x1152xf32>
    %dot_general3A_883 = tpu.matmul %transpose3A_12, %max3A_881, %dot_general3A_882 {dimension_numbers = #tpu.dot_dimension_numbers<[1], [0], [0], [1], [0, 0, 1, 1], [], []>, transpose_lhs_hint = false} : vector<1x256xf32>, vector<256x1152xf32>, vector<1x1152xf32> -> vector<1x1152xf32>
    %squeeze3A_884 = vector.shape_cast %dot_general3A_883 : vector<1x1152xf32> to vector<1152xf32>
    %swap3A_885 = arith.constant 62 : index
    %swap3A_886 = arith.constant 0 : index
    %swap3A_887 = vector.load %arg5[%swap3A_885, %swap3A_886] : memref<64x1152xf32, #tpu.memory_space<vmem>>, vector<1x1152xf32>
    %swap3A_888 = vector.shape_cast %swap3A_887 : vector<1x1152xf32> to vector<1152xf32>
    %swap3A_889 = vector.shape_cast %squeeze3A_884 : vector<1152xf32> to vector<1x1152xf32>
    tpu.vector_store %arg5[%swap3A_885, %swap3A_886], %swap3A_889 {strides = array<i32>} : memref<64x1152xf32, #tpu.memory_space<vmem>>, vector<1x1152xf32>,
    %slice3A_890 = vector.extract_strided_slice %transpose3A {offsets = [0, 63], sizes = [256, 1], strides = [1, 1]} : vector<256x64xf32> to vector<256x1xf32>
    %add3A_891 = vector.broadcast %slice3A_890 : vector<256x1xf32> to vector<256x1152xf32>
    %add3A_892 = arith.addf %get3A_3, %add3A_891 : vector<256x1152xf32>
    %max3A_893 = arith.constant 0.000000e+00 : f32
    %max3A_894 = vector.broadcast %max3A_893 : f32 to vector<256x1152xf32>
    %max3A_895 = arith.maximumf %add3A_892, %max3A_894 : vector<256x1152xf32>
    %dot_general3A_896 = arith.constant dense<0.000000e+00> : vector<1x1152xf32>
    %dot_general3A_897 = tpu.matmul %transpose3A_12, %max3A_895, %dot_general3A_896 {dimension_numbers = #tpu.dot_dimension_numbers<[1], [0], [0], [1], [0, 0, 1, 1], [], []>, transpose_lhs_hint = false} : vector<1x256xf32>, vector<256x1152xf32>, vector<1x1152xf32> -> vector<1x1152xf32>
    %squeeze3A_898 = vector.shape_cast %dot_general3A_897 : vector<1x1152xf32> to vector<1152xf32>
    %swap3A_899 = arith.constant 63 : index
    %swap3A_900 = arith.constant 0 : index
    %swap3A_901 = vector.load %arg5[%swap3A_899, %swap3A_900] : memref<64x1152xf32, #tpu.memory_space<vmem>>, vector<1x1152xf32>
    %swap3A_902 = vector.shape_cast %swap3A_901 : vector<1x1152xf32> to vector<1152xf32>
    %swap3A_903 = vector.shape_cast %squeeze3A_898 : vector<1152xf32> to vector<1x1152xf32>
    tpu.vector_store %arg5[%swap3A_899, %swap3A_900], %swap3A_903 {strides = array<i32>} : memref<64x1152xf32, #tpu.memory_space<vmem>>, vector<1x1152xf32>,
    return
  }
  func.func @transform_0(%arg0: i32) -> (i32, i32) {
    %c0_i32 = arith.constant 0 : i32
    %c0_i32_0 = arith.constant 0 : i32
    %c0_i32_1 = arith.constant 0 : i32
    return %c0_i32, %c0_i32_0 : i32, i32
  }
  func.func @transform_1(%arg0: i32) -> (i32, i32) {
    %c0_i32 = arith.constant 0 : i32
    %c0_i32_0 = arith.constant 0 : i32
    %c0_i32_1 = arith.constant 0 : i32
    return %c0_i32, %c0_i32_0 : i32, i32
  }
  func.func @transform_2(%arg0: i32) -> (i32, i32) {
    %c0_i32 = arith.constant 0 : i32
    %c0_i32_0 = arith.constant 0 : i32
    %c0_i32_1 = arith.constant 0 : i32
    return %c0_i32, %c0_i32_0 : i32, i32
  }
  func.func @transform_3(%arg0: i32) -> (i32, i32) {
    %c0_i32 = arith.constant 0 : i32
    %c0_i32_0 = arith.constant 0 : i32
    %c0_i32_1 = arith.constant 0 : i32
    return %c0_i32, %c0_i32_0 : i32, i32
  }
  func.func @transform_4(%arg0: i32) -> (i32, i32) {
    %c0_i32 = arith.constant 0 : i32
    %c0_i32_0 = arith.constant 0 : i32
    return %arg0, %c0_i32 : i32, i32
  }
}

</mosaic_0001>

<sc_bundles>
// kernel: kernel.4.cloned.1.call-start
scs
__scs_entry_jumppad:
0x0: {  	(pc) =	sbr.rel $0x88, $3  }
0x1: {  	(tag) =	ssettag $0x0;
	lr =	simm.s32 $0x1  }
0x2: {  	[smem:$0x3F9C] =	sst lr;
	_ =	strace $0xD0000000  }
0x3: {  	_ = 	snop  }
0x4: {  	_ = 	snop  }
0x5: {  	_ = 	snop  }
0x6: {  	_ = 	snop  }
0x7: {  	_ = 	snop  }
__scs_overlays_trampoline_lowered:
0x8: {  	[smem:$0x3FAB] =	sst s0  }
0x9: {  	[smem:$0x3FAC] =	sst s1  }
0xa: {  	[smem:$0x3FAD] =	sst s2  }
0xb: {  	[smem:$0x3FAE] =	sst s3  }
0xc: {  	[smem:$0x3FAF] =	sst s4  }
0xd: {  	[smem:$0x3FB0] =	sst s5  }
0xe: {  	[smem:$0x3FB1] =	sst s6  }
0xf: {  	[smem:$0x3FB2] =	sst s7  }
0x10: {  	[smem:$0x3FB3] =	sst s8  }
0x11: {  	[smem:$0x3FB4] =	sst s9;
	s0 =	simm.s32 @!p0 $0x0  }
0x12: {  	s1 =	sld [smem:$0x3F9A];
	s0 =	simm.s32 @p0 $0x1  }
0x13: {  	[smem:$0x3FB5] =	sst s0;
	s0 =	simm.s32 @!p1 $0x0  }
0x14: {  	s2 =	sld [smem:$0x3F99];
	s0 =	simm.s32 @p1 $0x1  }
0x15: {  	[smem:$0x3FB6] =	sst s0;
	s0 =	simm.s32 @!p2 $0x0  }
0x16: {  	s3 =	sld [smem:$0x3FDB];
	s0 =	simm.s32 @p2 $0x1  }
0x17: {  	s4 =	simm.s32 $0x1BF5;
	[smem:$0x3FB8] =	sst s0  }
0x18: {  	s0 =	sld [smem:$0x3F9B];
	_ =	swait.ge [sflag:s4], $0x0  }
0x19: {  	s7 =	sld [smem:$0x3F9C]  }
0x1a: {  	s8 =	sadd.s32 $0xFFFFE003, lr  }
0x1b: {  	s9 =	sadd.s32 $0xFFFFFEF7, lr;
	s5 =	simm.s32 $0xFFFFFFFF;
	p2 =	slt.u32 s8, $0xFFFFF086  }
0x1c: {  	p1 =	slt.u32 s9, $0xF7A;
	s5 =	simm.s32 @!p2 $0x0  }
0x1d: {  	s5 =	simm.s32 @p1 $0x1;
	p0 =	seq.s32 s7, s2  }
0x1e: {  	s7 =	smul.u32 @!p0 $0xF7A, s2;
	p2 =	seq.s32 @!p0 s5, $0x0  }
0x1f: {  	s9 =	smul.u32 $0xF7A, s1;
	s8 =	simm.s32 @!p0 $0x1BF5;
	p2 =	por !p2, p0  }
0x20: {  	[sflag:s8] =	ssyncset.s32 @!p0 $0xFFFFF086;
	s6 =	sadd.s32 @!p0 s3, s7;
	s7 =	simm.s32 @!p0 $0x108  }
0x21: {  	s3 =	sadd.s32 s3, s9;
	s6 =	sadd.s32 @!p0 $0x88, s6;
	s7 =	simm.s32 @p2 $0x1082  }
0x22: {  	[simem:s7], [sflag:s8] =	dma.local @!p0 [hbm:s6], $0xF7A  }
0x23: {  	s9 =	sor.u32 $0xD0000000, s2;
	s6 =	simm.s32 $0x108;
	_ =	swait.ge @!p0 [sflag:s8], $0x0  }
0x24: {  	s3 =	sadd.s32 $0x88, s3;
	s6 =	simm.s32 @!p1 $0x1082;
	[sflag:s4] =	ssyncset.s32 $0xFFFFF086  }
0x25: {  	[simem:s6], [sflag:s4] =	dma.local [hbm:s3], $0xF7A  }
0x26: {  	[smem:$0x3F9C] =	sst s1;
	(tag) =	ssettag s2;
	_ =	strace s9  }
0x27: {  	s1 =	sld [smem:$0x3FAC]  }
0x28: {  	s2 =	sld [smem:$0x3FAD]  }
0x29: {  	s4 =	sld [smem:$0x3FAF]  }
0x2a: {  	p0 =	seq.s32 s5, $0x0;
	s5 =	sld [smem:$0x3FB0]  }
0x2b: {  	s6 =	sld [smem:$0x3FB1]  }
0x2c: {  	s7 =	sld [smem:$0x3FB2]  }
0x2d: {  	s3 =	simm.s32 $0x108;
	s8 =	sld [smem:$0x3FB3]  }
0x2e: {  	s3 =	simm.s32 @!p0 $0x1082;
	s9 =	sld [smem:$0x3FB4]  }
0x2f: {  	lr =	sadd.s32 s0, s3;
	s0 =	sld [smem:$0x3FAB]  }
0x30: {  	s3 =	sld [smem:$0x3FAE]  }
0x31: {  	[smem:$0x3FB7] =	sst s10  }
0x32: {  	s10 =	sld [smem:$0x3FB5];
	_ =	sdelay $0x3  }
0x33: {  	p0 =	seq.s32 s10, $0x1;
	s10 =	sld [smem:$0x3FB7];
	_ =	sdelay $0x3  }
0x34: {  	[smem:$0x3FB7] =	sst s10  }
0x35: {  	s10 =	sld [smem:$0x3FB6];
	_ =	sdelay $0x3  }
0x36: {  	p1 =	seq.s32 s10, $0x1;
	s10 =	sld [smem:$0x3FB7];
	_ =	sdelay $0x3  }
0x37: {  	[smem:$0x3FB7] =	sst s10  }
0x38: {  	s10 =	sld [smem:$0x3FB8]  }
0x39: {  	_ = 	snop;
	(pc) =	sbr.ind lr, $3  }
0x3a: {  	_ = 	snop  }
0x3b: {  	_ = 	snop  }
0x3c: {  	p2 =	seq.s32 s10, $0x1;
	s10 =	sld [smem:$0x3FB7]  }
0x3d: {  	_ =	shalt  }
0x3e: {  	_ =	shalt  }
0x3f: {  	_ =	shalt  }
0x40: {  	_ =	shalt  }
0x41: {  	_ =	shalt  }
0x42: {  	_ =	shalt  }
0x43: {  	_ =	shalt  }
0x44: {  	_ =	shalt  }
0x45: {  	_ =	shalt  }
0x46: {  	_ =	shalt  }
0x47: {  	_ =	shalt  }
0x48: {  	_ =	shalt  }
0x49: {  	_ =	shalt  }
0x4a: {  	_ =	shalt  }
0x4b: {  	_ =	shalt  }
0x4c: {  	_ =	shalt  }
0x4d: {  	_ =	shalt  }
0x4e: {  	_ =	shalt  }
0x4f: {  	_ =	shalt  }
0x50: {  	_ =	shalt  }
0x51: {  	_ =	shalt  }
0x52: {  	_ =	shalt  }
0x53: {  	_ =	shalt  }
0x54: {  	_ =	shalt  }
0x55: {  	_ =	shalt  }
0x56: {  	_ =	shalt  }
0x57: {  	_ =	shalt  }
0x58: {  	_ =	shalt  }
0x59: {  	_ =	shalt  }
0x5a: {  	_ =	shalt  }
0x5b: {  	_ =	shalt  }
0x5c: {  	_ =	shalt  }
0x5d: {  	_ =	shalt  }
0x5e: {  	_ =	shalt  }
0x5f: {  	_ =	shalt  }
0x60: {  	_ =	shalt  }
0x61: {  	_ =	shalt  }
0x62: {  	_ =	shalt  }
0x63: {  	_ =	shalt  }
0x64: {  	_ =	shalt  }
0x65: {  	_ =	shalt  }
0x66: {  	_ =	shalt  }
0x67: {  	_ =	shalt  }
0x68: {  	_ =	shalt  }
0x69: {  	_ =	shalt  }
0x6a: {  	_ =	shalt  }
0x6b: {  	_ =	shalt  }
0x6c: {  	_ =	shalt  }
0x6d: {  	_ =	shalt  }
0x6e: {  	_ =	shalt  }
0x6f: {  	_ =	shalt  }
0x70: {  	_ =	shalt  }
0x71: {  	_ =	shalt  }
0x72: {  	_ =	shalt  }
0x73: {  	_ =	shalt  }
0x74: {  	_ =	shalt  }
0x75: {  	_ =	shalt  }
0x76: {  	_ =	shalt  }
0x77: {  	_ =	shalt  }
0x78: {  	_ =	shalt  }
0x79: {  	_ =	shalt  }
0x7a: {  	_ =	shalt  }
0x7b: {  	_ =	shalt  }
0x7c: {  	_ =	shalt  }
0x7d: {  	_ =	shalt  }
0x7e: {  	_ =	shalt  }
0x7f: {  	_ =	shalt  }
0x80: {  	_ =	shalt  }
0x81: {  	_ =	shalt  }
0x82: {  	_ =	shalt  }
0x83: {  	_ =	shalt  }
0x84: {  	_ =	shalt  }
0x85: {  	_ =	shalt  }
0x86: {  	_ =	shalt  }
0x87: {  	_ =	shalt  }
.Lfunc_end0:
.L_simem_size_0:
called_computation_lowered:
.L_overlay_start_0:
0x88: {  	s0 =	sld [smem:$0x3FD9]  }
0x89: {  	s1 =	sld [smem:$0x3FFE];
	_ =	sdelay $0x3  }
0x8a: {  	s0 =	sadd.s32 s1, s0  }
0x8b: {  	[smem:$0x3FC3] =	sst s0  }
0x8c: {  	_ = 	snop  }
0x8d: {  	s0 =	sld [smem:$0x3FC9];
	(tm) =	ssettm $0x1  }
0x8e: {  	s16 =	sld [smem:$0x3FFB];
	_ =	sdelay $0x3  }
0x8f: {  	_ =	strace s16  }
0x90: {  	s1 =	sld [smem:$0x3FFC];
	_ =	sdelay $0x3  }
0x91: {  	_ =	strace s1  }
0x92: {  	s1 =	sld [smem:$0x3FFD];
	_ =	sdelay $0x3  }
0x93: {  	_ =	strace s1  }
0x94: {  	_ =	strace $0x8FFFFFFF  }
0x95: {  	s17 =	sld [smem:$0x3FDB];
	_ =	sdelay $0x1  }
0x96: {  	s2 =	simm.s32 $_scs_section_size  }
0x97: {  	s3 =	simm.s32 $_size__tile_overlayer_lowered;
	s4 =	simm.s32 $_tile_overlayer_lowered  }
0x98: {  	s20 =	simm.s32 $0x1BFF;
	s19 =	sshll.u32 s4, $0x1;
	s1 =	sadd.s32 s2, s17  }
0x99: {  	s5 =	simm.s32 $0x0;
	s18 =	sshll.u32 s3, $0x1;
	s3 =	sadd.s32 s19, s1  }
0x9a: {  	[timem:s5], [sflag:s20] =	dma.local [hbm:s3], s18  }
0x9b: {  	_ =	swait.ge [sflag:s20], s18  }
0x9c: {  	s2 =	ssub.s32 $0x0, s18;
	[sflag:s20] =	ssyncset.done $0x0  }
0x9d: {  	[sflag:s20] =	ssyncadd.s32 s2;
	_ =	sdelay $0x1  }
0x9e: {  	s21 =	simm.s32 $0x1B8B  }
0x9f: {  	_ =	swait.ge [sflag:s21], $0x1  }
0xa0: {  	[sflag:s21] =	ssyncset.done $0x0  }
0xa1: {  	s23 =	simm.s32 $0x1B8E;
	s22 =	sld [smem:$0x3FFE];
	[sflag:s21] =	ssyncadd.s32 $0xFFFFFFFF  }
0xa2: {  	s24 =	simm.s32 $execute0_lowered;
	[smem:$0x3FD2] =	sst s23  }
0xa3: {  	s3 =	sshll.u32 s24, $0x1;
	_ =	strace $0x80000046;
	[dreg:$0x1] =	wrdreg $0xFFFFFFFF  }
0xa4: {  	s25 =	simm.s32 $_size_execute0_lowered;
	s1 =	sadd.s32 s1, s3;
	[dreg:$0x0] =	wrdreg $0x0  }
0xa5: {  	s3 =	sshll.u32 s25, $0x1;
	[dreg:$0x2] =	wrdreg s1  }
0xa6: {  	[dreg:$0x3] =	wrdreg s3  }
0xa7: {  	[dreg:$0x4] =	wrdreg $0xC0  }
0xa8: {  	_ =	task [dreg:s5], $0x5FFFF  }
0xa9: {  	[dreg:$0x1] =	wrdreg $0xFFFFFFFF  }
0xaa: {  	[dreg:$0x0] =	wrdreg $0x60  }
0xab: {  	[dreg:$0x2] =	wrdreg s22  }
0xac: {  	[dreg:$0x3] =	wrdreg s0  }
0xad: {  	[dreg:$0x4] =	wrdreg $0x9  }
0xae: {  	_ =	task.clear_ibuf [dreg:s5], $0x5FFFF;
	_ =	strace $0x90000046  }
0xaf: {  	s26 =	simm.s32 $0x9;
	_ =	strace $0x80000048  }
0xb0: {  	_ =	swait.ge [sflag:s26], $0x1  }
0xb1: {  	[sflag:s26] =	ssyncadd.s32 $0xFFFFFFFF  }
0xb2: {  	_ =	strace $0x90000048  }
0xb3: {  	_ =	sfence  }
0xb4: {  	s28 =	sld [smem:$0x0];
	_ =	sdelay $0x1  }
0xb5: {  	s29 =	srdreg.scid  }
0xb6: {  	s30 =	sshll.u32 s29, $0xD;
	s31 =	sshrl.u32 s29, $0x2  }
0xb7: {  	s2 =	sand.u32 $0x4000, s30;
	s1 =	sand.u32 $0x1, s29;
	s0 =	sadd.s32 s31, s28  }
0xb8: {  	s1 =	sor.u32 s2, s1;
	s0 =	sshll.u32 s0, $0x11  }
0xb9: {  	s0 =	sor.u32 s0, s1  }
0xba: {  	s0 =	sadd.s32 $0x8F2B, s0  }
0xbb: {  	[sflag:s0] =	ssyncadd.remote.s32 $0x1  }
0xbc: {  	_ =	sfence.sel $0xFFFF  }
0xbd: {  	[dreg:$0x0] =	wrdreg $0xFFFFFFFF;
	(pc) =	sbr.abs _section_cstart, $3  }
0xbe: {  	[dreg:$0x1] =	wrdreg $0xFFFFFFFF  }
0xbf: {  	_ =	task.clear_ibuf [dreg:s5], $0x2FFFF;
	_ =	strace $0x9FFFFFFF  }
0xc0: {  	(tm) =	ssettm $0x7FFFFFFF  }
0xc1: {  	_ =	shalt  }
tec
execute0_lowered:
.L_overlay_start_1:
0x0: {  	(tag) =	ssettag $0x1  }
0x1: {  	s5 =	rddreg [dreg:$0x0]  }
0x2: {  	s4 =	rddreg [dreg:$0x1];
	s1 =	stileid.u32  }
0x3: {  	s0 =	rddreg [dreg:$0x2];
	s12 =	simm.s32 $0x2400;
	s13 =	simm.s32 $0x80  }
0x4: {  	s14 =	simm.s32 $0x400;
	s6 =	sshll.u32 s1, $0x7;
	s2 =	sshrl.u32 s1, $0x3  }
0x5: {  	s3 =	sshll.u32 s2, $0xD;
	s7 =	sand.u32 $0x380, s6;
	s8 =	sshll.u32 s2, $0xA  }
0x6: {  	s2 =	simm.s32 $0x0;
	s4 =	sadd.s32 s4, s6;
	s3 =	sor.u32 s7, s3  }
0x7: {  	s7 =	sor.u32 s7, s8;
	[smem:$0x7FF] =	sst s2;
	s3 =	sshrl.u32 s3, $0x3  }
0x8: {  	s7 =	sshrl.u32 s7, $0x3;
	_ =	strace $0x80000047;
	s9 =	sadd.s32 s3, s5  }
0x9: {  	[tilespmem:s12], [sflag:$0x2] =	stream.linear.gather [hbm4b:s4+s2], $0x400, $0x38;
	[tilespmem:$0x2D00] =	vst v63  }
0xa: {  	s15 =	simm.s32 $0x2800;
	s10 =	sadd.s32 s7, s5;
	s11 =	sadd.s32 $0x3200, s9  }
0xb: {  	[tilespmem:s15], [sflag:$0x3] =	stream.strided.gather [hbm4b:s11+s13], $0x400, s14, s13, $0x38;
	[tilespmem:$0x2D00] =	vst v63  }
0xc: {  	s17 =	simm.s32 $0x2C00;
	s18 =	simm.s32 $0x4;
	s16 =	sadd.s32 $0x3000, s10  }
0xd: {  	[tilespmem:s17], [sflag:$0x4] =	stream.linear.gather [hbm4b:s16+s2], $0x80, $0x38;
	[tilespmem:$0x2D00] =	vst v63  }
0xe: {  	_ =	swait.ge [sflag:s18], $0x80  }
0xf: {  	[sflag:s18] =	ssyncset.done $0x0  }
0x10: {  	[sflag:s18] =	ssyncadd.s32 $0xFFFFFF80  }
0x11: {  	v0 =	vld.msk [tilespmem:$0x2C00], $0xff;
	_ =	sdelay $0x4  }
0x12: {  	v1 =	vshrl.u32 v0, $0x3  }
0x13: {  	v1 =	vmul.u32 $0x48, v1  }
0x14: {  	v2 =	vlaneseq.u32;
	v0 =	vand.u32 $0x7, v0  }
0x15: {  	v30 =	vand.u32 $0x7, v2;
	v2 =	vshrl.u32 v2, $0x3;
	v0 =	vor.u32 v0, v1  }
0x16: {  	v31 =	vmul.u32 $0x8, v2;
	v0 =	vperm.xlane v0, v30;
	_ =	sdelay $0x1  }
0x17: {  	v0 =	vadd.s32 v31, v0;
	_ =	sdelay $0x3  }
0x18: {  	vm0 =	vmmov $0xffff;
	s19 =	sadd.s32 $0xC00, s5  }
0x19: {  	[tilespmem:s2], [sflag:$0x1] =	stream.indirect_vreg.gather [hbm4b:s19+s2], $0x80, v0, vm0, $0xb8;
	[tilespmem:$0x2D00] =	vst v63  }
0x1a: {  	s21 =	simm.s32 $0x800;
	s20 =	sadd.s32 $0xD00, s5  }
0x1b: {  	[tilespmem:s21], [sflag:$0x1] =	stream.indirect_vreg.gather [hbm4b:s20+s2], $0x80, v0, vm0, $0xb8;
	[tilespmem:$0x2D00] =	vst v63  }
0x1c: {  	s23 =	simm.s32 $0x1000;
	s22 =	sadd.s32 $0xE00, s5  }
0x1d: {  	[tilespmem:s23], [sflag:$0x1] =	stream.indirect_vreg.gather [hbm4b:s22+s2], $0x80, v0, vm0, $0xb8;
	[tilespmem:$0x2D00] =	vst v63  }
0x1e: {  	s25 =	simm.s32 $0x1800;
	s24 =	sadd.s32 $0xF00, s5  }
0x1f: {  	[tilespmem:s25], [sflag:$0x1] =	stream.indirect_vreg.gather [hbm4b:s24+s2], $0x80, v0, vm0, $0xb8;
	[tilespmem:$0x2D00] =	vst v63  }
0x20: {  	vm13 =	vmmov $0xff;
	s26 =	simm.s32 $0x2000;
	s28 =	simm.s32 $0x2;
	s5 =	sadd.s32 $0x1000, s5  }
0x21: {  	[tilespmem:s26], [sflag:$0x1] =	stream.indirect_vreg.gather [hbm4b:s5+s2], $0x80, v0, vm13, $0xb8;
	[tilespmem:$0x2D00] =	vst v63  }
0x22: {  	_ =	swait.ge [sflag:s28], $0x400  }
0x23: {  	[sflag:s28] =	ssyncset.done $0x0  }
0x24: {  	s29 =	simm.s32 $0x3;
	[sflag:s28] =	ssyncadd.s32 $0xFFFFFC00  }
0x25: {  	_ =	swait.ge [sflag:s29], $0x400  }
0x26: {  	[sflag:s29] =	ssyncset.done $0x0  }
0x27: {  	s30 =	simm.s32 $0x1;
	[sflag:s29] =	ssyncadd.s32 $0xFFFFFC00  }
0x28: {  	_ =	swait.ge [sflag:s30], $0x2400  }
0x29: {  	[sflag:s30] =	ssyncset.done $0x0  }
0x2a: {  	[sflag:s30] =	ssyncadd.s32 $0xFFFFDC00  }
0x2b: {  	v32 =	vld [tilespmem:$0x2400]  }
0x2c: {  	v33 =	vld [tilespmem:$0x2800]  }
0x2d: {  	v34 =	vld [tilespmem:$0x2410]  }
0x2e: {  	v3 =	vld [tilespmem:$0x2810]  }
0x2f: {  	v4 =	vld [tilespmem:$0x2820]  }
0x30: {  	v5 =	vld [tilespmem:$0x2420]  }
0x31: {  	v35 =	vld [tilespmem:$0x2430]  }
0x32: {  	v7 =	vld [tilespmem:$0x2830]  }
0x33: {  	v36 =	vld [tilespmem:$0x2440]  }
0x34: {  	v37 =	vld [tilespmem:$0x2840]  }
0x35: {  	v11 =	vld [tilespmem:$0x2850]  }
0x36: {  	v13 =	vld [tilespmem:$0x2450]  }
0x37: {  	v53 =	vld [tilespmem:$0x2860]  }
0x38: {  	v55 =	vld [tilespmem:$0x2870]  }
0x39: {  	v57 =	vld [tilespmem:$0x2880]  }
0x3a: {  	v60 =	vld [tilespmem:$0x2890]  }
0x3b: {  	v62 =	vld [tilespmem:$0x2490]  }
0x3c: {  	v16 =	vld [tilespmem:$0x28A0]  }
0x3d: {  	v24 =	vld [tilespmem:$0x28B0];
	vm14 =	veq.s32 v33, $0x0;
	vm3 =	veq.s32 v3, $0x0;
	vm2 =	veq.s32 v4, $0x0  }
0x3e: {  	v51 =	vld [tilespmem:$0x2460];
	vm5 =	veq.s32 v7, $0x0;
	vm4 =	veq.s32 v37, $0x0;
	v0 =	vcvt.s32.f32 v32  }
0x3f: {  	v54 =	vld [tilespmem:$0x2470];
	vm1 =	veq.s32 v11, $0x0;
	v2 =	vcvt.s32.f32 v34;
	v1 =	vcvt.s32.f32 v35  }
0x40: {  	v58 =	vld [tilespmem:$0x2480];
	v52 =	vcvt.s32.f32 v36;
	v56 =	vcvt.s32.f32 v13;
	vm15 =	veq.s32 v53, $0x0  }
0x41: {  	v19 =	vld [tilespmem:$0x24A0];
	vm8 =	veq.s32 v55, $0x0;
	vm9 =	veq.s32 v57, $0x0;
	vm10 =	veq.s32 v60, $0x0  }
0x42: {  	vm11 =	veq.s32 v16, $0x0;
	vm12 =	veq.s32 v24, $0x0;
	v33 =	vcvt.s32.f32 v62  }
0x43: {  	v6 =	vnsel vm14, $0x400, v32;
	v9 =	vnsel vm3, $0x400, v34;
	v10 =	vnsel vm2, $0x400, v5  }
0x44: {  	v41 =	vnsel vm5, $0x400, v35;
	v44 =	vnsel vm4, $0x400, v36;
	v11 =	vnsel vm1, $0x400, v13  }
0x45: {  	v5 =	vcvt.s32.f32 v5;
	v3 =	vnsel vm15, $0x400, v51;
	v63 =	vnsel vm8, $0x400, v54  }
0x46: {  	v18 =	vnsel vm9, $0x400, v58;
	v23 =	vnsel vm10, $0x400, v62;
	v14 =	vnsel vm11, $0x400, v19  }
0x47: {  	v34 =	vcvt.s32.f32 v19;
	v8 =	vand.u32 $0x7F, v6;
	v6 =	vshll.u32 v6, $0x3  }
0x48: {  	v38 =	vshll.u32 v9, $0x3;
	v9 =	vand.u32 $0x7F, v9;
	v12 =	vshll.u32 v10, $0x3  }
0x49: {  	v10 =	vand.u32 $0x7F, v10;
	v42 =	vand.u32 $0x7F, v41;
	v45 =	vshll.u32 v44, $0x3  }
0x4a: {  	v46 =	vshll.u32 v11, $0x3;
	v47 =	vand.u32 $0x7F, v11;
	v0 =	vsel vm14, $0xBF800000, v0  }
0x4b: {  	v2 =	vsel vm3, $0xBF800000, v2;
	v1 =	vsel vm5, $0xBF800000, v1;
	v61 =	vand.u32 $0x7F, v3  }
0x4c: {  	v3 =	vshll.u32 v3, $0x3;
	v17 =	vshll.u32 v63, $0x3;
	v20 =	vshll.u32 v18, $0x3  }
0x4d: {  	v11 =	vand.u32 $0x7F, v18;
	v25 =	vshll.u32 v23, $0x3;
	v6 =	vand.u32 $0xFFFFFC00, v6  }
0x4e: {  	v26 =	vld [tilespmem:$0x24B0];
	v27 =	vshll.u32 v14, $0x3;
	v12 =	vand.u32 $0xFFFFFC00, v12;
	v6 =	vor.u32 v8, v6  }
0x4f: {  	v16 =	vld [tilespmem:$0x2920];
	v14 =	vand.u32 $0x7F, v14;
	v8 =	vand.u32 $0xFFFFFC00, v38;
	v40 =	vor.u32 v10, v12  }
0x50: {  	v57 =	vld [tilespmem:$0x2520];
	v48 =	vand.u32 $0xFFFFFC00, v46;
	v5 =	vsel vm2, $0xBF800000, v5;
	v39 =	vor.u32 v9, v8  }
0x51: {  	v35 =	vld [tilespmem:$0x28C0];
	v3 =	vand.u32 $0xFFFFFC00, v3;
	v13 =	vand.u32 $0xFFFFFC00, v20;
	v37 =	vsel vm11, $0xBF800000, v34  }
0x52: {  	v36 =	vld [tilespmem:$0x24C0];
	v10 =	vand.u32 $0xFFFFFC00, v45;
	v3 =	vor.u32 v61, v3;
	v9 =	vshll.u32 v41, $0x3  }
0x53: {  	v22 =	vor.u32 v13, v11;
	v43 =	vand.u32 $0xFFFFFC00, v9;
	v9 =	vand.u32 $0x7F, v44;
	v6 =	vld.idx.msk [tilespmem:v6+s2+$0x0], $0xffff  }
0x54: {  	v11 =	vnsel vm12, $0x400, v26;
	v9 =	vor.u32 v9, v10;
	v10 =	vor.u32 v47, v48;
	v8 =	vld.idx.msk [tilespmem:v40+s2+$0x0], $0xffff  }
0x55: {  	v13 =	vand.u32 $0xFFFFFC00, v25;
	v29 =	vshll.u32 v11, $0x3;
	v30 =	vand.u32 $0x7F, v11;
	v7 =	vld.idx.msk [tilespmem:v39+s2+$0x0], $0xffff  }
0x56: {  	v41 =	vcvt.s32.f32 v26;
	vm11 =	veq.s32 v16, $0x0;
	v4 =	vor.u32 v42, v43;
	v39 =	vld [tilespmem:$0x28D0]  }
0x57: {  	v31 =	vand.u32 $0xFFFFFC00, v29;
	vm13 =	veq.s32 v35, $0x0;
	v44 =	vld [tilespmem:$0x28E0];
	v16 =	vnsel vm11, $0x400, v57  }
0x58: {  	v29 =	vcvt.s32.f32 v57;
	v43 =	vnsel vm13, $0x400, v36;
	v62 =	vand.u32 $0x7F, v16;
	v40 =	vld [tilespmem:$0x24D0]  }
0x59: {  	v45 =	vand.u32 $0x7F, v43;
	v50 =	vld.idx.msk [tilespmem:v10+s2+$0x0], $0xffff;
	v10 =	vand.u32 $0x7F, v63;
	v0 =	vsub.f32 v6, v0  }
0x5a: {  	v42 =	vld [tilespmem:$0x24E0];
	v5 =	vsub.f32 v8, v5;
	v6 =	vsel vm1, $0xBF800000, v56;
	v8 =	vcvt.s32.f32 v51  }
0x5b: {  	v4 =	vld.idx.msk [tilespmem:v4+s2+$0x0], $0xffff;
	v2 =	vsub.f32 v7, v2;
	v7 =	vand.u32 $0xFFFFFC00, v17;
	vm14 =	veq.s32 v39, $0x0  }
0x5c: {  	v3 =	vld.idx.msk [tilespmem:v3+s2+$0x0], $0xffff;
	v17 =	vshll.u32 v16, $0x3;
	v0 =	vand.u32 $0x7FFFFFFF, v0;
	v5 =	vand.u32 $0x7FFFFFFF, v5  }
0x5d: {  	v53 =	vld [tilespmem:$0x2510];
	v21 =	vor.u32 v10, v7;
	v7 =	vor.u32 $0x80, v22;
	v10 =	vand.u32 $0x7F, v23  }
0x5e: {  	v8 =	vsel vm15, $0xBF800000, v8;
	v48 =	vnsel vm14, $0x400, v40;
	vm15 =	veq.s32 v44, $0x0  }
0x5f: {  	v63 =	vand.u32 $0xFFFFFC00, v17;
	v17 =	vcvt.s32.f32 v42;
	v2 =	vand.u32 $0x7FFFFFFF, v2  }
0x60: {  	v49 =	vld.idx.msk [tilespmem:v9+s2+$0x0], $0xffff;
	v1 =	vsub.f32 v4, v1;
	v59 =	vsub.f32 v50, v6;
	v10 =	vor.u32 v13, v10  }
0x61: {  	v46 =	vld [tilespmem:$0x28F0];
	v13 =	vand.u32 $0xFFFFFC00, v27;
	v4 =	vcvt.s32.f32 v54;
	v3 =	vsub.f32 v3, v8  }
0x62: {  	v47 =	vld [tilespmem:$0x24F0];
	v8 =	vor.u32 v31, v30;
	v27 =	vcvt.s32.f32 v53;
	v0 =	vadd.f32 v2, v0  }
0x63: {  	v51 =	vld [tilespmem:$0x2500];
	v2 =	vsel vm4, $0xBF800000, v52;
	v10 =	vor.u32 $0x80, v10;
	v13 =	vor.u32 v13, v14  }
0x64: {  	v32 =	vor.u32 $0x80, v8;
	v52 =	vnsel vm15, $0x400, v42;
	v19 =	vsel vm15, $0xBF800000, v17  }
0x65: {  	v1 =	vand.u32 $0x7FFFFFFF, v1;
	v2 =	vsub.f32 v49, v2;
	v28 =	vor.u32 $0x80, v13  }
0x66: {  	v4 =	vsel vm8, $0xBF800000, v4;
	v3 =	vand.u32 $0x7FFFFFFF, v3;
	v49 =	vshll.u32 v48, $0x3  }
0x67: {  	v50 =	vld [tilespmem:$0x2900];
	vm8 =	veq.s32 v46, $0x0;
	v54 =	vshll.u32 v52, $0x3;
	v0 =	vadd.f32 v5, v0  }
0x68: {  	v22 =	vcvt.s32.f32 v51;
	v9 =	vand.u32 $0xFFFFFC00, v49;
	v55 =	vnsel vm8, $0x400, v47;
	v6 =	vld.idx.msk [tilespmem:v21+s2+$0x0], $0xffff  }
0x69: {  	v2 =	vand.u32 $0x7FFFFFFF, v2;
	v7 =	vld.idx.msk [tilespmem:v7+s2+$0x0], $0xffff;
	v15 =	vshll.u32 v55, $0x3;
	v0 =	vadd.f32 v1, v0  }
0x6a: {  	v25 =	vld [tilespmem:$0x2530];
	v13 =	vand.u32 $0x7F, v55;
	v1 =	vcvt.s32.f32 v58;
	v15 =	vand.u32 $0xFFFFFC00, v15  }
0x6b: {  	v23 =	vld [tilespmem:$0x2930];
	v12 =	vand.u32 $0xFFFFFC00, v54;
	v58 =	vor.u32 v15, v13;
	v0 =	vadd.f32 v2, v0  }
0x6c: {  	v56 =	vld [tilespmem:$0x2910];
	v2 =	vand.u32 $0x7FFFFFFF, v59;
	v1 =	vsel vm9, $0xBF800000, v1;
	vm9 =	veq.s32 v50, $0x0  }
0x6d: {  	v38 =	vld.idx.msk [tilespmem:v32+s2+$0x0], $0xffff;
	v32 =	vsel vm11, $0xBF800000, v29;
	v59 =	vnsel vm9, $0x400, v51;
	v0 =	vadd.f32 v2, v0  }
0x6e: {  	v26 =	vld [tilespmem:$0x2940];
	v24 =	vsel vm9, $0xBF800000, v22;
	v4 =	vsub.f32 v6, v4;
	v1 =	vsub.f32 v7, v1  }
0x6f: {  	v10 =	vld.idx.msk [tilespmem:v10+s2+$0x0], $0xffff;
	v6 =	vsel vm12, $0xBF800000, v41;
	v7 =	vcvt.s32.f32 v36;
	v60 =	vshll.u32 v59, $0x3  }
0x70: {  	v50 =	vld [tilespmem:$0x2590];
	v13 =	vand.u32 $0x7F, v59;
	vm12 =	veq.s32 v23, $0x0;
	v15 =	vand.u32 $0xFFFFFC00, v60  }
0x71: {  	v0 =	vadd.f32 v3, v0;
	v4 =	vand.u32 $0x7FFFFFFF, v4;
	v3 =	vsel vm10, $0xBF800000, v33  }
0x72: {  	v2 =	vld.idx.msk [tilespmem:v28+s2+$0x0], $0xffff;
	v1 =	vand.u32 $0x7FFFFFFF, v1;
	v7 =	vsel vm13, $0xBF800000, v7;
	vm10 =	veq.s32 v56, $0x0  }
0x73: {  	v28 =	vld [tilespmem:$0x2540];
	v13 =	vor.u32 v15, v13;
	v33 =	vnsel vm12, $0x400, v25;
	vm13 =	veq.s32 v26, $0x0  }
0x74: {  	v36 =	vld [tilespmem:$0x2560];
	v3 =	vsub.f32 v10, v3;
	v14 =	vnsel vm10, $0x400, v53;
	v13 =	vor.u32 $0x100, v13  }
0x75: {  	v30 =	vsel vm10, $0xBF800000, v27;
	v35 =	vshll.u32 v33, $0x3;
	v23 =	vcvt.s32.f32 v50  }
0x76: {  	v0 =	vadd.f32 v4, v0;
	v4 =	vsub.f32 v38, v6;
	v6 =	vand.u32 $0x7F, v48  }
0x77: {  	v61 =	vshll.u32 v14, $0x3;
	v14 =	vand.u32 $0x7F, v14;
	v3 =	vand.u32 $0x7FFFFFFF, v3  }
0x78: {  	v34 =	vld [tilespmem:$0x2550];
	v6 =	vor.u32 v9, v6;
	v9 =	vand.u32 $0x7F, v52;
	v15 =	vand.u32 $0xFFFFFC00, v61  }
0x79: {  	v8 =	vcvt.s32.f32 v28;
	v61 =	vcvt.s32.f32 v36;
	v0 =	vadd.f32 v1, v0  }
0x7a: {  	v1 =	vsub.f32 v2, v37;
	v6 =	vor.u32 $0x80, v6;
	v9 =	vor.u32 v12, v9  }
0x7b: {  	v31 =	vld [tilespmem:$0x2950];
	v12 =	vor.u32 $0x80, v58;
	v14 =	vor.u32 v15, v14;
	v15 =	vor.u32 v63, v62  }
0x7c: {  	v22 =	vld [tilespmem:$0x29C0];
	v4 =	vand.u32 $0x7FFFFFFF, v4;
	v2 =	vcvt.s32.f32 v47;
	v0 =	vadd.f32 v3, v0  }
0x7d: {  	v38 =	vld [tilespmem:$0x2960];
	v37 =	vnsel vm13, $0x400, v28;
	v58 =	vcvt.s32.f32 v34;
	v1 =	vand.u32 $0x7FFFFFFF, v1  }
0x7e: {  	v41 =	vld [tilespmem:$0x2970];
	v9 =	vor.u32 $0x80, v9;
	v0 =	vadd.f32 v1, v0;
	v1 =	vshll.u32 v43, $0x3  }
0x7f: {  	v47 =	vld [tilespmem:$0x2990];
	v14 =	vor.u32 $0x100, v14;
	v16 =	vor.u32 $0x100, v15;
	v1 =	vand.u32 $0xFFFFFC00, v1  }
0x80: {  	v63 =	vld [tilespmem:$0x29A0];
	v39 =	vshll.u32 v37, $0x3;
	v10 =	vand.u32 $0x7F, v37;
	v1 =	vor.u32 v1, v45  }
0x81: {  	v27 =	vld [tilespmem:$0x25D0];
	v8 =	vsel vm13, $0xBF800000, v8;
	v3 =	vcvt.s32.f32 v40;
	v1 =	vor.u32 $0x80, v1  }
0x82: {  	vm13 =	veq.s32 v22, $0x0;
	v2 =	vsel vm8, $0xBF800000, v2;
	v40 =	vld [tilespmem:$0x2570];
	vm15 =	veq.s32 v38, $0x0  }
0x83: {  	v3 =	vsel vm14, $0xBF800000, v3;
	vm14 =	veq.s32 v31, $0x0;
	v43 =	vld [tilespmem:$0x2980];
	v11 =	vnsel vm15, $0x400, v36  }
0x84: {  	vm8 =	veq.s32 v41, $0x0;
	v6 =	vld.idx.msk [tilespmem:v6+s2+$0x0], $0xffff;
	v42 =	vnsel vm14, $0x400, v34;
	v46 =	vand.u32 $0x7F, v11  }
0x85: {  	v18 =	vld.idx.msk [tilespmem:v12+s2+$0x0], $0xffff;
	v11 =	vshll.u32 v11, $0x3;
	vm10 =	veq.s32 v47, $0x0;
	vm11 =	veq.s32 v63, $0x0  }
0x86: {  	v0 =	vadd.f32 v4, v0;
	v44 =	vshll.u32 v42, $0x3;
	v11 =	vand.u32 $0xFFFFFC00, v11;
	v1 =	vld.idx.msk [tilespmem:v1+s2+$0x0], $0xffff  }
0x87: {  	v21 =	vld.idx.msk [tilespmem:v14+s2+$0x0], $0xffff;
	v53 =	vnsel vm10, $0x400, v50;
	v14 =	vand.u32 $0xFFFFFC00, v44;
	v11 =	vor.u32 v11, v46  }
0x88: {  	v45 =	vld [tilespmem:$0x2580];
	v48 =	vnsel vm8, $0x400, v40;
	v56 =	vshll.u32 v53, $0x3;
	v57 =	vand.u32 $0x7F, v53  }
0x89: {  	v20 =	vld.idx.msk [tilespmem:v13+s2+$0x0], $0xffff;
	v12 =	vcvt.s32.f32 v40;
	v51 =	vand.u32 $0x7F, v48;
	v13 =	vshll.u32 v48, $0x3  }
0x8a: {  	v9 =	vld.idx.msk [tilespmem:v9+s2+$0x0], $0xffff;
	v11 =	vor.u32 $0x100, v11;
	vm9 =	veq.s32 v43, $0x0;
	v3 =	vsub.f32 v6, v3  }
0x8b: {  	v13 =	vand.u32 $0xFFFFFC00, v13;
	v2 =	vsub.f32 v18, v2;
	v1 =	vsub.f32 v1, v7  }
0x8c: {  	v6 =	vand.u32 $0x7F, v33;
	v13 =	vor.u32 v13, v51;
	v51 =	vcvt.s32.f32 v27;
	v7 =	vld.idx.msk [tilespmem:v16+s2+$0x0], $0xffff  }
0x8d: {  	v49 =	vnsel vm9, $0x400, v45;
	v13 =	vor.u32 $0x100, v13;
	v1 =	vand.u32 $0x7FFFFFFF, v1  }
0x8e: {  	v17 =	vcvt.s32.f32 v45;
	v3 =	vand.u32 $0x7FFFFFFF, v3;
	v0 =	vadd.f32 v1, v0  }
0x8f: {  	v2 =	vand.u32 $0x7FFFFFFF, v2;
	v18 =	vshll.u32 v49, $0x3;
	v1 =	vsub.f32 v9, v19  }
0x90: {  	v18 =	vand.u32 $0xFFFFFC00, v18;
	v19 =	vsel vm9, $0xBF800000, v17;
	v0 =	vadd.f32 v3, v0  }
0x91: {  	v38 =	vld [tilespmem:$0x25F0];
	v1 =	vand.u32 $0x7FFFFFFF, v1;
	v5 =	vsub.f32 v7, v32;
	v7 =	vand.u32 $0xFFFFFC00, v35  }
0x92: {  	v36 =	vld [tilespmem:$0x29F0];
	v3 =	vcvt.s32.f32 v25;
	v6 =	vor.u32 v7, v6;
	v7 =	vand.u32 $0xFFFFFC00, v39  }
0x93: {  	v25 =	vld [tilespmem:$0x25C0];
	v0 =	vadd.f32 v1, v0;
	v1 =	vsub.f32 v20, v24;
	v6 =	vor.u32 $0x100, v6  }
0x94: {  	v60 =	vld.idx.msk [tilespmem:v13+s2+$0x0], $0xffff;
	v7 =	vor.u32 v7, v10;
	v3 =	vsel vm12, $0xBF800000, v3;
	v10 =	vand.u32 $0x7F, v42  }
0x95: {  	v13 =	vld [tilespmem:$0x25A0];
	v54 =	vand.u32 $0x7FFFFFFF, v5;
	v10 =	vor.u32 v14, v10;
	v14 =	vand.u32 $0x7F, v49  }
0x96: {  	v7 =	vor.u32 $0x100, v7;
	v0 =	vadd.f32 v2, v0;
	v14 =	vor.u32 v18, v14  }
0x97: {  	v20 =	vld [tilespmem:$0x25B0];
	v1 =	vand.u32 $0x7FFFFFFF, v1;
	v10 =	vor.u32 $0x100, v10;
	v52 =	vor.u32 $0x180, v14  }
0x98: {  	v26 =	vld [tilespmem:$0x29D0];
	v14 =	vsel vm8, $0xBF800000, v12;
	v31 =	vnsel vm13, $0x400, v25;
	vm8 =	veq.s32 v36, $0x0  }
0x99: {  	v18 =	vld [tilespmem:$0x29B0];
	v49 =	vcvt.s32.f32 v25;
	v0 =	vadd.f32 v1, v0;
	v1 =	vsub.f32 v21, v30  }
0x9a: {  	v32 =	vld [tilespmem:$0x25E0];
	v21 =	vnsel vm11, $0x400, v13;
	v33 =	vshll.u32 v31, $0x3;
	v45 =	vnsel vm8, $0x400, v38  }
0x9b: {  	v25 =	vld [tilespmem:$0x2A40];
	v34 =	vand.u32 $0x7F, v31;
	v24 =	vshll.u32 v21, $0x3;
	v46 =	vshll.u32 v45, $0x3  }
0x9c: {  	v6 =	vld.idx.msk [tilespmem:v6+s2+$0x0], $0xffff;
	v4 =	vcvt.s32.f32 v20;
	v50 =	vsel vm13, $0xBF800000, v49;
	v1 =	vand.u32 $0x7FFFFFFF, v1  }
0x9d: {  	v9 =	vand.u32 $0xFFFFFC00, v24;
	v0 =	vadd.f32 v1, v0;
	v55 =	vld.idx.msk [tilespmem:v10+s2+$0x0], $0xffff;
	v10 =	vand.u32 $0xFFFFFC00, v56  }
0x9e: {  	v7 =	vld.idx.msk [tilespmem:v7+s2+$0x0], $0xffff;
	v1 =	vsel vm14, $0xBF800000, v58;
	vm12 =	veq.s32 v18, $0x0;
	vm14 =	veq.s32 v26, $0x0  }
0x9f: {  	v30 =	vld [tilespmem:$0x29E0];
	v28 =	vnsel vm12, $0x400, v20;
	v35 =	vnsel vm14, $0x400, v27;
	v4 =	vsel vm12, $0xBF800000, v4  }
0xa0: {  	v2 =	vld.idx.msk [tilespmem:v52+s2+$0x0], $0xffff;
	v53 =	vsel vm14, $0xBF800000, v51;
	vm13 =	veq.s32 v25, $0x0;
	v0 =	vadd.f32 v54, v0  }
0xa1: {  	v52 =	vld [tilespmem:$0x2A00];
	v29 =	vshll.u32 v28, $0x3;
	v37 =	vshll.u32 v35, $0x3;
	v12 =	vand.u32 $0x7F, v35  }
0xa2: {  	v27 =	vld [tilespmem:$0x2640];
	v54 =	vcvt.s32.f32 v32;
	v3 =	vsub.f32 v6, v3;
	v6 =	vor.u32 v10, v57  }
0xa3: {  	v59 =	vld.idx.msk [tilespmem:v11+s2+$0x0], $0xffff;
	v11 =	vand.u32 $0xFFFFFC00, v37;
	v7 =	vsub.f32 v7, v8;
	v6 =	vor.u32 $0x180, v6  }
0xa4: {  	v40 =	vor.u32 v11, v12;
	v3 =	vand.u32 $0x7FFFFFFF, v3;
	v1 =	vsub.f32 v55, v1  }
0xa5: {  	v0 =	vadd.f32 v3, v0;
	v62 =	vand.u32 $0x7FFFFFFF, v7;
	v3 =	vsel vm15, $0xBF800000, v61  }
0xa6: {  	v2 =	vsub.f32 v2, v19;
	v7 =	vcvt.s32.f32 v13;
	vm15 =	veq.s32 v30, $0x0  }
0xa7: {  	v35 =	vld [tilespmem:$0x2660];
	vm9 =	veq.s32 v52, $0x0;
	v51 =	vcvt.s32.f32 v27;
	v1 =	vand.u32 $0x7FFFFFFF, v1  }
0xa8: {  	v63 =	vld [tilespmem:$0x2620];
	v3 =	vsub.f32 v59, v3;
	v41 =	vnsel vm15, $0x400, v32;
	v56 =	vsel vm15, $0xBF800000, v54  }
0xa9: {  	v55 =	vld [tilespmem:$0x2600];
	v59 =	vcvt.s32.f32 v38;
	v0 =	vadd.f32 v62, v0;
	v2 =	vand.u32 $0x7FFFFFFF, v2  }
0xaa: {  	v7 =	vsel vm11, $0xBF800000, v7;
	v42 =	vshll.u32 v41, $0x3;
	v11 =	vand.u32 $0x7F, v41  }
0xab: {  	v52 =	vld [tilespmem:$0x2A70];
	v54 =	vsel vm13, $0xBF800000, v51;
	v3 =	vand.u32 $0x7FFFFFFF, v3;
	v12 =	vand.u32 $0xFFFFFC00, v42  }
0xac: {  	v57 =	vld [tilespmem:$0x2A10];
	v61 =	vsel vm8, $0xBF800000, v59;
	v59 =	vcvt.s32.f32 v35;
	v0 =	vadd.f32 v1, v0  }
0xad: {  	v6 =	vld.idx.msk [tilespmem:v6+s2+$0x0], $0xffff;
	v1 =	vsub.f32 v60, v14;
	v44 =	vor.u32 v12, v11;
	v11 =	vand.u32 $0x7F, v45  }
0xae: {  	v30 =	vld [tilespmem:$0x2650];
	v12 =	vand.u32 $0xFFFFFC00, v46;
	v22 =	vcvt.s32.f32 v55;
	v46 =	vcvt.s32.f32 v63  }
0xaf: {  	v58 =	vld [tilespmem:$0x2610];
	v48 =	vor.u32 v12, v11;
	v0 =	vadd.f32 v3, v0;
	v3 =	vand.u32 $0x7F, v21  }
0xb0: {  	v60 =	vld [tilespmem:$0x2A20];
	vm7 =	veq.s32 v52, $0x0;
	v1 =	vand.u32 $0x7FFFFFFF, v1;
	v3 =	vor.u32 v9, v3  }
0xb1: {  	v9 =	vand.u32 $0xFFFFFC00, v29;
	v0 =	vadd.f32 v1, v0;
	v1 =	vsel vm10, $0xBF800000, v23  }
0xb2: {  	v21 =	vld [tilespmem:$0x2A30];
	v3 =	vor.u32 $0x180, v3;
	v1 =	vsub.f32 v6, v1;
	v6 =	vand.u32 $0x7F, v28  }
0xb3: {  	vm10 =	veq.s32 v57, $0x0;
	v57 =	vcvt.s32.f32 v30;
	v6 =	vor.u32 v9, v6  }
0xb4: {  	v24 =	vld [tilespmem:$0x2630];
	v20 =	vnsel vm10, $0x400, v58;
	v9 =	vand.u32 $0xFFFFFC00, v33;
	v6 =	vor.u32 $0x180, v6  }
0xb5: {  	v29 =	vld [tilespmem:$0x2A50];
	vm11 =	veq.s32 v60, $0x0;
	v0 =	vadd.f32 v2, v0;
	v9 =	vor.u32 v9, v34  }
0xb6: {  	v23 =	vshll.u32 v20, $0x3;
	v26 =	vnsel vm11, $0x400, v63;
	v33 =	vld [tilespmem:$0x2A60];
	v39 =	vor.u32 $0x180, v9  }
0xb7: {  	v1 =	vand.u32 $0x7FFFFFFF, v1;
	v28 =	vshll.u32 v26, $0x3;
	vm12 =	veq.s32 v21, $0x0;
	v3 =	vld.idx.msk [tilespmem:v3+s2+$0x0], $0xffff  }
0xb8: {  	v34 =	vnsel vm13, $0x400, v27;
	v9 =	vor.u32 $0x180, v40;
	v0 =	vadd.f32 v1, v0  }
0xb9: {  	v12 =	vand.u32 $0xFFFFFC00, v28;
	v31 =	vnsel vm12, $0x400, v24;
	v43 =	vld.idx.msk [tilespmem:v6+s2+$0x0], $0xffff;
	v6 =	vor.u32 $0x180, v44  }
0xba: {  	v36 =	vshll.u32 v34, $0x3;
	vm14 =	veq.s32 v29, $0x0;
	v37 =	vand.u32 $0x7F, v34  }
0xbb: {  	v32 =	vshll.u32 v31, $0x3;
	v38 =	vnsel vm14, $0x400, v30;
	vm15 =	veq.s32 v33, $0x0;
	v5 =	vld.idx.msk [tilespmem:v39+s2+$0x0], $0xffff  }
0xbc: {  	v63 =	vld [tilespmem:$0x2690];
	v14 =	vand.u32 $0xFFFFFC00, v32;
	v42 =	vnsel vm15, $0x400, v35;
	v47 =	vsub.f32 v3, v7  }
0xbd: {  	v15 =	vand.u32 $0x7F, v38;
	v9 =	vld.idx.msk [tilespmem:v9+s2+$0x0], $0xffff;
	v39 =	vshll.u32 v38, $0x3;
	v44 =	vand.u32 $0x7F, v42  }
0xbe: {  	v3 =	vor.u32 $0x180, v48;
	v1 =	vand.u32 $0x7FFFFFFF, v47;
	v2 =	vsub.f32 v43, v4;
	v6 =	vld.idx.msk [tilespmem:v6+s2+$0x0], $0xffff  }
0xbf: {  	v7 =	vand.u32 $0xFFFFFC00, v23;
	v48 =	vcvt.s32.f32 v24;
	v0 =	vadd.f32 v1, v0  }
0xc0: {  	v60 =	vld [tilespmem:$0x2A90];
	v43 =	vshll.u32 v42, $0x3;
	v1 =	vsub.f32 v5, v50;
	v2 =	vand.u32 $0x7FFFFFFF, v2  }
0xc1: {  	v21 =	vld [tilespmem:$0x2AA0];
	v42 =	vcvt.s32.f32 v63;
	v5 =	vnsel vm9, $0x400, v55;
	v0 =	vadd.f32 v2, v0  }
0xc2: {  	v45 =	vand.u32 $0xFFFFFC00, v43;
	v1 =	vand.u32 $0x7FFFFFFF, v1;
	v2 =	vsub.f32 v9, v53;
	v53 =	vld [tilespmem:$0x2670]  }
0xc3: {  	v23 =	vld [tilespmem:$0x26A0];
	v62 =	vshll.u32 v5, $0x3;
	v0 =	vadd.f32 v1, v0;
	v1 =	vsub.f32 v6, v56  }
0xc4: {  	v3 =	vld.idx.msk [tilespmem:v3+s2+$0x0], $0xffff;
	v5 =	vand.u32 $0x7F, v5;
	v2 =	vand.u32 $0x7FFFFFFF, v2;
	v6 =	vcvt.s32.f32 v58  }
0xc5: {  	v0 =	vadd.f32 v2, v0;
	v1 =	vand.u32 $0x7FFFFFFF, v1;
	v2 =	vand.u32 $0xFFFFFC00, v62  }
0xc6: {  	v6 =	vsel vm10, $0xBF800000, v6;
	vm10 =	veq.s32 v21, $0x0;
	v2 =	vor.u32 v2, v5  }
0xc7: {  	v58 =	vld [tilespmem:$0x2A80];
	v5 =	vsel vm9, $0xBF800000, v22;
	v62 =	vnsel vm7, $0x400, v53;
	v22 =	vcvt.s32.f32 v53  }
0xc8: {  	vm9 =	veq.s32 v60, $0x0;
	v33 =	vnsel vm10, $0x400, v23;
	v0 =	vadd.f32 v1, v0  }
0xc9: {  	v56 =	vld [tilespmem:$0x2680];
	v1 =	vsub.f32 v3, v61;
	v2 =	vor.u32 $0x200, v2;
	v3 =	vand.u32 $0x7F, v20  }
0xca: {  	v61 =	vsel vm14, $0xBF800000, v57;
	v19 =	vshll.u32 v62, $0x3;
	v27 =	vnsel vm9, $0x400, v63  }
0xcb: {  	v34 =	vshll.u32 v33, $0x3;
	v3 =	vor.u32 v7, v3;
	v7 =	vand.u32 $0x7F, v26  }
0xcc: {  	v28 =	vld [tilespmem:$0x2AB0];
	v20 =	vand.u32 $0xFFFFFC00, v19;
	vm8 =	veq.s32 v58, $0x0;
	v29 =	vshll.u32 v27, $0x3  }
0xcd: {  	v3 =	vor.u32 $0x200, v3;
	v7 =	vor.u32 v12, v7;
	v12 =	vand.u32 $0x7F, v31  }
0xce: {  	v17 =	vld [tilespmem:$0x2710];
	v1 =	vand.u32 $0x7FFFFFFF, v1;
	v24 =	vnsel vm8, $0x400, v56;
	v7 =	vor.u32 $0x200, v7  }
0xcf: {  	v31 =	vld [tilespmem:$0x26C0];
	v12 =	vor.u32 v14, v12;
	v14 =	vand.u32 $0xFFFFFC00, v36;
	v0 =	vadd.f32 v1, v0  }
0xd0: {  	v1 =	vsel vm11, $0xBF800000, v46;
	v26 =	vshll.u32 v24, $0x3;
	v12 =	vor.u32 $0x200, v12;
	v2 =	vld.idx.msk [tilespmem:v2+s2+$0x0], $0xffff  }
0xd1: {  	v25 =	vld [tilespmem:$0x26B0];
	v9 =	vand.u32 $0x7F, v24;
	vm11 =	veq.s32 v28, $0x0;
	v13 =	vor.u32 v14, v37  }
0xd2: {  	v30 =	vld [tilespmem:$0x2AC0];
	v14 =	vand.u32 $0xFFFFFC00, v39;
	v11 =	vand.u32 $0xFFFFFC00, v26;
	v39 =	vcvt.s32.f32 v56  }
0xd3: {  	v19 =	vld [tilespmem:$0x2B10];
	v40 =	vor.u32 $0x200, v13;
	v41 =	vor.u32 v14, v15;
	v9 =	vor.u32 v11, v9  }
0xd4: {  	v14 =	vand.u32 $0xFFFFFC00, v29;
	v13 =	vor.u32 $0x200, v41;
	v9 =	vor.u32 $0x280, v9;
	v3 =	vld.idx.msk [tilespmem:v3+s2+$0x0], $0xffff  }
0xd5: {  	v53 =	vcvt.s32.f32 v31;
	v47 =	vld.idx.msk [tilespmem:v12+s2+$0x0], $0xffff;
	v12 =	vand.u32 $0x7F, v27;
	v2 =	vsub.f32 v2, v5  }
0xd6: {  	v21 =	vld [tilespmem:$0x2B20];
	v5 =	vor.u32 v45, v44;
	v32 =	vor.u32 v14, v12;
	v12 =	vand.u32 $0x7F, v33  }
0xd7: {  	v57 =	vld [tilespmem:$0x2AF0];
	v14 =	vand.u32 $0xFFFFFC00, v34;
	v44 =	vsel vm9, $0xBF800000, v42;
	v45 =	vcvt.s32.f32 v23  }
0xd8: {  	v7 =	vld.idx.msk [tilespmem:v7+s2+$0x0], $0xffff;
	vm9 =	veq.s32 v19, $0x0;
	v5 =	vor.u32 $0x200, v5;
	v11 =	vor.u32 $0x280, v32  }
0xd9: {  	v50 =	vld.idx.msk [tilespmem:v13+s2+$0x0], $0xffff;
	v12 =	vor.u32 v14, v12;
	v13 =	vnsel vm11, $0x400, v25;
	v26 =	vnsel vm9, $0x400, v17  }
0xda: {  	v2 =	vand.u32 $0x7FFFFFFF, v2;
	v3 =	vsub.f32 v3, v6;
	v6 =	vsel vm15, $0xBF800000, v59  }
0xdb: {  	v12 =	vor.u32 $0x280, v12;
	v35 =	vshll.u32 v13, $0x3;
	v13 =	vand.u32 $0x7F, v13  }
0xdc: {  	vm15 =	veq.s32 v57, $0x0;
	v27 =	vshll.u32 v26, $0x3;
	v0 =	vadd.f32 v2, v0  }
0xdd: {  	v23 =	vld [tilespmem:$0x2720];
	v1 =	vsub.f32 v7, v1;
	v2 =	vsel vm12, $0xBF800000, v48;
	vm12 =	veq.s32 v30, $0x0  }
0xde: {  	v14 =	vand.u32 $0xFFFFFC00, v35;
	v48 =	vsel vm10, $0xBF800000, v45;
	vm10 =	veq.s32 v21, $0x0  }
0xdf: {  	v63 =	vld [tilespmem:$0x2700];
	v7 =	vand.u32 $0xFFFFFC00, v27;
	v3 =	vand.u32 $0x7FFFFFFF, v3;
	v2 =	vsub.f32 v47, v2  }
0xe0: {  	v49 =	vld.idx.msk [tilespmem:v40+s2+$0x0], $0xffff;
	v15 =	vnsel vm12, $0x400, v31;
	v13 =	vor.u32 v14, v13;
	v56 =	vsel vm12, $0xBF800000, v53  }
0xe1: {  	v59 =	vld [tilespmem:$0x26F0];
	v0 =	vadd.f32 v3, v0;
	v1 =	vand.u32 $0x7FFFFFFF, v1;
	v36 =	vshll.u32 v15, $0x3  }
0xe2: {  	v57 =	vld [tilespmem:$0x2780];
	v37 =	vand.u32 $0x7F, v15;
	v13 =	vor.u32 $0x280, v13;
	v28 =	vnsel vm10, $0x400, v23  }
0xe3: {  	v51 =	vld [tilespmem:$0x26D0];
	v2 =	vand.u32 $0x7FFFFFFF, v2;
	v38 =	vand.u32 $0xFFFFFC00, v36;
	v29 =	vshll.u32 v28, $0x3  }
0xe4: {  	v34 =	vld [tilespmem:$0x2B30];
	v30 =	vand.u32 $0x7F, v28;
	v36 =	vcvt.s32.f32 v63;
	v0 =	vadd.f32 v1, v0  }
0xe5: {  	v55 =	vld.idx.msk [tilespmem:v5+s2+$0x0], $0xffff;
	v1 =	vsub.f32 v49, v54;
	v14 =	vor.u32 v38, v37;
	v49 =	vcvt.s32.f32 v25  }
0xe6: {  	v9 =	vld.idx.msk [tilespmem:v9+s2+$0x0], $0xffff;
	v18 =	vnsel vm15, $0x400, v59;
	v31 =	vand.u32 $0xFFFFFC00, v29;
	v5 =	vcvt.s32.f32 v59  }
0xe7: {  	v37 =	vld [tilespmem:$0x2730];
	v28 =	vcvt.s32.f32 v57;
	v0 =	vadd.f32 v2, v0;
	v2 =	vand.u32 $0x7F, v62  }
0xe8: {  	v54 =	vld [tilespmem:$0x2AE0];
	v41 =	vor.u32 $0x280, v14;
	v1 =	vand.u32 $0x7FFFFFFF, v1;
	v2 =	vor.u32 v20, v2  }
0xe9: {  	v0 =	vadd.f32 v1, v0;
	v1 =	vsub.f32 v50, v61;
	v2 =	vor.u32 $0x200, v2;
	v50 =	vld [tilespmem:$0x2AD0]  }
0xea: {  	v33 =	vor.u32 v31, v30;
	v52 =	vsel vm11, $0xBF800000, v49;
	v3 =	vsub.f32 v55, v6;
	v55 =	vld [tilespmem:$0x26E0]  }
0xeb: {  	v35 =	vsel vm15, $0xBF800000, v5;
	vm11 =	veq.s32 v34, $0x0;
	v20 =	vshll.u32 v18, $0x3;
	v61 =	vld [tilespmem:$0x2B00]  }
0xec: {  	v40 =	vld.idx.msk [tilespmem:v11+s2+$0x0], $0xffff;
	v6 =	vsel vm7, $0xBF800000, v22;
	v10 =	vcvt.s32.f32 v37;
	v1 =	vand.u32 $0x7FFFFFFF, v1  }
0xed: {  	v59 =	vld [tilespmem:$0x2B80];
	v11 =	vand.u32 $0xFFFFFC00, v20;
	vm14 =	veq.s32 v54, $0x0;
	v0 =	vadd.f32 v1, v0  }
0xee: {  	v3 =	vand.u32 $0x7FFFFFFF, v3;
	v1 =	vsel vm8, $0xBF800000, v39;
	v54 =	vsel vm11, $0xBF800000, v10;
	v2 =	vld.idx.msk [tilespmem:v2+s2+$0x0], $0xffff  }
0xef: {  	v45 =	vld [tilespmem:$0x2B50];
	v1 =	vsub.f32 v9, v1;
	v0 =	vadd.f32 v3, v0;
	vm13 =	veq.s32 v50, $0x0  }
0xf0: {  	v47 =	vld.idx.msk [tilespmem:v41+s2+$0x0], $0xffff;
	v62 =	vnsel vm14, $0x400, v55;
	vm8 =	veq.s32 v61, $0x0;
	v4 =	vcvt.s32.f32 v55  }
0xf1: {  	v41 =	vld [tilespmem:$0x2B40];
	v3 =	vcvt.s32.f32 v17;
	v1 =	vand.u32 $0x7FFFFFFF, v1;
	v58 =	vnsel vm13, $0x400, v51  }
0xf2: {  	v43 =	vld.idx.msk [tilespmem:v12+s2+$0x0], $0xffff;
	v15 =	vshll.u32 v62, $0x3;
	v16 =	vand.u32 $0x7F, v62;
	v22 =	vnsel vm8, $0x400, v63  }
0xf3: {  	v61 =	vld [tilespmem:$0x2B90];
	v38 =	vsel vm8, $0xBF800000, v36;
	vm8 =	veq.s32 v59, $0x0;
	v2 =	vsub.f32 v2, v6  }
0xf4: {  	v50 =	vld [tilespmem:$0x2760];
	v60 =	vshll.u32 v58, $0x3;
	v24 =	vshll.u32 v22, $0x3;
	v12 =	vand.u32 $0x7F, v22  }
0xf5: {  	v46 =	vld.idx.msk [tilespmem:v13+s2+$0x0], $0xffff;
	v4 =	vsel vm14, $0xBF800000, v4;
	v3 =	vsel vm9, $0xBF800000, v3;
	v2 =	vand.u32 $0x7FFFFFFF, v2  }
0xf6: {  	vm12 =	veq.s32 v41, $0x0;
	v6 =	vcvt.s32.f32 v51;
	v51 =	vld [tilespmem:$0x2B70];
	v0 =	vadd.f32 v2, v0  }
0xf7: {  	v53 =	vld [tilespmem:$0x2770];
	v13 =	vnsel vm8, $0x400, v57;
	v31 =	vsel vm8, $0xBF800000, v28;
	v2 =	vsub.f32 v40, v44  }
0xf8: {  	v8 =	vand.u32 $0xFFFFFC00, v60;
	vm9 =	veq.s32 v61, $0x0;
	v0 =	vadd.f32 v1, v0  }
0xf9: {  	v42 =	vld [tilespmem:$0x2740];
	v22 =	vcvt.s32.f32 v50;
	v2 =	vand.u32 $0x7FFFFFFF, v2;
	v1 =	vsub.f32 v43, v48  }
0xfa: {  	v6 =	vsel vm13, $0xBF800000, v6;
	vm13 =	veq.s32 v45, $0x0;
	v0 =	vadd.f32 v2, v0  }
0xfb: {  	vm15 =	veq.s32 v51, $0x0;
	v1 =	vand.u32 $0x7FFFFFFF, v1;
	v2 =	vsub.f32 v46, v52  }
0xfc: {  	v43 =	vcvt.s32.f32 v23;
	v62 =	vnsel vm15, $0x400, v53;
	v0 =	vadd.f32 v1, v0  }
0xfd: {  	v17 =	vshll.u32 v62, $0x3;
	v2 =	vand.u32 $0x7FFFFFFF, v2;
	v1 =	vsub.f32 v47, v56  }
0xfe: {  	v47 =	vnsel vm12, $0x400, v42;
	v0 =	vadd.f32 v2, v0;
	v2 =	vand.u32 $0x7F, v58  }
0xff: {  	v1 =	vand.u32 $0x7FFFFFFF, v1;
	v14 =	vor.u32 v8, v2;
	v2 =	vand.u32 $0xFFFFFC00, v15  }
0x100: {  	v48 =	vld [tilespmem:$0x2B60];
	v8 =	vand.u32 $0x7F, v18;
	v18 =	vshll.u32 v13, $0x3;
	v13 =	vand.u32 $0x7F, v13  }
0x101: {  	v63 =	vld [tilespmem:$0x2790];
	v0 =	vadd.f32 v1, v0;
	v1 =	vor.u32 $0x280, v14;
	v2 =	vor.u32 v2, v16  }
0x102: {  	v46 =	vld [tilespmem:$0x2750];
	v8 =	vor.u32 v11, v8;
	v11 =	vand.u32 $0xFFFFFC00, v24;
	v2 =	vor.u32 $0x280, v2  }
0x103: {  	v5 =	vand.u32 $0xFFFFFC00, v18;
	v8 =	vor.u32 $0x280, v8;
	v11 =	vor.u32 v11, v12  }
0x104: {  	v29 =	vld [tilespmem:$0x2BB0];
	v5 =	vor.u32 v5, v13;
	v25 =	vor.u32 $0x300, v11;
	v11 =	vand.u32 $0x7F, v26  }
0x105: {  	v34 =	vld [tilespmem:$0x2BC0];
	vm14 =	veq.s32 v48, $0x0;
	v5 =	vor.u32 $0x380, v5;
	v7 =	vor.u32 v7, v11  }
0x106: {  	v49 =	vshll.u32 v47, $0x3;
	v58 =	vnsel vm14, $0x400, v50;
	v32 =	vor.u32 $0x300, v7;
	v1 =	vld.idx.msk [tilespmem:v1+s2+$0x0], $0xffff  }
0x107: {  	v55 =	vnsel vm13, $0x400, v46;
	v11 =	vnsel vm9, $0x400, v63;
	v7 =	vor.u32 $0x300, v33;
	v2 =	vld.idx.msk [tilespmem:v2+s2+$0x0], $0xffff  }
0x108: {  	v60 =	vshll.u32 v58, $0x3;
	v56 =	vshll.u32 v55, $0x3;
	v19 =	vshll.u32 v11, $0x3;
	v8 =	vld.idx.msk [tilespmem:v8+s2+$0x0], $0xffff  }
0x109: {  	v14 =	vand.u32 $0x7F, v62;
	v11 =	vand.u32 $0x7F, v11;
	v20 =	vand.u32 $0xFFFFFC00, v19;
	v9 =	vld.idx.msk [tilespmem:v25+s2+$0x0], $0xffff  }
0x10a: {  	v24 =	vsel vm14, $0xBF800000, v22;
	v10 =	vand.u32 $0xFFFFFC00, v56;
	v11 =	vor.u32 v20, v11;
	v5 =	vld.idx.msk [tilespmem:v5+s2+$0x0], $0xffff  }
0x10b: {  	v12 =	vand.u32 $0x7F, v58;
	v11 =	vor.u32 $0x380, v11;
	v39 =	vld.idx.msk [tilespmem:v32+s2+$0x0], $0xffff;
	v1 =	vsub.f32 v1, v6  }
0x10c: {  	v40 =	vld.idx.msk [tilespmem:v7+s2+$0x0], $0xffff;
	v7 =	vcvt.s32.f32 v42;
	v32 =	vcvt.s32.f32 v63;
	v6 =	vand.u32 $0x7F, v47  }
0x10d: {  	v2 =	vsub.f32 v2, v4;
	v4 =	vnsel vm11, $0x400, v37;
	v1 =	vand.u32 $0x7FFFFFFF, v1  }
0x10e: {  	v42 =	vld [tilespmem:$0x2BE0];
	v7 =	vsel vm12, $0xBF800000, v7;
	vm11 =	veq.s32 v29, $0x0;
	v0 =	vadd.f32 v1, v0  }
0x10f: {  	v44 =	vshll.u32 v4, $0x3;
	v2 =	vand.u32 $0x7FFFFFFF, v2;
	v1 =	vsub.f32 v8, v35  }
0x110: {  	vm12 =	veq.s32 v34, $0x0;
	v8 =	vand.u32 $0xFFFFFC00, v44;
	v0 =	vadd.f32 v2, v0  }
0x111: {  	v35 =	vsub.f32 v5, v31;
	v44 =	vld [tilespmem:$0x27E0];
	v1 =	vand.u32 $0x7FFFFFFF, v1;
	v2 =	vsub.f32 v9, v38  }
0x112: {  	v23 =	vld [tilespmem:$0x2BA0];
	v4 =	vand.u32 $0x7F, v4;
	v3 =	vsub.f32 v39, v3;
	v0 =	vadd.f32 v1, v0  }
0x113: {  	v4 =	vor.u32 v8, v4;
	vm14 =	veq.s32 v42, $0x0;
	v2 =	vand.u32 $0x7FFFFFFF, v2  }
0x114: {  	v1 =	vcvt.s32.f32 v46;
	v0 =	vadd.f32 v2, v0;
	v2 =	vsel vm10, $0xBF800000, v43  }
0x115: {  	v37 =	vld [tilespmem:$0x27C0];
	v4 =	vor.u32 $0x300, v4;
	v3 =	vand.u32 $0x7FFFFFFF, v3;
	v2 =	vsub.f32 v40, v2  }
0x116: {  	v25 =	vld [tilespmem:$0x27A0];
	v51 =	vnsel vm14, $0x400, v44;
	v1 =	vsel vm13, $0xBF800000, v1;
	v0 =	vadd.f32 v3, v0  }
0x117: {  	v30 =	vld [tilespmem:$0x27B0];
	vm10 =	veq.s32 v23, $0x0;
	v3 =	vand.u32 $0xFFFFFC00, v49;
	v2 =	vand.u32 $0x7FFFFFFF, v2  }
0x118: {  	v38 =	vld [tilespmem:$0x2BD0];
	v52 =	vor.u32 v3, v6;
	v6 =	vand.u32 $0x7F, v55;
	v0 =	vadd.f32 v2, v0  }
0x119: {  	v39 =	vld [tilespmem:$0x27D0];
	v2 =	vor.u32 $0x300, v52;
	v6 =	vor.u32 v10, v6;
	v10 =	vand.u32 $0xFFFFFC00, v60  }
0x11a: {  	v43 =	vnsel vm12, $0x400, v37;
	v10 =	vor.u32 v10, v12;
	v12 =	vand.u32 $0xFFFFFC00, v17  }
0x11b: {  	v48 =	vld [tilespmem:$0x27F0];
	v33 =	vnsel vm10, $0x400, v25;
	v6 =	vor.u32 $0x300, v6;
	v12 =	vor.u32 v12, v14  }
0x11c: {  	v4 =	vld.idx.msk [tilespmem:v4+s2+$0x0], $0xffff;
	v40 =	vnsel vm11, $0x400, v30;
	v45 =	vshll.u32 v43, $0x3;
	v12 =	vor.u32 $0x300, v12  }
0x11d: {  	v46 =	vld [tilespmem:$0x2BF0];
	vm13 =	veq.s32 v38, $0x0;
	v36 =	vshll.u32 v33, $0x3;
	v9 =	vand.u32 $0x7F, v33  }
0x11e: {  	v41 =	vshll.u32 v40, $0x3;
	v47 =	vnsel vm13, $0x400, v39;
	v10 =	vor.u32 $0x300, v10;
	v2 =	vld.idx.msk [tilespmem:v2+s2+$0x0], $0xffff  }
0x11f: {  	v27 =	vld.idx.msk [tilespmem:v11+s2+$0x0], $0xffff;
	v3 =	vcvt.s32.f32 v53;
	v5 =	vand.u32 $0xFFFFFC00, v36;
	v49 =	vshll.u32 v47, $0x3  }
0x120: {  	v53 =	vand.u32 $0x7F, v51;
	v5 =	vor.u32 v5, v9;
	v9 =	vand.u32 $0xFFFFFC00, v41;
	v6 =	vld.idx.msk [tilespmem:v6+s2+$0x0], $0xffff  }
0x121: {  	v52 =	vshll.u32 v51, $0x3;
	v3 =	vsel vm15, $0xBF800000, v3;
	v4 =	vsub.f32 v4, v54;
	v21 =	vld.idx.msk [tilespmem:v12+s2+$0x0], $0xffff  }
0x122: {  	v5 =	vor.u32 $0x380, v5;
	vm15 =	veq.s32 v46, $0x0;
	v14 =	vand.u32 $0x7F, v47  }
0x123: {  	v54 =	vand.u32 $0xFFFFFC00, v52;
	v4 =	vand.u32 $0x7FFFFFFF, v4;
	v10 =	vld.idx.msk [tilespmem:v10+s2+$0x0], $0xffff;
	v2 =	vsub.f32 v2, v7  }
0x124: {  	v55 =	vnsel vm15, $0x400, v48;
	v0 =	vadd.f32 v4, v0;
	v12 =	vand.u32 $0x7F, v43  }
0x125: {  	v7 =	vsel vm9, $0xBF800000, v32;
	v1 =	vsub.f32 v6, v1;
	v2 =	vand.u32 $0x7FFFFFFF, v2  }
0x126: {  	v26 =	vsub.f32 v21, v3;
	v3 =	vsub.f32 v27, v7;
	v7 =	vand.u32 $0x7F, v40  }
0x127: {  	v0 =	vadd.f32 v2, v0;
	v1 =	vand.u32 $0x7FFFFFFF, v1;
	v7 =	vor.u32 v9, v7  }
0x128: {  	v2 =	vsub.f32 v10, v24;
	v9 =	vand.u32 $0xFFFFFC00, v45;
	v7 =	vor.u32 $0x380, v7  }
0x129: {  	v11 =	vor.u32 v54, v53;
	v0 =	vadd.f32 v1, v0;
	v9 =	vor.u32 v9, v12  }
0x12a: {  	v2 =	vand.u32 $0x7FFFFFFF, v2;
	v12 =	vand.u32 $0xFFFFFC00, v49;
	v9 =	vor.u32 $0x380, v9  }
0x12b: {  	v4 =	vcvt.s32.f32 v25;
	v5 =	vld.idx.msk [tilespmem:v5+s2+$0x0], $0xffff;
	v50 =	vor.u32 v12, v14;
	v0 =	vadd.f32 v2, v0  }
0x12c: {  	v56 =	vshll.u32 v55, $0x3;
	v1 =	vand.u32 $0x7FFFFFFF, v26;
	v10 =	vor.u32 $0x380, v50  }
0x12d: {  	v11 =	vor.u32 $0x380, v11;
	v4 =	vsel vm10, $0xBF800000, v4;
	v0 =	vadd.f32 v1, v0;
	v7 =	vld.idx.msk [tilespmem:v7+s2+$0x0], $0xffff  }
0x12e: {  	v14 =	vand.u32 $0x7F, v55;
	v12 =	vand.u32 $0xFFFFFC00, v56;
	v1 =	vand.u32 $0x7FFFFFFF, v35  }
0x12f: {  	v57 =	vor.u32 v12, v14;
	v2 =	vcvt.s32.f32 v30;
	v0 =	vadd.f32 v1, v0;
	v9 =	vld.idx.msk [tilespmem:v9+s2+$0x0], $0xffff  }
0x130: {  	v4 =	vsub.f32 v5, v4;
	v3 =	vand.u32 $0x7FFFFFFF, v3;
	v1 =	vor.u32 $0x380, v57  }
0x131: {  	v58 =	vcvt.s32.f32 v37;
	v2 =	vsel vm11, $0xBF800000, v2;
	v59 =	vld.idx.msk [tilespmem:v10+s2+$0x0], $0xffff;
	v0 =	vadd.f32 v3, v0  }
0x132: {  	v4 =	vand.u32 $0x7FFFFFFF, v4;
	v2 =	vsub.f32 v7, v2  }
0x133: {  	v60 =	vcvt.s32.f32 v39;
	v61 =	vld.idx.msk [tilespmem:v11+s2+$0x0], $0xffff;
	v3 =	vsel vm12, $0xBF800000, v58;
	v0 =	vadd.f32 v4, v0  }
0x134: {  	v3 =	vsub.f32 v9, v3;
	v2 =	vand.u32 $0x7FFFFFFF, v2  }
0x135: {  	v62 =	vcvt.s32.f32 v44;
	v4 =	vsel vm13, $0xBF800000, v60;
	v1 =	vld.idx.msk [tilespmem:v1+s2+$0x0], $0xffff;
	v0 =	vadd.f32 v2, v0  }
0x136: {  	v4 =	vsub.f32 v59, v4;
	v3 =	vand.u32 $0x7FFFFFFF, v3  }
0x137: {  	v63 =	vcvt.s32.f32 v48;
	v2 =	vsel vm14, $0xBF800000, v62;
	v0 =	vadd.f32 v3, v0  }
0x138: {  	v2 =	vsub.f32 v61, v2;
	v4 =	vand.u32 $0x7FFFFFFF, v4  }
0x139: {  	v3 =	vsel vm15, $0xBF800000, v63;
	v0 =	vadd.f32 v4, v0  }
0x13a: {  	v2 =	vand.u32 $0x7FFFFFFF, v2;
	v1 =	vsub.f32 v1, v3  }
0x13b: {  	v0 =	vadd.f32 v2, v0  }
0x13c: {  	v1 =	vand.u32 $0x7FFFFFFF, v1  }
0x13d: {  	v0 =	vadd.f32 v1, v0;
	_ =	sdelay $0x1  }
0x13e: {  	s31 =	simm.s32 $0x2C80;
	s3 =	sadd.s32 $0x3A00, s10;
	[tilespmem:$0x2C80] =	vst v0  }
0x13f: {  	[hbm4b:s3+s2] =	stream.linear.scatter [tilespmem:s31], [sflag:$0x4], $0x80, $0x38;
	[tilespmem:$0x2D00] =	vst v63  }
0x140: {  	_ =	swait.ge [sflag:s18], $0x80  }
0x141: {  	[sflag:s18] =	ssyncset.done $0x0  }
0x142: {  	[sflag:s18] =	ssyncadd.s32 $0xFFFFFF80  }
0x143: {  	_ =	sfence.sel $0x180000  }
0x144: {  	[bflag:$0x0] =	sbarrier.arrive $0xFFFF  }
0x145: {  	p0 =	sne.s32 s1, $0x0;
	_ =	strace $0x90000047  }
0x146: {  	s0 =	sadd.s32 @!p0 $0x100000, s0;
	[bflag:$0x2] =	sbarrier.arrive $0xFFFF  }
0x147: {  	[sflag:s0] =	ssyncadd.tile.s32 @!p0 $0x1;
	_ =	shalt  }
.Lfunc_end2:
_tile_overlayer_lowered:
.L_overlay_start_2:
0x148: {  	(tag) =	ssettag $0x2  }
0x149: {  	s0 =	rddreg [dreg:$0x0];
	s2 =	stileid.u32  }
0x14a: {  	s1 =	rddreg [dreg:$0x1];
	p0 =	sne.s32 s2, $0x0  }
0x14b: {  	s3 =	rddreg [dreg:$0x2];
	[bflag:$0x3] =	sbarrier.arrive $0xFFFF;
	s2 =	simm.s32 @!p0 $0x1C04  }
0x14c: {  	[timem:s3], [sflag:s2] =	dma.local @!p0 [hbm:s0], s1  }
0x14d: {  	s0 =	simm.s32 @!p0 $0x4  }
0x14e: {  	_ =	swait.ge @!p0 [sflag:s0], s1  }
0x14f: {  	s1 =	ssub.s32 @!p0 $0x0, s1;
	[sflag:s0] =	ssyncset.done @!p0 $0x0  }
0x150: {  	[sflag:s0] =	ssyncadd.s32 @!p0 s1  }
0x151: {  	[bflag:$0x3] =	sbarrier.arrive $0xFFFF  }
0x152: {  	_ =	shalt  }

</sc_bundles>
